<compile_context>
chip_gen: v7x
topology: tpu7x:2x2x1
jax: 0.10.2.dev20260603
libtpu: 0.0.44.dev20260713+nightly
codegen_flags: <defaults>
</compile_context>

<pallas_src>
import functools

import jax
import jax.numpy as jnp
from jax import lax
from jax.experimental import pallas as pl
from jax.experimental.pallas import tpu as pltpu
from jax.experimental.pallas import tpu_sc as plsc

_NUM_CORES = 2
_NUM_SUBCORES = 16
_LANES = 128
_ALIGN = 1024
_PIPE_LAG = 16


def _rel_pos_body(n_q_per_tile, q_len, v_len, dim, max_pos, region_rows,
                  big_hbm, out_hbm, table_v, sem):
  cid = lax.axis_index("c")
  sid = lax.axis_index("s")

  pltpu.sync_copy(big_hbm.at[pl.ds(sid * region_rows, region_rows), :],
                  table_v)

  row_words = v_len * dim
  row_rows = row_words // _LANES
  pad = lax.rem((16 - sid) * 64, _ALIGN)
  q_lo = lax.rem(max_pos - sid, 16)

  copies = []
  for k in range(n_q_per_tile):
    q_row = q_lo + 16 * k
    s = (max_pos - q_row) * dim
    src_row = lax.div(pad + s, _LANES)
    for bb in range(2):
      b = cid * 2 + bb
      r = b * q_len + q_row
      c = pltpu.make_async_copy(
          table_v.at[pl.ds(src_row, row_rows), :],
          out_hbm.at[pl.ds(r * row_rows, row_rows), :],
          sem,
      )
      c.start()
      copies.append(c)
      if len(copies) > _PIPE_LAG:
        copies[len(copies) - 1 - _PIPE_LAG].wait()
  for c in copies[-_PIPE_LAG:]:
    c.wait()


def kernel(q, v, embeddings):
  batch, q_len = q.shape[0], q.shape[1]
  v_len = v.shape[1]
  table_rows, dim = embeddings.shape
  max_pos = (table_rows - 1) // 2

  assert batch == 2 * _NUM_CORES and q_len % _NUM_SUBCORES == 0
  n_q_per_tile = q_len // _NUM_SUBCORES
  assert (v_len * dim) % _LANES == 0

  table_words = table_rows * dim
  region_words = -(-(960 + table_words) // _ALIGN) * _ALIGN
  region_rows = region_words // _LANES

  flat = embeddings.reshape(-1)
  big = jnp.zeros((16 * region_words,), jnp.float32)
  for j in range(16):
    pad = (16 - j) * 64 % _ALIGN
    big = lax.dynamic_update_slice(big, flat, (j * region_words + pad,))
  big2d = big.reshape(-1, _LANES)

  mesh = plsc.VectorSubcoreMesh(core_axis_name="c", subcore_axis_name="s")
  body = functools.partial(
      _rel_pos_body, n_q_per_tile, q_len, v_len, dim, max_pos, region_rows)

  n_rows = batch * q_len
  run = pl.kernel(
      body,
      out_type=jax.ShapeDtypeStruct((n_rows * v_len * dim // _LANES, _LANES),
                                    jnp.float32),
      mesh=mesh,
      scratch_types=[
          pltpu.VMEM((region_rows, _LANES), jnp.float32),
          pltpu.SemaphoreType.DMA,
      ],
  )
  out = run(big2d)
  return out.reshape(batch, q_len, v_len, dim)

# --- scband reference (transcript-rebuilt; emitter-appended) ---
"""Pipeline reference for scband-relative-position-embedding-34368328302694 (READ-ONLY COPY).

The authoritative reference and input builder live on the scoring server;
editing this copy changes nothing except your own understanding.
"""

import jax, jax.numpy as jnp
import numpy as np

MAX_LEN = 512
OUTPUT_DIM = 64
INPUT_DIM = MAX_LEN * 2 - 1  # 1023


def setup_inputs(seed: int = 0) -> dict:
    key = jax.random.key(seed)
    k1, k2, k3 = jax.random.split(key, 3)
    q = jax.random.normal(k1, (4, 512, 512), dtype=jnp.float32)
    v = jax.random.normal(k2, (4, 512, 512), dtype=jnp.float32)
    # Layer initializes embeddings to zeros; use small random values so outputs/grads are nontrivial
    embeddings = jax.random.normal(k3, (INPUT_DIM, OUTPUT_DIM), dtype=jnp.float32) * 0.02
    return {"q": q, "v": v, "embeddings": embeddings}


def reference(q, v, embeddings):
    q_length = q.shape[1]
    v_length = v.shape[1]
    q_idx = jnp.arange(q_length, dtype=jnp.int32)[:, None]
    v_idx = jnp.arange(v_length, dtype=jnp.int32)[None, :]
    position_idx = v_idx - q_idx
    max_position = (INPUT_DIM - 1) // 2
    position_idx = jnp.clip(position_idx, -max_position, max_position)
    position_idx = position_idx + max_position
    emb = jnp.take(embeddings, position_idx, axis=0)  # (Q, V, D)
    batch_size = q.shape[0]
    emb = jnp.broadcast_to(emb[None, :, :, :], (batch_size, q_length, v_length, OUTPUT_DIM))
    return emb

if __name__ == "__main__":
    import jax
    _d = setup_inputs()
    print(jax.jit(kernel)(*tuple(_d.values())))

</pallas_src>

<mosaic_0001>
#map = affine_map<(d0, d1) -> (0, 0)>
module attributes {stable_mosaic.version = 14 : i64} {
  func.func @_rel_pos_body(%arg0: i32, %arg1: i32, %arg2: memref<8320x128xf32, #tpu.memory_space<hbm>>, %arg3: memref<524288x128xf32, #tpu.memory_space<hbm>>, %arg4: memref<520x128xf32, #tpu.memory_space<vmem>>, %arg5: memref<!tpu.dma_semaphore, #tpu.memory_space<semaphore_mem>>) attributes {dimension_semantics = [#tpu.dimension_semantics<core_parallel>, #tpu.dimension_semantics<subcore_parallel>], iteration_bounds = array<i64: 2, 16>, scalar_prefetch = 0 : i64, scratch_operands = 2 : i64, tpu.core_type = #tpu.core_type<sc_vector_subcore>, window_params = [{transform_indices = #map}, {transform_indices = #map}]} {
    %mul3A = arith.constant 520 : i32
    %mul3A_0 = arith.muli %arg1, %mul3A : i32
    "tpu.region"() ({
      %run_scoped3A = tpu.sem_alloc : memref<!tpu.dma_semaphore, #tpu.memory_space<semaphore_mem>>
      %dma_start3A_1893 = arith.constant 0 : i32
      %dma_start3A_1894 = tpu.memref_slice %arg2[%mul3A_0, %dma_start3A_1893] : memref<8320x128xf32, #tpu.memory_space<hbm>> -> memref<520x128xf32, #tpu.memory_space<hbm>>
      %dma_start3A_1895 = arith.constant 0 : i32
      %dma_start3A_1896 = tpu.memref_slice %arg2[%mul3A_0, %dma_start3A_1895] : memref<8320x128xf32, #tpu.memory_space<hbm>> -> memref<520x128xf32, #tpu.memory_space<hbm>>
      tpu.enqueue_dma source(%dma_start3A_1896 : memref<520x128xf32, #tpu.memory_space<hbm>>) target(%arg4 : memref<520x128xf32, #tpu.memory_space<vmem>>) target_semaphore(%run_scoped3A : memref<!tpu.dma_semaphore, #tpu.memory_space<semaphore_mem>>)
      %dma_wait3A_1897 = arith.constant 0 : i32
      %dma_wait3A_1898 = tpu.memref_slice %arg2[%mul3A_0, %dma_wait3A_1897] : memref<8320x128xf32, #tpu.memory_space<hbm>> -> memref<520x128xf32, #tpu.memory_space<hbm>>
      %dma_wait3A_1899 = arith.constant 0 : i32
      %dma_wait3A_1900 = tpu.memref_slice %arg2[%mul3A_0, %dma_wait3A_1899] : memref<8320x128xf32, #tpu.memory_space<hbm>> -> memref<520x128xf32, #tpu.memory_space<hbm>>
      tpu.wait_dma2 semaphore(%run_scoped3A : memref<!tpu.dma_semaphore, #tpu.memory_space<semaphore_mem>>) src(%dma_wait3A_1900 : memref<520x128xf32, #tpu.memory_space<hbm>>) dst(%arg4 : memref<520x128xf32, #tpu.memory_space<vmem>>)
      tpu.yield
    }) : () -> ()
    %sub3A = arith.constant 16 : i32
    %sub3A_1 = arith.subi %sub3A, %arg1 : i32
    %mul3A_2 = arith.constant 64 : i32
    %mul3A_3 = arith.muli %sub3A_1, %mul3A_2 : i32
    %rem3A = arith.constant 1024 : i32
    %rem3A_4 = arith.remsi %mul3A_3, %rem3A : i32
    %sub3A_5 = arith.constant 511 : i32
    %sub3A_6 = arith.subi %sub3A_5, %arg1 : i32
    %rem3A_7 = arith.constant 16 : i32
    %rem3A_8 = arith.remsi %sub3A_6, %rem3A_7 : i32
    %add3A = arith.constant 0 : i32
    %add3A_9 = arith.addi %rem3A_8, %add3A : i32
    %sub3A_10 = arith.constant 511 : i32
    %sub3A_11 = arith.subi %sub3A_10, %add3A_9 : i32
    %mul3A_12 = arith.constant 64 : i32
    %mul3A_13 = arith.muli %sub3A_11, %mul3A_12 : i32
    %add3A_14 = arith.addi %rem3A_4, %mul3A_13 : i32
    %div3A = arith.constant 128 : i32
    %div3A_15 = arith.divsi %add3A_14, %div3A : i32
    %mul3A_16 = arith.constant 2 : i32
    %mul3A_17 = arith.muli %arg0, %mul3A_16 : i32
    %add3A_18 = arith.constant 0 : i32
    %add3A_19 = arith.addi %mul3A_17, %add3A_18 : i32
    %mul3A_20 = arith.constant 512 : i32
    %mul3A_21 = arith.muli %add3A_19, %mul3A_20 : i32
    %add3A_22 = arith.addi %mul3A_21, %add3A_9 : i32
    %mul3A_23 = arith.constant 256 : i32
    %mul3A_24 = arith.muli %add3A_22, %mul3A_23 : i32
    %dma_start3A = arith.constant 0 : i32
    %dma_start3A_25 = tpu.memref_slice %arg4[%div3A_15, %dma_start3A] : memref<520x128xf32, #tpu.memory_space<vmem>> -> memref<256x128xf32, #tpu.memory_space<vmem>>
    %dma_start3A_26 = arith.constant 0 : i32
    %dma_start3A_27 = tpu.memref_slice %arg3[%mul3A_24, %dma_start3A_26] : memref<524288x128xf32, #tpu.memory_space<hbm>> -> memref<256x128xf32, #tpu.memory_space<hbm>>
    %dma_start3A_28 = arith.constant 0 : i32
    %dma_start3A_29 = tpu.memref_slice %arg3[%mul3A_24, %dma_start3A_28] : memref<524288x128xf32, #tpu.memory_space<hbm>> -> memref<256x128xf32, #tpu.memory_space<hbm>>
    %dma_start3A_30 = arith.constant 0 : i32
    %dma_start3A_31 = tpu.memref_slice %arg4[%div3A_15, %dma_start3A_30] : memref<520x128xf32, #tpu.memory_space<vmem>> -> memref<256x128xf32, #tpu.memory_space<vmem>>
    tpu.enqueue_dma source(%dma_start3A_31 : memref<256x128xf32, #tpu.memory_space<vmem>>) target(%dma_start3A_29 : memref<256x128xf32, #tpu.memory_space<hbm>>) target_semaphore(%arg5 : memref<!tpu.dma_semaphore, #tpu.memory_space<semaphore_mem>>)
    %mul3A_32 = arith.constant 2 : i32
    %mul3A_33 = arith.muli %arg0, %mul3A_32 : i32
    %add3A_34 = arith.constant 1 : i32
    %add3A_35 = arith.addi %mul3A_33, %add3A_34 : i32
    %mul3A_36 = arith.constant 512 : i32
    %mul3A_37 = arith.muli %add3A_35, %mul3A_36 : i32
    %add3A_38 = arith.addi %mul3A_37, %add3A_9 : i32
    %mul3A_39 = arith.constant 256 : i32
    %mul3A_40 = arith.muli %add3A_38, %mul3A_39 : i32
    %dma_start3A_41 = arith.constant 0 : i32
    %dma_start3A_42 = tpu.memref_slice %arg4[%div3A_15, %dma_start3A_41] : memref<520x128xf32, #tpu.memory_space<vmem>> -> memref<256x128xf32, #tpu.memory_space<vmem>>
    %dma_start3A_43 = arith.constant 0 : i32
    %dma_start3A_44 = tpu.memref_slice %arg3[%mul3A_40, %dma_start3A_43] : memref<524288x128xf32, #tpu.memory_space<hbm>> -> memref<256x128xf32, #tpu.memory_space<hbm>>
    %dma_start3A_45 = arith.constant 0 : i32
    %dma_start3A_46 = tpu.memref_slice %arg3[%mul3A_40, %dma_start3A_45] : memref<524288x128xf32, #tpu.memory_space<hbm>> -> memref<256x128xf32, #tpu.memory_space<hbm>>
    %dma_start3A_47 = arith.constant 0 : i32
    %dma_start3A_48 = tpu.memref_slice %arg4[%div3A_15, %dma_start3A_47] : memref<520x128xf32, #tpu.memory_space<vmem>> -> memref<256x128xf32, #tpu.memory_space<vmem>>
    tpu.enqueue_dma source(%dma_start3A_48 : memref<256x128xf32, #tpu.memory_space<vmem>>) target(%dma_start3A_46 : memref<256x128xf32, #tpu.memory_space<hbm>>) target_semaphore(%arg5 : memref<!tpu.dma_semaphore, #tpu.memory_space<semaphore_mem>>)
    %add3A_49 = arith.constant 16 : i32
    %add3A_50 = arith.addi %rem3A_8, %add3A_49 : i32
    %sub3A_51 = arith.constant 511 : i32
    %sub3A_52 = arith.subi %sub3A_51, %add3A_50 : i32
    %mul3A_53 = arith.constant 64 : i32
    %mul3A_54 = arith.muli %sub3A_52, %mul3A_53 : i32
    %add3A_55 = arith.addi %rem3A_4, %mul3A_54 : i32
    %div3A_56 = arith.constant 128 : i32
    %div3A_57 = arith.divsi %add3A_55, %div3A_56 : i32
    %mul3A_58 = arith.constant 2 : i32
    %mul3A_59 = arith.muli %arg0, %mul3A_58 : i32
    %add3A_60 = arith.constant 0 : i32
    %add3A_61 = arith.addi %mul3A_59, %add3A_60 : i32
    %mul3A_62 = arith.constant 512 : i32
    %mul3A_63 = arith.muli %add3A_61, %mul3A_62 : i32
    %add3A_64 = arith.addi %mul3A_63, %add3A_50 : i32
    %mul3A_65 = arith.constant 256 : i32
    %mul3A_66 = arith.muli %add3A_64, %mul3A_65 : i32
    %dma_start3A_67 = arith.constant 0 : i32
    %dma_start3A_68 = tpu.memref_slice %arg4[%div3A_57, %dma_start3A_67] : memref<520x128xf32, #tpu.memory_space<vmem>> -> memref<256x128xf32, #tpu.memory_space<vmem>>
    %dma_start3A_69 = arith.constant 0 : i32
    %dma_start3A_70 = tpu.memref_slice %arg3[%mul3A_66, %dma_start3A_69] : memref<524288x128xf32, #tpu.memory_space<hbm>> -> memref<256x128xf32, #tpu.memory_space<hbm>>
    %dma_start3A_71 = arith.constant 0 : i32
    %dma_start3A_72 = tpu.memref_slice %arg3[%mul3A_66, %dma_start3A_71] : memref<524288x128xf32, #tpu.memory_space<hbm>> -> memref<256x128xf32, #tpu.memory_space<hbm>>
    %dma_start3A_73 = arith.constant 0 : i32
    %dma_start3A_74 = tpu.memref_slice %arg4[%div3A_57, %dma_start3A_73] : memref<520x128xf32, #tpu.memory_space<vmem>> -> memref<256x128xf32, #tpu.memory_space<vmem>>
    tpu.enqueue_dma source(%dma_start3A_74 : memref<256x128xf32, #tpu.memory_space<vmem>>) target(%dma_start3A_72 : memref<256x128xf32, #tpu.memory_space<hbm>>) target_semaphore(%arg5 : memref<!tpu.dma_semaphore, #tpu.memory_space<semaphore_mem>>)
    %mul3A_75 = arith.constant 2 : i32
    %mul3A_76 = arith.muli %arg0, %mul3A_75 : i32
    %add3A_77 = arith.constant 1 : i32
    %add3A_78 = arith.addi %mul3A_76, %add3A_77 : i32
    %mul3A_79 = arith.constant 512 : i32
    %mul3A_80 = arith.muli %add3A_78, %mul3A_79 : i32
    %add3A_81 = arith.addi %mul3A_80, %add3A_50 : i32
    %mul3A_82 = arith.constant 256 : i32
    %mul3A_83 = arith.muli %add3A_81, %mul3A_82 : i32
    %dma_start3A_84 = arith.constant 0 : i32
    %dma_start3A_85 = tpu.memref_slice %arg4[%div3A_57, %dma_start3A_84] : memref<520x128xf32, #tpu.memory_space<vmem>> -> memref<256x128xf32, #tpu.memory_space<vmem>>
    %dma_start3A_86 = arith.constant 0 : i32
    %dma_start3A_87 = tpu.memref_slice %arg3[%mul3A_83, %dma_start3A_86] : memref<524288x128xf32, #tpu.memory_space<hbm>> -> memref<256x128xf32, #tpu.memory_space<hbm>>
    %dma_start3A_88 = arith.constant 0 : i32
    %dma_start3A_89 = tpu.memref_slice %arg3[%mul3A_83, %dma_start3A_88] : memref<524288x128xf32, #tpu.memory_space<hbm>> -> memref<256x128xf32, #tpu.memory_space<hbm>>
    %dma_start3A_90 = arith.constant 0 : i32
    %dma_start3A_91 = tpu.memref_slice %arg4[%div3A_57, %dma_start3A_90] : memref<520x128xf32, #tpu.memory_space<vmem>> -> memref<256x128xf32, #tpu.memory_space<vmem>>
    tpu.enqueue_dma source(%dma_start3A_91 : memref<256x128xf32, #tpu.memory_space<vmem>>) target(%dma_start3A_89 : memref<256x128xf32, #tpu.memory_space<hbm>>) target_semaphore(%arg5 : memref<!tpu.dma_semaphore, #tpu.memory_space<semaphore_mem>>)
    %add3A_92 = arith.constant 32 : i32
    %add3A_93 = arith.addi %rem3A_8, %add3A_92 : i32
    %sub3A_94 = arith.constant 511 : i32
    %sub3A_95 = arith.subi %sub3A_94, %add3A_93 : i32
    %mul3A_96 = arith.constant 64 : i32
    %mul3A_97 = arith.muli %sub3A_95, %mul3A_96 : i32
    %add3A_98 = arith.addi %rem3A_4, %mul3A_97 : i32
    %div3A_99 = arith.constant 128 : i32
    %div3A_100 = arith.divsi %add3A_98, %div3A_99 : i32
    %mul3A_101 = arith.constant 2 : i32
    %mul3A_102 = arith.muli %arg0, %mul3A_101 : i32
    %add3A_103 = arith.constant 0 : i32
    %add3A_104 = arith.addi %mul3A_102, %add3A_103 : i32
    %mul3A_105 = arith.constant 512 : i32
    %mul3A_106 = arith.muli %add3A_104, %mul3A_105 : i32
    %add3A_107 = arith.addi %mul3A_106, %add3A_93 : i32
    %mul3A_108 = arith.constant 256 : i32
    %mul3A_109 = arith.muli %add3A_107, %mul3A_108 : i32
    %dma_start3A_110 = arith.constant 0 : i32
    %dma_start3A_111 = tpu.memref_slice %arg4[%div3A_100, %dma_start3A_110] : memref<520x128xf32, #tpu.memory_space<vmem>> -> memref<256x128xf32, #tpu.memory_space<vmem>>
    %dma_start3A_112 = arith.constant 0 : i32
    %dma_start3A_113 = tpu.memref_slice %arg3[%mul3A_109, %dma_start3A_112] : memref<524288x128xf32, #tpu.memory_space<hbm>> -> memref<256x128xf32, #tpu.memory_space<hbm>>
    %dma_start3A_114 = arith.constant 0 : i32
    %dma_start3A_115 = tpu.memref_slice %arg3[%mul3A_109, %dma_start3A_114] : memref<524288x128xf32, #tpu.memory_space<hbm>> -> memref<256x128xf32, #tpu.memory_space<hbm>>
    %dma_start3A_116 = arith.constant 0 : i32
    %dma_start3A_117 = tpu.memref_slice %arg4[%div3A_100, %dma_start3A_116] : memref<520x128xf32, #tpu.memory_space<vmem>> -> memref<256x128xf32, #tpu.memory_space<vmem>>
    tpu.enqueue_dma source(%dma_start3A_117 : memref<256x128xf32, #tpu.memory_space<vmem>>) target(%dma_start3A_115 : memref<256x128xf32, #tpu.memory_space<hbm>>) target_semaphore(%arg5 : memref<!tpu.dma_semaphore, #tpu.memory_space<semaphore_mem>>)
    %mul3A_118 = arith.constant 2 : i32
    %mul3A_119 = arith.muli %arg0, %mul3A_118 : i32
    %add3A_120 = arith.constant 1 : i32
    %add3A_121 = arith.addi %mul3A_119, %add3A_120 : i32
    %mul3A_122 = arith.constant 512 : i32
    %mul3A_123 = arith.muli %add3A_121, %mul3A_122 : i32
    %add3A_124 = arith.addi %mul3A_123, %add3A_93 : i32
    %mul3A_125 = arith.constant 256 : i32
    %mul3A_126 = arith.muli %add3A_124, %mul3A_125 : i32
    %dma_start3A_127 = arith.constant 0 : i32
    %dma_start3A_128 = tpu.memref_slice %arg4[%div3A_100, %dma_start3A_127] : memref<520x128xf32, #tpu.memory_space<vmem>> -> memref<256x128xf32, #tpu.memory_space<vmem>>
    %dma_start3A_129 = arith.constant 0 : i32
    %dma_start3A_130 = tpu.memref_slice %arg3[%mul3A_126, %dma_start3A_129] : memref<524288x128xf32, #tpu.memory_space<hbm>> -> memref<256x128xf32, #tpu.memory_space<hbm>>
    %dma_start3A_131 = arith.constant 0 : i32
    %dma_start3A_132 = tpu.memref_slice %arg3[%mul3A_126, %dma_start3A_131] : memref<524288x128xf32, #tpu.memory_space<hbm>> -> memref<256x128xf32, #tpu.memory_space<hbm>>
    %dma_start3A_133 = arith.constant 0 : i32
    %dma_start3A_134 = tpu.memref_slice %arg4[%div3A_100, %dma_start3A_133] : memref<520x128xf32, #tpu.memory_space<vmem>> -> memref<256x128xf32, #tpu.memory_space<vmem>>
    tpu.enqueue_dma source(%dma_start3A_134 : memref<256x128xf32, #tpu.memory_space<vmem>>) target(%dma_start3A_132 : memref<256x128xf32, #tpu.memory_space<hbm>>) target_semaphore(%arg5 : memref<!tpu.dma_semaphore, #tpu.memory_space<semaphore_mem>>)
    %add3A_135 = arith.constant 48 : i32
    %add3A_136 = arith.addi %rem3A_8, %add3A_135 : i32
    %sub3A_137 = arith.constant 511 : i32
    %sub3A_138 = arith.subi %sub3A_137, %add3A_136 : i32
    %mul3A_139 = arith.constant 64 : i32
    %mul3A_140 = arith.muli %sub3A_138, %mul3A_139 : i32
    %add3A_141 = arith.addi %rem3A_4, %mul3A_140 : i32
    %div3A_142 = arith.constant 128 : i32
    %div3A_143 = arith.divsi %add3A_141, %div3A_142 : i32
    %mul3A_144 = arith.constant 2 : i32
    %mul3A_145 = arith.muli %arg0, %mul3A_144 : i32
    %add3A_146 = arith.constant 0 : i32
    %add3A_147 = arith.addi %mul3A_145, %add3A_146 : i32
    %mul3A_148 = arith.constant 512 : i32
    %mul3A_149 = arith.muli %add3A_147, %mul3A_148 : i32
    %add3A_150 = arith.addi %mul3A_149, %add3A_136 : i32
    %mul3A_151 = arith.constant 256 : i32
    %mul3A_152 = arith.muli %add3A_150, %mul3A_151 : i32
    %dma_start3A_153 = arith.constant 0 : i32
    %dma_start3A_154 = tpu.memref_slice %arg4[%div3A_143, %dma_start3A_153] : memref<520x128xf32, #tpu.memory_space<vmem>> -> memref<256x128xf32, #tpu.memory_space<vmem>>
    %dma_start3A_155 = arith.constant 0 : i32
    %dma_start3A_156 = tpu.memref_slice %arg3[%mul3A_152, %dma_start3A_155] : memref<524288x128xf32, #tpu.memory_space<hbm>> -> memref<256x128xf32, #tpu.memory_space<hbm>>
    %dma_start3A_157 = arith.constant 0 : i32
    %dma_start3A_158 = tpu.memref_slice %arg3[%mul3A_152, %dma_start3A_157] : memref<524288x128xf32, #tpu.memory_space<hbm>> -> memref<256x128xf32, #tpu.memory_space<hbm>>
    %dma_start3A_159 = arith.constant 0 : i32
    %dma_start3A_160 = tpu.memref_slice %arg4[%div3A_143, %dma_start3A_159] : memref<520x128xf32, #tpu.memory_space<vmem>> -> memref<256x128xf32, #tpu.memory_space<vmem>>
    tpu.enqueue_dma source(%dma_start3A_160 : memref<256x128xf32, #tpu.memory_space<vmem>>) target(%dma_start3A_158 : memref<256x128xf32, #tpu.memory_space<hbm>>) target_semaphore(%arg5 : memref<!tpu.dma_semaphore, #tpu.memory_space<semaphore_mem>>)
    %mul3A_161 = arith.constant 2 : i32
    %mul3A_162 = arith.muli %arg0, %mul3A_161 : i32
    %add3A_163 = arith.constant 1 : i32
    %add3A_164 = arith.addi %mul3A_162, %add3A_163 : i32
    %mul3A_165 = arith.constant 512 : i32
    %mul3A_166 = arith.muli %add3A_164, %mul3A_165 : i32
    %add3A_167 = arith.addi %mul3A_166, %add3A_136 : i32
    %mul3A_168 = arith.constant 256 : i32
    %mul3A_169 = arith.muli %add3A_167, %mul3A_168 : i32
    %dma_start3A_170 = arith.constant 0 : i32
    %dma_start3A_171 = tpu.memref_slice %arg4[%div3A_143, %dma_start3A_170] : memref<520x128xf32, #tpu.memory_space<vmem>> -> memref<256x128xf32, #tpu.memory_space<vmem>>
    %dma_start3A_172 = arith.constant 0 : i32
    %dma_start3A_173 = tpu.memref_slice %arg3[%mul3A_169, %dma_start3A_172] : memref<524288x128xf32, #tpu.memory_space<hbm>> -> memref<256x128xf32, #tpu.memory_space<hbm>>
    %dma_start3A_174 = arith.constant 0 : i32
    %dma_start3A_175 = tpu.memref_slice %arg3[%mul3A_169, %dma_start3A_174] : memref<524288x128xf32, #tpu.memory_space<hbm>> -> memref<256x128xf32, #tpu.memory_space<hbm>>
    %dma_start3A_176 = arith.constant 0 : i32
    %dma_start3A_177 = tpu.memref_slice %arg4[%div3A_143, %dma_start3A_176] : memref<520x128xf32, #tpu.memory_space<vmem>> -> memref<256x128xf32, #tpu.memory_space<vmem>>
    tpu.enqueue_dma source(%dma_start3A_177 : memref<256x128xf32, #tpu.memory_space<vmem>>) target(%dma_start3A_175 : memref<256x128xf32, #tpu.memory_space<hbm>>) target_semaphore(%arg5 : memref<!tpu.dma_semaphore, #tpu.memory_space<semaphore_mem>>)
    %add3A_178 = arith.constant 64 : i32
    %add3A_179 = arith.addi %rem3A_8, %add3A_178 : i32
    %sub3A_180 = arith.constant 511 : i32
    %sub3A_181 = arith.subi %sub3A_180, %add3A_179 : i32
    %mul3A_182 = arith.constant 64 : i32
    %mul3A_183 = arith.muli %sub3A_181, %mul3A_182 : i32
    %add3A_184 = arith.addi %rem3A_4, %mul3A_183 : i32
    %div3A_185 = arith.constant 128 : i32
    %div3A_186 = arith.divsi %add3A_184, %div3A_185 : i32
    %mul3A_187 = arith.constant 2 : i32
    %mul3A_188 = arith.muli %arg0, %mul3A_187 : i32
    %add3A_189 = arith.constant 0 : i32
    %add3A_190 = arith.addi %mul3A_188, %add3A_189 : i32
    %mul3A_191 = arith.constant 512 : i32
    %mul3A_192 = arith.muli %add3A_190, %mul3A_191 : i32
    %add3A_193 = arith.addi %mul3A_192, %add3A_179 : i32
    %mul3A_194 = arith.constant 256 : i32
    %mul3A_195 = arith.muli %add3A_193, %mul3A_194 : i32
    %dma_start3A_196 = arith.constant 0 : i32
    %dma_start3A_197 = tpu.memref_slice %arg4[%div3A_186, %dma_start3A_196] : memref<520x128xf32, #tpu.memory_space<vmem>> -> memref<256x128xf32, #tpu.memory_space<vmem>>
    %dma_start3A_198 = arith.constant 0 : i32
    %dma_start3A_199 = tpu.memref_slice %arg3[%mul3A_195, %dma_start3A_198] : memref<524288x128xf32, #tpu.memory_space<hbm>> -> memref<256x128xf32, #tpu.memory_space<hbm>>
    %dma_start3A_200 = arith.constant 0 : i32
    %dma_start3A_201 = tpu.memref_slice %arg3[%mul3A_195, %dma_start3A_200] : memref<524288x128xf32, #tpu.memory_space<hbm>> -> memref<256x128xf32, #tpu.memory_space<hbm>>
    %dma_start3A_202 = arith.constant 0 : i32
    %dma_start3A_203 = tpu.memref_slice %arg4[%div3A_186, %dma_start3A_202] : memref<520x128xf32, #tpu.memory_space<vmem>> -> memref<256x128xf32, #tpu.memory_space<vmem>>
    tpu.enqueue_dma source(%dma_start3A_203 : memref<256x128xf32, #tpu.memory_space<vmem>>) target(%dma_start3A_201 : memref<256x128xf32, #tpu.memory_space<hbm>>) target_semaphore(%arg5 : memref<!tpu.dma_semaphore, #tpu.memory_space<semaphore_mem>>)
    %mul3A_204 = arith.constant 2 : i32
    %mul3A_205 = arith.muli %arg0, %mul3A_204 : i32
    %add3A_206 = arith.constant 1 : i32
    %add3A_207 = arith.addi %mul3A_205, %add3A_206 : i32
    %mul3A_208 = arith.constant 512 : i32
    %mul3A_209 = arith.muli %add3A_207, %mul3A_208 : i32
    %add3A_210 = arith.addi %mul3A_209, %add3A_179 : i32
    %mul3A_211 = arith.constant 256 : i32
    %mul3A_212 = arith.muli %add3A_210, %mul3A_211 : i32
    %dma_start3A_213 = arith.constant 0 : i32
    %dma_start3A_214 = tpu.memref_slice %arg4[%div3A_186, %dma_start3A_213] : memref<520x128xf32, #tpu.memory_space<vmem>> -> memref<256x128xf32, #tpu.memory_space<vmem>>
    %dma_start3A_215 = arith.constant 0 : i32
    %dma_start3A_216 = tpu.memref_slice %arg3[%mul3A_212, %dma_start3A_215] : memref<524288x128xf32, #tpu.memory_space<hbm>> -> memref<256x128xf32, #tpu.memory_space<hbm>>
    %dma_start3A_217 = arith.constant 0 : i32
    %dma_start3A_218 = tpu.memref_slice %arg3[%mul3A_212, %dma_start3A_217] : memref<524288x128xf32, #tpu.memory_space<hbm>> -> memref<256x128xf32, #tpu.memory_space<hbm>>
    %dma_start3A_219 = arith.constant 0 : i32
    %dma_start3A_220 = tpu.memref_slice %arg4[%div3A_186, %dma_start3A_219] : memref<520x128xf32, #tpu.memory_space<vmem>> -> memref<256x128xf32, #tpu.memory_space<vmem>>
    tpu.enqueue_dma source(%dma_start3A_220 : memref<256x128xf32, #tpu.memory_space<vmem>>) target(%dma_start3A_218 : memref<256x128xf32, #tpu.memory_space<hbm>>) target_semaphore(%arg5 : memref<!tpu.dma_semaphore, #tpu.memory_space<semaphore_mem>>)
    %add3A_221 = arith.constant 80 : i32
    %add3A_222 = arith.addi %rem3A_8, %add3A_221 : i32
    %sub3A_223 = arith.constant 511 : i32
    %sub3A_224 = arith.subi %sub3A_223, %add3A_222 : i32
    %mul3A_225 = arith.constant 64 : i32
    %mul3A_226 = arith.muli %sub3A_224, %mul3A_225 : i32
    %add3A_227 = arith.addi %rem3A_4, %mul3A_226 : i32
    %div3A_228 = arith.constant 128 : i32
    %div3A_229 = arith.divsi %add3A_227, %div3A_228 : i32
    %mul3A_230 = arith.constant 2 : i32
    %mul3A_231 = arith.muli %arg0, %mul3A_230 : i32
    %add3A_232 = arith.constant 0 : i32
    %add3A_233 = arith.addi %mul3A_231, %add3A_232 : i32
    %mul3A_234 = arith.constant 512 : i32
    %mul3A_235 = arith.muli %add3A_233, %mul3A_234 : i32
    %add3A_236 = arith.addi %mul3A_235, %add3A_222 : i32
    %mul3A_237 = arith.constant 256 : i32
    %mul3A_238 = arith.muli %add3A_236, %mul3A_237 : i32
    %dma_start3A_239 = arith.constant 0 : i32
    %dma_start3A_240 = tpu.memref_slice %arg4[%div3A_229, %dma_start3A_239] : memref<520x128xf32, #tpu.memory_space<vmem>> -> memref<256x128xf32, #tpu.memory_space<vmem>>
    %dma_start3A_241 = arith.constant 0 : i32
    %dma_start3A_242 = tpu.memref_slice %arg3[%mul3A_238, %dma_start3A_241] : memref<524288x128xf32, #tpu.memory_space<hbm>> -> memref<256x128xf32, #tpu.memory_space<hbm>>
    %dma_start3A_243 = arith.constant 0 : i32
    %dma_start3A_244 = tpu.memref_slice %arg3[%mul3A_238, %dma_start3A_243] : memref<524288x128xf32, #tpu.memory_space<hbm>> -> memref<256x128xf32, #tpu.memory_space<hbm>>
    %dma_start3A_245 = arith.constant 0 : i32
    %dma_start3A_246 = tpu.memref_slice %arg4[%div3A_229, %dma_start3A_245] : memref<520x128xf32, #tpu.memory_space<vmem>> -> memref<256x128xf32, #tpu.memory_space<vmem>>
    tpu.enqueue_dma source(%dma_start3A_246 : memref<256x128xf32, #tpu.memory_space<vmem>>) target(%dma_start3A_244 : memref<256x128xf32, #tpu.memory_space<hbm>>) target_semaphore(%arg5 : memref<!tpu.dma_semaphore, #tpu.memory_space<semaphore_mem>>)
    %mul3A_247 = arith.constant 2 : i32
    %mul3A_248 = arith.muli %arg0, %mul3A_247 : i32
    %add3A_249 = arith.constant 1 : i32
    %add3A_250 = arith.addi %mul3A_248, %add3A_249 : i32
    %mul3A_251 = arith.constant 512 : i32
    %mul3A_252 = arith.muli %add3A_250, %mul3A_251 : i32
    %add3A_253 = arith.addi %mul3A_252, %add3A_222 : i32
    %mul3A_254 = arith.constant 256 : i32
    %mul3A_255 = arith.muli %add3A_253, %mul3A_254 : i32
    %dma_start3A_256 = arith.constant 0 : i32
    %dma_start3A_257 = tpu.memref_slice %arg4[%div3A_229, %dma_start3A_256] : memref<520x128xf32, #tpu.memory_space<vmem>> -> memref<256x128xf32, #tpu.memory_space<vmem>>
    %dma_start3A_258 = arith.constant 0 : i32
    %dma_start3A_259 = tpu.memref_slice %arg3[%mul3A_255, %dma_start3A_258] : memref<524288x128xf32, #tpu.memory_space<hbm>> -> memref<256x128xf32, #tpu.memory_space<hbm>>
    %dma_start3A_260 = arith.constant 0 : i32
    %dma_start3A_261 = tpu.memref_slice %arg3[%mul3A_255, %dma_start3A_260] : memref<524288x128xf32, #tpu.memory_space<hbm>> -> memref<256x128xf32, #tpu.memory_space<hbm>>
    %dma_start3A_262 = arith.constant 0 : i32
    %dma_start3A_263 = tpu.memref_slice %arg4[%div3A_229, %dma_start3A_262] : memref<520x128xf32, #tpu.memory_space<vmem>> -> memref<256x128xf32, #tpu.memory_space<vmem>>
    tpu.enqueue_dma source(%dma_start3A_263 : memref<256x128xf32, #tpu.memory_space<vmem>>) target(%dma_start3A_261 : memref<256x128xf32, #tpu.memory_space<hbm>>) target_semaphore(%arg5 : memref<!tpu.dma_semaphore, #tpu.memory_space<semaphore_mem>>)
    %add3A_264 = arith.constant 96 : i32
    %add3A_265 = arith.addi %rem3A_8, %add3A_264 : i32
    %sub3A_266 = arith.constant 511 : i32
    %sub3A_267 = arith.subi %sub3A_266, %add3A_265 : i32
    %mul3A_268 = arith.constant 64 : i32
    %mul3A_269 = arith.muli %sub3A_267, %mul3A_268 : i32
    %add3A_270 = arith.addi %rem3A_4, %mul3A_269 : i32
    %div3A_271 = arith.constant 128 : i32
    %div3A_272 = arith.divsi %add3A_270, %div3A_271 : i32
    %mul3A_273 = arith.constant 2 : i32
    %mul3A_274 = arith.muli %arg0, %mul3A_273 : i32
    %add3A_275 = arith.constant 0 : i32
    %add3A_276 = arith.addi %mul3A_274, %add3A_275 : i32
    %mul3A_277 = arith.constant 512 : i32
    %mul3A_278 = arith.muli %add3A_276, %mul3A_277 : i32
    %add3A_279 = arith.addi %mul3A_278, %add3A_265 : i32
    %mul3A_280 = arith.constant 256 : i32
    %mul3A_281 = arith.muli %add3A_279, %mul3A_280 : i32
    %dma_start3A_282 = arith.constant 0 : i32
    %dma_start3A_283 = tpu.memref_slice %arg4[%div3A_272, %dma_start3A_282] : memref<520x128xf32, #tpu.memory_space<vmem>> -> memref<256x128xf32, #tpu.memory_space<vmem>>
    %dma_start3A_284 = arith.constant 0 : i32
    %dma_start3A_285 = tpu.memref_slice %arg3[%mul3A_281, %dma_start3A_284] : memref<524288x128xf32, #tpu.memory_space<hbm>> -> memref<256x128xf32, #tpu.memory_space<hbm>>
    %dma_start3A_286 = arith.constant 0 : i32
    %dma_start3A_287 = tpu.memref_slice %arg3[%mul3A_281, %dma_start3A_286] : memref<524288x128xf32, #tpu.memory_space<hbm>> -> memref<256x128xf32, #tpu.memory_space<hbm>>
    %dma_start3A_288 = arith.constant 0 : i32
    %dma_start3A_289 = tpu.memref_slice %arg4[%div3A_272, %dma_start3A_288] : memref<520x128xf32, #tpu.memory_space<vmem>> -> memref<256x128xf32, #tpu.memory_space<vmem>>
    tpu.enqueue_dma source(%dma_start3A_289 : memref<256x128xf32, #tpu.memory_space<vmem>>) target(%dma_start3A_287 : memref<256x128xf32, #tpu.memory_space<hbm>>) target_semaphore(%arg5 : memref<!tpu.dma_semaphore, #tpu.memory_space<semaphore_mem>>)
    %mul3A_290 = arith.constant 2 : i32
    %mul3A_291 = arith.muli %arg0, %mul3A_290 : i32
    %add3A_292 = arith.constant 1 : i32
    %add3A_293 = arith.addi %mul3A_291, %add3A_292 : i32
    %mul3A_294 = arith.constant 512 : i32
    %mul3A_295 = arith.muli %add3A_293, %mul3A_294 : i32
    %add3A_296 = arith.addi %mul3A_295, %add3A_265 : i32
    %mul3A_297 = arith.constant 256 : i32
    %mul3A_298 = arith.muli %add3A_296, %mul3A_297 : i32
    %dma_start3A_299 = arith.constant 0 : i32
    %dma_start3A_300 = tpu.memref_slice %arg4[%div3A_272, %dma_start3A_299] : memref<520x128xf32, #tpu.memory_space<vmem>> -> memref<256x128xf32, #tpu.memory_space<vmem>>
    %dma_start3A_301 = arith.constant 0 : i32
    %dma_start3A_302 = tpu.memref_slice %arg3[%mul3A_298, %dma_start3A_301] : memref<524288x128xf32, #tpu.memory_space<hbm>> -> memref<256x128xf32, #tpu.memory_space<hbm>>
    %dma_start3A_303 = arith.constant 0 : i32
    %dma_start3A_304 = tpu.memref_slice %arg3[%mul3A_298, %dma_start3A_303] : memref<524288x128xf32, #tpu.memory_space<hbm>> -> memref<256x128xf32, #tpu.memory_space<hbm>>
    %dma_start3A_305 = arith.constant 0 : i32
    %dma_start3A_306 = tpu.memref_slice %arg4[%div3A_272, %dma_start3A_305] : memref<520x128xf32, #tpu.memory_space<vmem>> -> memref<256x128xf32, #tpu.memory_space<vmem>>
    tpu.enqueue_dma source(%dma_start3A_306 : memref<256x128xf32, #tpu.memory_space<vmem>>) target(%dma_start3A_304 : memref<256x128xf32, #tpu.memory_space<hbm>>) target_semaphore(%arg5 : memref<!tpu.dma_semaphore, #tpu.memory_space<semaphore_mem>>)
    %add3A_307 = arith.constant 112 : i32
    %add3A_308 = arith.addi %rem3A_8, %add3A_307 : i32
    %sub3A_309 = arith.constant 511 : i32
    %sub3A_310 = arith.subi %sub3A_309, %add3A_308 : i32
    %mul3A_311 = arith.constant 64 : i32
    %mul3A_312 = arith.muli %sub3A_310, %mul3A_311 : i32
    %add3A_313 = arith.addi %rem3A_4, %mul3A_312 : i32
    %div3A_314 = arith.constant 128 : i32
    %div3A_315 = arith.divsi %add3A_313, %div3A_314 : i32
    %mul3A_316 = arith.constant 2 : i32
    %mul3A_317 = arith.muli %arg0, %mul3A_316 : i32
    %add3A_318 = arith.constant 0 : i32
    %add3A_319 = arith.addi %mul3A_317, %add3A_318 : i32
    %mul3A_320 = arith.constant 512 : i32
    %mul3A_321 = arith.muli %add3A_319, %mul3A_320 : i32
    %add3A_322 = arith.addi %mul3A_321, %add3A_308 : i32
    %mul3A_323 = arith.constant 256 : i32
    %mul3A_324 = arith.muli %add3A_322, %mul3A_323 : i32
    %dma_start3A_325 = arith.constant 0 : i32
    %dma_start3A_326 = tpu.memref_slice %arg4[%div3A_315, %dma_start3A_325] : memref<520x128xf32, #tpu.memory_space<vmem>> -> memref<256x128xf32, #tpu.memory_space<vmem>>
    %dma_start3A_327 = arith.constant 0 : i32
    %dma_start3A_328 = tpu.memref_slice %arg3[%mul3A_324, %dma_start3A_327] : memref<524288x128xf32, #tpu.memory_space<hbm>> -> memref<256x128xf32, #tpu.memory_space<hbm>>
    %dma_start3A_329 = arith.constant 0 : i32
    %dma_start3A_330 = tpu.memref_slice %arg3[%mul3A_324, %dma_start3A_329] : memref<524288x128xf32, #tpu.memory_space<hbm>> -> memref<256x128xf32, #tpu.memory_space<hbm>>
    %dma_start3A_331 = arith.constant 0 : i32
    %dma_start3A_332 = tpu.memref_slice %arg4[%div3A_315, %dma_start3A_331] : memref<520x128xf32, #tpu.memory_space<vmem>> -> memref<256x128xf32, #tpu.memory_space<vmem>>
    tpu.enqueue_dma source(%dma_start3A_332 : memref<256x128xf32, #tpu.memory_space<vmem>>) target(%dma_start3A_330 : memref<256x128xf32, #tpu.memory_space<hbm>>) target_semaphore(%arg5 : memref<!tpu.dma_semaphore, #tpu.memory_space<semaphore_mem>>)
    %mul3A_333 = arith.constant 2 : i32
    %mul3A_334 = arith.muli %arg0, %mul3A_333 : i32
    %add3A_335 = arith.constant 1 : i32
    %add3A_336 = arith.addi %mul3A_334, %add3A_335 : i32
    %mul3A_337 = arith.constant 512 : i32
    %mul3A_338 = arith.muli %add3A_336, %mul3A_337 : i32
    %add3A_339 = arith.addi %mul3A_338, %add3A_308 : i32
    %mul3A_340 = arith.constant 256 : i32
    %mul3A_341 = arith.muli %add3A_339, %mul3A_340 : i32
    %dma_start3A_342 = arith.constant 0 : i32
    %dma_start3A_343 = tpu.memref_slice %arg4[%div3A_315, %dma_start3A_342] : memref<520x128xf32, #tpu.memory_space<vmem>> -> memref<256x128xf32, #tpu.memory_space<vmem>>
    %dma_start3A_344 = arith.constant 0 : i32
    %dma_start3A_345 = tpu.memref_slice %arg3[%mul3A_341, %dma_start3A_344] : memref<524288x128xf32, #tpu.memory_space<hbm>> -> memref<256x128xf32, #tpu.memory_space<hbm>>
    %dma_start3A_346 = arith.constant 0 : i32
    %dma_start3A_347 = tpu.memref_slice %arg3[%mul3A_341, %dma_start3A_346] : memref<524288x128xf32, #tpu.memory_space<hbm>> -> memref<256x128xf32, #tpu.memory_space<hbm>>
    %dma_start3A_348 = arith.constant 0 : i32
    %dma_start3A_349 = tpu.memref_slice %arg4[%div3A_315, %dma_start3A_348] : memref<520x128xf32, #tpu.memory_space<vmem>> -> memref<256x128xf32, #tpu.memory_space<vmem>>
    tpu.enqueue_dma source(%dma_start3A_349 : memref<256x128xf32, #tpu.memory_space<vmem>>) target(%dma_start3A_347 : memref<256x128xf32, #tpu.memory_space<hbm>>) target_semaphore(%arg5 : memref<!tpu.dma_semaphore, #tpu.memory_space<semaphore_mem>>)
    %add3A_350 = arith.constant 128 : i32
    %add3A_351 = arith.addi %rem3A_8, %add3A_350 : i32
    %sub3A_352 = arith.constant 511 : i32
    %sub3A_353 = arith.subi %sub3A_352, %add3A_351 : i32
    %mul3A_354 = arith.constant 64 : i32
    %mul3A_355 = arith.muli %sub3A_353, %mul3A_354 : i32
    %add3A_356 = arith.addi %rem3A_4, %mul3A_355 : i32
    %div3A_357 = arith.constant 128 : i32
    %div3A_358 = arith.divsi %add3A_356, %div3A_357 : i32
    %mul3A_359 = arith.constant 2 : i32
    %mul3A_360 = arith.muli %arg0, %mul3A_359 : i32
    %add3A_361 = arith.constant 0 : i32
    %add3A_362 = arith.addi %mul3A_360, %add3A_361 : i32
    %mul3A_363 = arith.constant 512 : i32
    %mul3A_364 = arith.muli %add3A_362, %mul3A_363 : i32
    %add3A_365 = arith.addi %mul3A_364, %add3A_351 : i32
    %mul3A_366 = arith.constant 256 : i32
    %mul3A_367 = arith.muli %add3A_365, %mul3A_366 : i32
    %dma_start3A_368 = arith.constant 0 : i32
    %dma_start3A_369 = tpu.memref_slice %arg4[%div3A_358, %dma_start3A_368] : memref<520x128xf32, #tpu.memory_space<vmem>> -> memref<256x128xf32, #tpu.memory_space<vmem>>
    %dma_start3A_370 = arith.constant 0 : i32
    %dma_start3A_371 = tpu.memref_slice %arg3[%mul3A_367, %dma_start3A_370] : memref<524288x128xf32, #tpu.memory_space<hbm>> -> memref<256x128xf32, #tpu.memory_space<hbm>>
    %dma_start3A_372 = arith.constant 0 : i32
    %dma_start3A_373 = tpu.memref_slice %arg3[%mul3A_367, %dma_start3A_372] : memref<524288x128xf32, #tpu.memory_space<hbm>> -> memref<256x128xf32, #tpu.memory_space<hbm>>
    %dma_start3A_374 = arith.constant 0 : i32
    %dma_start3A_375 = tpu.memref_slice %arg4[%div3A_358, %dma_start3A_374] : memref<520x128xf32, #tpu.memory_space<vmem>> -> memref<256x128xf32, #tpu.memory_space<vmem>>
    tpu.enqueue_dma source(%dma_start3A_375 : memref<256x128xf32, #tpu.memory_space<vmem>>) target(%dma_start3A_373 : memref<256x128xf32, #tpu.memory_space<hbm>>) target_semaphore(%arg5 : memref<!tpu.dma_semaphore, #tpu.memory_space<semaphore_mem>>)
    %dma_wait3A = arith.constant 0 : i32
    %dma_wait3A_376 = tpu.memref_slice %arg4[%div3A_15, %dma_wait3A] : memref<520x128xf32, #tpu.memory_space<vmem>> -> memref<256x128xf32, #tpu.memory_space<vmem>>
    %dma_wait3A_377 = arith.constant 0 : i32
    %dma_wait3A_378 = tpu.memref_slice %arg3[%mul3A_24, %dma_wait3A_377] : memref<524288x128xf32, #tpu.memory_space<hbm>> -> memref<256x128xf32, #tpu.memory_space<hbm>>
    %dma_wait3A_379 = arith.constant 0 : i32
    %dma_wait3A_380 = tpu.memref_slice %arg3[%mul3A_24, %dma_wait3A_379] : memref<524288x128xf32, #tpu.memory_space<hbm>> -> memref<256x128xf32, #tpu.memory_space<hbm>>
    %dma_wait3A_381 = arith.constant 0 : i32
    %dma_wait3A_382 = tpu.memref_slice %arg4[%div3A_15, %dma_wait3A_381] : memref<520x128xf32, #tpu.memory_space<vmem>> -> memref<256x128xf32, #tpu.memory_space<vmem>>
    tpu.wait_dma2 semaphore(%arg5 : memref<!tpu.dma_semaphore, #tpu.memory_space<semaphore_mem>>) src(%dma_wait3A_382 : memref<256x128xf32, #tpu.memory_space<vmem>>) dst(%dma_wait3A_380 : memref<256x128xf32, #tpu.memory_space<hbm>>)
    %mul3A_383 = arith.constant 2 : i32
    %mul3A_384 = arith.muli %arg0, %mul3A_383 : i32
    %add3A_385 = arith.constant 1 : i32
    %add3A_386 = arith.addi %mul3A_384, %add3A_385 : i32
    %mul3A_387 = arith.constant 512 : i32
    %mul3A_388 = arith.muli %add3A_386, %mul3A_387 : i32
    %add3A_389 = arith.addi %mul3A_388, %add3A_351 : i32
    %mul3A_390 = arith.constant 256 : i32
    %mul3A_391 = arith.muli %add3A_389, %mul3A_390 : i32
    %dma_start3A_392 = arith.constant 0 : i32
    %dma_start3A_393 = tpu.memref_slice %arg4[%div3A_358, %dma_start3A_392] : memref<520x128xf32, #tpu.memory_space<vmem>> -> memref<256x128xf32, #tpu.memory_space<vmem>>
    %dma_start3A_394 = arith.constant 0 : i32
    %dma_start3A_395 = tpu.memref_slice %arg3[%mul3A_391, %dma_start3A_394] : memref<524288x128xf32, #tpu.memory_space<hbm>> -> memref<256x128xf32, #tpu.memory_space<hbm>>
    %dma_start3A_396 = arith.constant 0 : i32
    %dma_start3A_397 = tpu.memref_slice %arg3[%mul3A_391, %dma_start3A_396] : memref<524288x128xf32, #tpu.memory_space<hbm>> -> memref<256x128xf32, #tpu.memory_space<hbm>>
    %dma_start3A_398 = arith.constant 0 : i32
    %dma_start3A_399 = tpu.memref_slice %arg4[%div3A_358, %dma_start3A_398] : memref<520x128xf32, #tpu.memory_space<vmem>> -> memref<256x128xf32, #tpu.memory_space<vmem>>
    tpu.enqueue_dma source(%dma_start3A_399 : memref<256x128xf32, #tpu.memory_space<vmem>>) target(%dma_start3A_397 : memref<256x128xf32, #tpu.memory_space<hbm>>) target_semaphore(%arg5 : memref<!tpu.dma_semaphore, #tpu.memory_space<semaphore_mem>>)
    %dma_wait3A_400 = arith.constant 0 : i32
    %dma_wait3A_401 = tpu.memref_slice %arg4[%div3A_15, %dma_wait3A_400] : memref<520x128xf32, #tpu.memory_space<vmem>> -> memref<256x128xf32, #tpu.memory_space<vmem>>
    %dma_wait3A_402 = arith.constant 0 : i32
    %dma_wait3A_403 = tpu.memref_slice %arg3[%mul3A_40, %dma_wait3A_402] : memref<524288x128xf32, #tpu.memory_space<hbm>> -> memref<256x128xf32, #tpu.memory_space<hbm>>
    %dma_wait3A_404 = arith.constant 0 : i32
    %dma_wait3A_405 = tpu.memref_slice %arg3[%mul3A_40, %dma_wait3A_404] : memref<524288x128xf32, #tpu.memory_space<hbm>> -> memref<256x128xf32, #tpu.memory_space<hbm>>
    %dma_wait3A_406 = arith.constant 0 : i32
    %dma_wait3A_407 = tpu.memref_slice %arg4[%div3A_15, %dma_wait3A_406] : memref<520x128xf32, #tpu.memory_space<vmem>> -> memref<256x128xf32, #tpu.memory_space<vmem>>
    tpu.wait_dma2 semaphore(%arg5 : memref<!tpu.dma_semaphore, #tpu.memory_space<semaphore_mem>>) src(%dma_wait3A_407 : memref<256x128xf32, #tpu.memory_space<vmem>>) dst(%dma_wait3A_405 : memref<256x128xf32, #tpu.memory_space<hbm>>)
    %add3A_408 = arith.constant 144 : i32
    %add3A_409 = arith.addi %rem3A_8, %add3A_408 : i32
    %sub3A_410 = arith.constant 511 : i32
    %sub3A_411 = arith.subi %sub3A_410, %add3A_409 : i32
    %mul3A_412 = arith.constant 64 : i32
    %mul3A_413 = arith.muli %sub3A_411, %mul3A_412 : i32
    %add3A_414 = arith.addi %rem3A_4, %mul3A_413 : i32
    %div3A_415 = arith.constant 128 : i32
    %div3A_416 = arith.divsi %add3A_414, %div3A_415 : i32
    %mul3A_417 = arith.constant 2 : i32
    %mul3A_418 = arith.muli %arg0, %mul3A_417 : i32
    %add3A_419 = arith.constant 0 : i32
    %add3A_420 = arith.addi %mul3A_418, %add3A_419 : i32
    %mul3A_421 = arith.constant 512 : i32
    %mul3A_422 = arith.muli %add3A_420, %mul3A_421 : i32
    %add3A_423 = arith.addi %mul3A_422, %add3A_409 : i32
    %mul3A_424 = arith.constant 256 : i32
    %mul3A_425 = arith.muli %add3A_423, %mul3A_424 : i32
    %dma_start3A_426 = arith.constant 0 : i32
    %dma_start3A_427 = tpu.memref_slice %arg4[%div3A_416, %dma_start3A_426] : memref<520x128xf32, #tpu.memory_space<vmem>> -> memref<256x128xf32, #tpu.memory_space<vmem>>
    %dma_start3A_428 = arith.constant 0 : i32
    %dma_start3A_429 = tpu.memref_slice %arg3[%mul3A_425, %dma_start3A_428] : memref<524288x128xf32, #tpu.memory_space<hbm>> -> memref<256x128xf32, #tpu.memory_space<hbm>>
    %dma_start3A_430 = arith.constant 0 : i32
    %dma_start3A_431 = tpu.memref_slice %arg3[%mul3A_425, %dma_start3A_430] : memref<524288x128xf32, #tpu.memory_space<hbm>> -> memref<256x128xf32, #tpu.memory_space<hbm>>
    %dma_start3A_432 = arith.constant 0 : i32
    %dma_start3A_433 = tpu.memref_slice %arg4[%div3A_416, %dma_start3A_432] : memref<520x128xf32, #tpu.memory_space<vmem>> -> memref<256x128xf32, #tpu.memory_space<vmem>>
    tpu.enqueue_dma source(%dma_start3A_433 : memref<256x128xf32, #tpu.memory_space<vmem>>) target(%dma_start3A_431 : memref<256x128xf32, #tpu.memory_space<hbm>>) target_semaphore(%arg5 : memref<!tpu.dma_semaphore, #tpu.memory_space<semaphore_mem>>)
    %dma_wait3A_434 = arith.constant 0 : i32
    %dma_wait3A_435 = tpu.memref_slice %arg4[%div3A_57, %dma_wait3A_434] : memref<520x128xf32, #tpu.memory_space<vmem>> -> memref<256x128xf32, #tpu.memory_space<vmem>>
    %dma_wait3A_436 = arith.constant 0 : i32
    %dma_wait3A_437 = tpu.memref_slice %arg3[%mul3A_66, %dma_wait3A_436] : memref<524288x128xf32, #tpu.memory_space<hbm>> -> memref<256x128xf32, #tpu.memory_space<hbm>>
    %dma_wait3A_438 = arith.constant 0 : i32
    %dma_wait3A_439 = tpu.memref_slice %arg3[%mul3A_66, %dma_wait3A_438] : memref<524288x128xf32, #tpu.memory_space<hbm>> -> memref<256x128xf32, #tpu.memory_space<hbm>>
    %dma_wait3A_440 = arith.constant 0 : i32
    %dma_wait3A_441 = tpu.memref_slice %arg4[%div3A_57, %dma_wait3A_440] : memref<520x128xf32, #tpu.memory_space<vmem>> -> memref<256x128xf32, #tpu.memory_space<vmem>>
    tpu.wait_dma2 semaphore(%arg5 : memref<!tpu.dma_semaphore, #tpu.memory_space<semaphore_mem>>) src(%dma_wait3A_441 : memref<256x128xf32, #tpu.memory_space<vmem>>) dst(%dma_wait3A_439 : memref<256x128xf32, #tpu.memory_space<hbm>>)
    %mul3A_442 = arith.constant 2 : i32
    %mul3A_443 = arith.muli %arg0, %mul3A_442 : i32
    %add3A_444 = arith.constant 1 : i32
    %add3A_445 = arith.addi %mul3A_443, %add3A_444 : i32
    %mul3A_446 = arith.constant 512 : i32
    %mul3A_447 = arith.muli %add3A_445, %mul3A_446 : i32
    %add3A_448 = arith.addi %mul3A_447, %add3A_409 : i32
    %mul3A_449 = arith.constant 256 : i32
    %mul3A_450 = arith.muli %add3A_448, %mul3A_449 : i32
    %dma_start3A_451 = arith.constant 0 : i32
    %dma_start3A_452 = tpu.memref_slice %arg4[%div3A_416, %dma_start3A_451] : memref<520x128xf32, #tpu.memory_space<vmem>> -> memref<256x128xf32, #tpu.memory_space<vmem>>
    %dma_start3A_453 = arith.constant 0 : i32
    %dma_start3A_454 = tpu.memref_slice %arg3[%mul3A_450, %dma_start3A_453] : memref<524288x128xf32, #tpu.memory_space<hbm>> -> memref<256x128xf32, #tpu.memory_space<hbm>>
    %dma_start3A_455 = arith.constant 0 : i32
    %dma_start3A_456 = tpu.memref_slice %arg3[%mul3A_450, %dma_start3A_455] : memref<524288x128xf32, #tpu.memory_space<hbm>> -> memref<256x128xf32, #tpu.memory_space<hbm>>
    %dma_start3A_457 = arith.constant 0 : i32
    %dma_start3A_458 = tpu.memref_slice %arg4[%div3A_416, %dma_start3A_457] : memref<520x128xf32, #tpu.memory_space<vmem>> -> memref<256x128xf32, #tpu.memory_space<vmem>>
    tpu.enqueue_dma source(%dma_start3A_458 : memref<256x128xf32, #tpu.memory_space<vmem>>) target(%dma_start3A_456 : memref<256x128xf32, #tpu.memory_space<hbm>>) target_semaphore(%arg5 : memref<!tpu.dma_semaphore, #tpu.memory_space<semaphore_mem>>)
    %dma_wait3A_459 = arith.constant 0 : i32
    %dma_wait3A_460 = tpu.memref_slice %arg4[%div3A_57, %dma_wait3A_459] : memref<520x128xf32, #tpu.memory_space<vmem>> -> memref<256x128xf32, #tpu.memory_space<vmem>>
    %dma_wait3A_461 = arith.constant 0 : i32
    %dma_wait3A_462 = tpu.memref_slice %arg3[%mul3A_83, %dma_wait3A_461] : memref<524288x128xf32, #tpu.memory_space<hbm>> -> memref<256x128xf32, #tpu.memory_space<hbm>>
    %dma_wait3A_463 = arith.constant 0 : i32
    %dma_wait3A_464 = tpu.memref_slice %arg3[%mul3A_83, %dma_wait3A_463] : memref<524288x128xf32, #tpu.memory_space<hbm>> -> memref<256x128xf32, #tpu.memory_space<hbm>>
    %dma_wait3A_465 = arith.constant 0 : i32
    %dma_wait3A_466 = tpu.memref_slice %arg4[%div3A_57, %dma_wait3A_465] : memref<520x128xf32, #tpu.memory_space<vmem>> -> memref<256x128xf32, #tpu.memory_space<vmem>>
    tpu.wait_dma2 semaphore(%arg5 : memref<!tpu.dma_semaphore, #tpu.memory_space<semaphore_mem>>) src(%dma_wait3A_466 : memref<256x128xf32, #tpu.memory_space<vmem>>) dst(%dma_wait3A_464 : memref<256x128xf32, #tpu.memory_space<hbm>>)
    %add3A_467 = arith.constant 160 : i32
    %add3A_468 = arith.addi %rem3A_8, %add3A_467 : i32
    %sub3A_469 = arith.constant 511 : i32
    %sub3A_470 = arith.subi %sub3A_469, %add3A_468 : i32
    %mul3A_471 = arith.constant 64 : i32
    %mul3A_472 = arith.muli %sub3A_470, %mul3A_471 : i32
    %add3A_473 = arith.addi %rem3A_4, %mul3A_472 : i32
    %div3A_474 = arith.constant 128 : i32
    %div3A_475 = arith.divsi %add3A_473, %div3A_474 : i32
    %mul3A_476 = arith.constant 2 : i32
    %mul3A_477 = arith.muli %arg0, %mul3A_476 : i32
    %add3A_478 = arith.constant 0 : i32
    %add3A_479 = arith.addi %mul3A_477, %add3A_478 : i32
    %mul3A_480 = arith.constant 512 : i32
    %mul3A_481 = arith.muli %add3A_479, %mul3A_480 : i32
    %add3A_482 = arith.addi %mul3A_481, %add3A_468 : i32
    %mul3A_483 = arith.constant 256 : i32
    %mul3A_484 = arith.muli %add3A_482, %mul3A_483 : i32
    %dma_start3A_485 = arith.constant 0 : i32
    %dma_start3A_486 = tpu.memref_slice %arg4[%div3A_475, %dma_start3A_485] : memref<520x128xf32, #tpu.memory_space<vmem>> -> memref<256x128xf32, #tpu.memory_space<vmem>>
    %dma_start3A_487 = arith.constant 0 : i32
    %dma_start3A_488 = tpu.memref_slice %arg3[%mul3A_484, %dma_start3A_487] : memref<524288x128xf32, #tpu.memory_space<hbm>> -> memref<256x128xf32, #tpu.memory_space<hbm>>
    %dma_start3A_489 = arith.constant 0 : i32
    %dma_start3A_490 = tpu.memref_slice %arg3[%mul3A_484, %dma_start3A_489] : memref<524288x128xf32, #tpu.memory_space<hbm>> -> memref<256x128xf32, #tpu.memory_space<hbm>>
    %dma_start3A_491 = arith.constant 0 : i32
    %dma_start3A_492 = tpu.memref_slice %arg4[%div3A_475, %dma_start3A_491] : memref<520x128xf32, #tpu.memory_space<vmem>> -> memref<256x128xf32, #tpu.memory_space<vmem>>
    tpu.enqueue_dma source(%dma_start3A_492 : memref<256x128xf32, #tpu.memory_space<vmem>>) target(%dma_start3A_490 : memref<256x128xf32, #tpu.memory_space<hbm>>) target_semaphore(%arg5 : memref<!tpu.dma_semaphore, #tpu.memory_space<semaphore_mem>>)
    %dma_wait3A_493 = arith.constant 0 : i32
    %dma_wait3A_494 = tpu.memref_slice %arg4[%div3A_100, %dma_wait3A_493] : memref<520x128xf32, #tpu.memory_space<vmem>> -> memref<256x128xf32, #tpu.memory_space<vmem>>
    %dma_wait3A_495 = arith.constant 0 : i32
    %dma_wait3A_496 = tpu.memref_slice %arg3[%mul3A_109, %dma_wait3A_495] : memref<524288x128xf32, #tpu.memory_space<hbm>> -> memref<256x128xf32, #tpu.memory_space<hbm>>
    %dma_wait3A_497 = arith.constant 0 : i32
    %dma_wait3A_498 = tpu.memref_slice %arg3[%mul3A_109, %dma_wait3A_497] : memref<524288x128xf32, #tpu.memory_space<hbm>> -> memref<256x128xf32, #tpu.memory_space<hbm>>
    %dma_wait3A_499 = arith.constant 0 : i32
    %dma_wait3A_500 = tpu.memref_slice %arg4[%div3A_100, %dma_wait3A_499] : memref<520x128xf32, #tpu.memory_space<vmem>> -> memref<256x128xf32, #tpu.memory_space<vmem>>
    tpu.wait_dma2 semaphore(%arg5 : memref<!tpu.dma_semaphore, #tpu.memory_space<semaphore_mem>>) src(%dma_wait3A_500 : memref<256x128xf32, #tpu.memory_space<vmem>>) dst(%dma_wait3A_498 : memref<256x128xf32, #tpu.memory_space<hbm>>)
    %mul3A_501 = arith.constant 2 : i32
    %mul3A_502 = arith.muli %arg0, %mul3A_501 : i32
    %add3A_503 = arith.constant 1 : i32
    %add3A_504 = arith.addi %mul3A_502, %add3A_503 : i32
    %mul3A_505 = arith.constant 512 : i32
    %mul3A_506 = arith.muli %add3A_504, %mul3A_505 : i32
    %add3A_507 = arith.addi %mul3A_506, %add3A_468 : i32
    %mul3A_508 = arith.constant 256 : i32
    %mul3A_509 = arith.muli %add3A_507, %mul3A_508 : i32
    %dma_start3A_510 = arith.constant 0 : i32
    %dma_start3A_511 = tpu.memref_slice %arg4[%div3A_475, %dma_start3A_510] : memref<520x128xf32, #tpu.memory_space<vmem>> -> memref<256x128xf32, #tpu.memory_space<vmem>>
    %dma_start3A_512 = arith.constant 0 : i32
    %dma_start3A_513 = tpu.memref_slice %arg3[%mul3A_509, %dma_start3A_512] : memref<524288x128xf32, #tpu.memory_space<hbm>> -> memref<256x128xf32, #tpu.memory_space<hbm>>
    %dma_start3A_514 = arith.constant 0 : i32
    %dma_start3A_515 = tpu.memref_slice %arg3[%mul3A_509, %dma_start3A_514] : memref<524288x128xf32, #tpu.memory_space<hbm>> -> memref<256x128xf32, #tpu.memory_space<hbm>>
    %dma_start3A_516 = arith.constant 0 : i32
    %dma_start3A_517 = tpu.memref_slice %arg4[%div3A_475, %dma_start3A_516] : memref<520x128xf32, #tpu.memory_space<vmem>> -> memref<256x128xf32, #tpu.memory_space<vmem>>
    tpu.enqueue_dma source(%dma_start3A_517 : memref<256x128xf32, #tpu.memory_space<vmem>>) target(%dma_start3A_515 : memref<256x128xf32, #tpu.memory_space<hbm>>) target_semaphore(%arg5 : memref<!tpu.dma_semaphore, #tpu.memory_space<semaphore_mem>>)
    %dma_wait3A_518 = arith.constant 0 : i32
    %dma_wait3A_519 = tpu.memref_slice %arg4[%div3A_100, %dma_wait3A_518] : memref<520x128xf32, #tpu.memory_space<vmem>> -> memref<256x128xf32, #tpu.memory_space<vmem>>
    %dma_wait3A_520 = arith.constant 0 : i32
    %dma_wait3A_521 = tpu.memref_slice %arg3[%mul3A_126, %dma_wait3A_520] : memref<524288x128xf32, #tpu.memory_space<hbm>> -> memref<256x128xf32, #tpu.memory_space<hbm>>
    %dma_wait3A_522 = arith.constant 0 : i32
    %dma_wait3A_523 = tpu.memref_slice %arg3[%mul3A_126, %dma_wait3A_522] : memref<524288x128xf32, #tpu.memory_space<hbm>> -> memref<256x128xf32, #tpu.memory_space<hbm>>
    %dma_wait3A_524 = arith.constant 0 : i32
    %dma_wait3A_525 = tpu.memref_slice %arg4[%div3A_100, %dma_wait3A_524] : memref<520x128xf32, #tpu.memory_space<vmem>> -> memref<256x128xf32, #tpu.memory_space<vmem>>
    tpu.wait_dma2 semaphore(%arg5 : memref<!tpu.dma_semaphore, #tpu.memory_space<semaphore_mem>>) src(%dma_wait3A_525 : memref<256x128xf32, #tpu.memory_space<vmem>>) dst(%dma_wait3A_523 : memref<256x128xf32, #tpu.memory_space<hbm>>)
    %add3A_526 = arith.constant 176 : i32
    %add3A_527 = arith.addi %rem3A_8, %add3A_526 : i32
    %sub3A_528 = arith.constant 511 : i32
    %sub3A_529 = arith.subi %sub3A_528, %add3A_527 : i32
    %mul3A_530 = arith.constant 64 : i32
    %mul3A_531 = arith.muli %sub3A_529, %mul3A_530 : i32
    %add3A_532 = arith.addi %rem3A_4, %mul3A_531 : i32
    %div3A_533 = arith.constant 128 : i32
    %div3A_534 = arith.divsi %add3A_532, %div3A_533 : i32
    %mul3A_535 = arith.constant 2 : i32
    %mul3A_536 = arith.muli %arg0, %mul3A_535 : i32
    %add3A_537 = arith.constant 0 : i32
    %add3A_538 = arith.addi %mul3A_536, %add3A_537 : i32
    %mul3A_539 = arith.constant 512 : i32
    %mul3A_540 = arith.muli %add3A_538, %mul3A_539 : i32
    %add3A_541 = arith.addi %mul3A_540, %add3A_527 : i32
    %mul3A_542 = arith.constant 256 : i32
    %mul3A_543 = arith.muli %add3A_541, %mul3A_542 : i32
    %dma_start3A_544 = arith.constant 0 : i32
    %dma_start3A_545 = tpu.memref_slice %arg4[%div3A_534, %dma_start3A_544] : memref<520x128xf32, #tpu.memory_space<vmem>> -> memref<256x128xf32, #tpu.memory_space<vmem>>
    %dma_start3A_546 = arith.constant 0 : i32
    %dma_start3A_547 = tpu.memref_slice %arg3[%mul3A_543, %dma_start3A_546] : memref<524288x128xf32, #tpu.memory_space<hbm>> -> memref<256x128xf32, #tpu.memory_space<hbm>>
    %dma_start3A_548 = arith.constant 0 : i32
    %dma_start3A_549 = tpu.memref_slice %arg3[%mul3A_543, %dma_start3A_548] : memref<524288x128xf32, #tpu.memory_space<hbm>> -> memref<256x128xf32, #tpu.memory_space<hbm>>
    %dma_start3A_550 = arith.constant 0 : i32
    %dma_start3A_551 = tpu.memref_slice %arg4[%div3A_534, %dma_start3A_550] : memref<520x128xf32, #tpu.memory_space<vmem>> -> memref<256x128xf32, #tpu.memory_space<vmem>>
    tpu.enqueue_dma source(%dma_start3A_551 : memref<256x128xf32, #tpu.memory_space<vmem>>) target(%dma_start3A_549 : memref<256x128xf32, #tpu.memory_space<hbm>>) target_semaphore(%arg5 : memref<!tpu.dma_semaphore, #tpu.memory_space<semaphore_mem>>)
    %dma_wait3A_552 = arith.constant 0 : i32
    %dma_wait3A_553 = tpu.memref_slice %arg4[%div3A_143, %dma_wait3A_552] : memref<520x128xf32, #tpu.memory_space<vmem>> -> memref<256x128xf32, #tpu.memory_space<vmem>>
    %dma_wait3A_554 = arith.constant 0 : i32
    %dma_wait3A_555 = tpu.memref_slice %arg3[%mul3A_152, %dma_wait3A_554] : memref<524288x128xf32, #tpu.memory_space<hbm>> -> memref<256x128xf32, #tpu.memory_space<hbm>>
    %dma_wait3A_556 = arith.constant 0 : i32
    %dma_wait3A_557 = tpu.memref_slice %arg3[%mul3A_152, %dma_wait3A_556] : memref<524288x128xf32, #tpu.memory_space<hbm>> -> memref<256x128xf32, #tpu.memory_space<hbm>>
    %dma_wait3A_558 = arith.constant 0 : i32
    %dma_wait3A_559 = tpu.memref_slice %arg4[%div3A_143, %dma_wait3A_558] : memref<520x128xf32, #tpu.memory_space<vmem>> -> memref<256x128xf32, #tpu.memory_space<vmem>>
    tpu.wait_dma2 semaphore(%arg5 : memref<!tpu.dma_semaphore, #tpu.memory_space<semaphore_mem>>) src(%dma_wait3A_559 : memref<256x128xf32, #tpu.memory_space<vmem>>) dst(%dma_wait3A_557 : memref<256x128xf32, #tpu.memory_space<hbm>>)
    %mul3A_560 = arith.constant 2 : i32
    %mul3A_561 = arith.muli %arg0, %mul3A_560 : i32
    %add3A_562 = arith.constant 1 : i32
    %add3A_563 = arith.addi %mul3A_561, %add3A_562 : i32
    %mul3A_564 = arith.constant 512 : i32
    %mul3A_565 = arith.muli %add3A_563, %mul3A_564 : i32
    %add3A_566 = arith.addi %mul3A_565, %add3A_527 : i32
    %mul3A_567 = arith.constant 256 : i32
    %mul3A_568 = arith.muli %add3A_566, %mul3A_567 : i32
    %dma_start3A_569 = arith.constant 0 : i32
    %dma_start3A_570 = tpu.memref_slice %arg4[%div3A_534, %dma_start3A_569] : memref<520x128xf32, #tpu.memory_space<vmem>> -> memref<256x128xf32, #tpu.memory_space<vmem>>
    %dma_start3A_571 = arith.constant 0 : i32
    %dma_start3A_572 = tpu.memref_slice %arg3[%mul3A_568, %dma_start3A_571] : memref<524288x128xf32, #tpu.memory_space<hbm>> -> memref<256x128xf32, #tpu.memory_space<hbm>>
    %dma_start3A_573 = arith.constant 0 : i32
    %dma_start3A_574 = tpu.memref_slice %arg3[%mul3A_568, %dma_start3A_573] : memref<524288x128xf32, #tpu.memory_space<hbm>> -> memref<256x128xf32, #tpu.memory_space<hbm>>
    %dma_start3A_575 = arith.constant 0 : i32
    %dma_start3A_576 = tpu.memref_slice %arg4[%div3A_534, %dma_start3A_575] : memref<520x128xf32, #tpu.memory_space<vmem>> -> memref<256x128xf32, #tpu.memory_space<vmem>>
    tpu.enqueue_dma source(%dma_start3A_576 : memref<256x128xf32, #tpu.memory_space<vmem>>) target(%dma_start3A_574 : memref<256x128xf32, #tpu.memory_space<hbm>>) target_semaphore(%arg5 : memref<!tpu.dma_semaphore, #tpu.memory_space<semaphore_mem>>)
    %dma_wait3A_577 = arith.constant 0 : i32
    %dma_wait3A_578 = tpu.memref_slice %arg4[%div3A_143, %dma_wait3A_577] : memref<520x128xf32, #tpu.memory_space<vmem>> -> memref<256x128xf32, #tpu.memory_space<vmem>>
    %dma_wait3A_579 = arith.constant 0 : i32
    %dma_wait3A_580 = tpu.memref_slice %arg3[%mul3A_169, %dma_wait3A_579] : memref<524288x128xf32, #tpu.memory_space<hbm>> -> memref<256x128xf32, #tpu.memory_space<hbm>>
    %dma_wait3A_581 = arith.constant 0 : i32
    %dma_wait3A_582 = tpu.memref_slice %arg3[%mul3A_169, %dma_wait3A_581] : memref<524288x128xf32, #tpu.memory_space<hbm>> -> memref<256x128xf32, #tpu.memory_space<hbm>>
    %dma_wait3A_583 = arith.constant 0 : i32
    %dma_wait3A_584 = tpu.memref_slice %arg4[%div3A_143, %dma_wait3A_583] : memref<520x128xf32, #tpu.memory_space<vmem>> -> memref<256x128xf32, #tpu.memory_space<vmem>>
    tpu.wait_dma2 semaphore(%arg5 : memref<!tpu.dma_semaphore, #tpu.memory_space<semaphore_mem>>) src(%dma_wait3A_584 : memref<256x128xf32, #tpu.memory_space<vmem>>) dst(%dma_wait3A_582 : memref<256x128xf32, #tpu.memory_space<hbm>>)
    %add3A_585 = arith.constant 192 : i32
    %add3A_586 = arith.addi %rem3A_8, %add3A_585 : i32
    %sub3A_587 = arith.constant 511 : i32
    %sub3A_588 = arith.subi %sub3A_587, %add3A_586 : i32
    %mul3A_589 = arith.constant 64 : i32
    %mul3A_590 = arith.muli %sub3A_588, %mul3A_589 : i32
    %add3A_591 = arith.addi %rem3A_4, %mul3A_590 : i32
    %div3A_592 = arith.constant 128 : i32
    %div3A_593 = arith.divsi %add3A_591, %div3A_592 : i32
    %mul3A_594 = arith.constant 2 : i32
    %mul3A_595 = arith.muli %arg0, %mul3A_594 : i32
    %add3A_596 = arith.constant 0 : i32
    %add3A_597 = arith.addi %mul3A_595, %add3A_596 : i32
    %mul3A_598 = arith.constant 512 : i32
    %mul3A_599 = arith.muli %add3A_597, %mul3A_598 : i32
    %add3A_600 = arith.addi %mul3A_599, %add3A_586 : i32
    %mul3A_601 = arith.constant 256 : i32
    %mul3A_602 = arith.muli %add3A_600, %mul3A_601 : i32
    %dma_start3A_603 = arith.constant 0 : i32
    %dma_start3A_604 = tpu.memref_slice %arg4[%div3A_593, %dma_start3A_603] : memref<520x128xf32, #tpu.memory_space<vmem>> -> memref<256x128xf32, #tpu.memory_space<vmem>>
    %dma_start3A_605 = arith.constant 0 : i32
    %dma_start3A_606 = tpu.memref_slice %arg3[%mul3A_602, %dma_start3A_605] : memref<524288x128xf32, #tpu.memory_space<hbm>> -> memref<256x128xf32, #tpu.memory_space<hbm>>
    %dma_start3A_607 = arith.constant 0 : i32
    %dma_start3A_608 = tpu.memref_slice %arg3[%mul3A_602, %dma_start3A_607] : memref<524288x128xf32, #tpu.memory_space<hbm>> -> memref<256x128xf32, #tpu.memory_space<hbm>>
    %dma_start3A_609 = arith.constant 0 : i32
    %dma_start3A_610 = tpu.memref_slice %arg4[%div3A_593, %dma_start3A_609] : memref<520x128xf32, #tpu.memory_space<vmem>> -> memref<256x128xf32, #tpu.memory_space<vmem>>
    tpu.enqueue_dma source(%dma_start3A_610 : memref<256x128xf32, #tpu.memory_space<vmem>>) target(%dma_start3A_608 : memref<256x128xf32, #tpu.memory_space<hbm>>) target_semaphore(%arg5 : memref<!tpu.dma_semaphore, #tpu.memory_space<semaphore_mem>>)
    %dma_wait3A_611 = arith.constant 0 : i32
    %dma_wait3A_612 = tpu.memref_slice %arg4[%div3A_186, %dma_wait3A_611] : memref<520x128xf32, #tpu.memory_space<vmem>> -> memref<256x128xf32, #tpu.memory_space<vmem>>
    %dma_wait3A_613 = arith.constant 0 : i32
    %dma_wait3A_614 = tpu.memref_slice %arg3[%mul3A_195, %dma_wait3A_613] : memref<524288x128xf32, #tpu.memory_space<hbm>> -> memref<256x128xf32, #tpu.memory_space<hbm>>
    %dma_wait3A_615 = arith.constant 0 : i32
    %dma_wait3A_616 = tpu.memref_slice %arg3[%mul3A_195, %dma_wait3A_615] : memref<524288x128xf32, #tpu.memory_space<hbm>> -> memref<256x128xf32, #tpu.memory_space<hbm>>
    %dma_wait3A_617 = arith.constant 0 : i32
    %dma_wait3A_618 = tpu.memref_slice %arg4[%div3A_186, %dma_wait3A_617] : memref<520x128xf32, #tpu.memory_space<vmem>> -> memref<256x128xf32, #tpu.memory_space<vmem>>
    tpu.wait_dma2 semaphore(%arg5 : memref<!tpu.dma_semaphore, #tpu.memory_space<semaphore_mem>>) src(%dma_wait3A_618 : memref<256x128xf32, #tpu.memory_space<vmem>>) dst(%dma_wait3A_616 : memref<256x128xf32, #tpu.memory_space<hbm>>)
    %mul3A_619 = arith.constant 2 : i32
    %mul3A_620 = arith.muli %arg0, %mul3A_619 : i32
    %add3A_621 = arith.constant 1 : i32
    %add3A_622 = arith.addi %mul3A_620, %add3A_621 : i32
    %mul3A_623 = arith.constant 512 : i32
    %mul3A_624 = arith.muli %add3A_622, %mul3A_623 : i32
    %add3A_625 = arith.addi %mul3A_624, %add3A_586 : i32
    %mul3A_626 = arith.constant 256 : i32
    %mul3A_627 = arith.muli %add3A_625, %mul3A_626 : i32
    %dma_start3A_628 = arith.constant 0 : i32
    %dma_start3A_629 = tpu.memref_slice %arg4[%div3A_593, %dma_start3A_628] : memref<520x128xf32, #tpu.memory_space<vmem>> -> memref<256x128xf32, #tpu.memory_space<vmem>>
    %dma_start3A_630 = arith.constant 0 : i32
    %dma_start3A_631 = tpu.memref_slice %arg3[%mul3A_627, %dma_start3A_630] : memref<524288x128xf32, #tpu.memory_space<hbm>> -> memref<256x128xf32, #tpu.memory_space<hbm>>
    %dma_start3A_632 = arith.constant 0 : i32
    %dma_start3A_633 = tpu.memref_slice %arg3[%mul3A_627, %dma_start3A_632] : memref<524288x128xf32, #tpu.memory_space<hbm>> -> memref<256x128xf32, #tpu.memory_space<hbm>>
    %dma_start3A_634 = arith.constant 0 : i32
    %dma_start3A_635 = tpu.memref_slice %arg4[%div3A_593, %dma_start3A_634] : memref<520x128xf32, #tpu.memory_space<vmem>> -> memref<256x128xf32, #tpu.memory_space<vmem>>
    tpu.enqueue_dma source(%dma_start3A_635 : memref<256x128xf32, #tpu.memory_space<vmem>>) target(%dma_start3A_633 : memref<256x128xf32, #tpu.memory_space<hbm>>) target_semaphore(%arg5 : memref<!tpu.dma_semaphore, #tpu.memory_space<semaphore_mem>>)
    %dma_wait3A_636 = arith.constant 0 : i32
    %dma_wait3A_637 = tpu.memref_slice %arg4[%div3A_186, %dma_wait3A_636] : memref<520x128xf32, #tpu.memory_space<vmem>> -> memref<256x128xf32, #tpu.memory_space<vmem>>
    %dma_wait3A_638 = arith.constant 0 : i32
    %dma_wait3A_639 = tpu.memref_slice %arg3[%mul3A_212, %dma_wait3A_638] : memref<524288x128xf32, #tpu.memory_space<hbm>> -> memref<256x128xf32, #tpu.memory_space<hbm>>
    %dma_wait3A_640 = arith.constant 0 : i32
    %dma_wait3A_641 = tpu.memref_slice %arg3[%mul3A_212, %dma_wait3A_640] : memref<524288x128xf32, #tpu.memory_space<hbm>> -> memref<256x128xf32, #tpu.memory_space<hbm>>
    %dma_wait3A_642 = arith.constant 0 : i32
    %dma_wait3A_643 = tpu.memref_slice %arg4[%div3A_186, %dma_wait3A_642] : memref<520x128xf32, #tpu.memory_space<vmem>> -> memref<256x128xf32, #tpu.memory_space<vmem>>
    tpu.wait_dma2 semaphore(%arg5 : memref<!tpu.dma_semaphore, #tpu.memory_space<semaphore_mem>>) src(%dma_wait3A_643 : memref<256x128xf32, #tpu.memory_space<vmem>>) dst(%dma_wait3A_641 : memref<256x128xf32, #tpu.memory_space<hbm>>)
    %add3A_644 = arith.constant 208 : i32
    %add3A_645 = arith.addi %rem3A_8, %add3A_644 : i32
    %sub3A_646 = arith.constant 511 : i32
    %sub3A_647 = arith.subi %sub3A_646, %add3A_645 : i32
    %mul3A_648 = arith.constant 64 : i32
    %mul3A_649 = arith.muli %sub3A_647, %mul3A_648 : i32
    %add3A_650 = arith.addi %rem3A_4, %mul3A_649 : i32
    %div3A_651 = arith.constant 128 : i32
    %div3A_652 = arith.divsi %add3A_650, %div3A_651 : i32
    %mul3A_653 = arith.constant 2 : i32
    %mul3A_654 = arith.muli %arg0, %mul3A_653 : i32
    %add3A_655 = arith.constant 0 : i32
    %add3A_656 = arith.addi %mul3A_654, %add3A_655 : i32
    %mul3A_657 = arith.constant 512 : i32
    %mul3A_658 = arith.muli %add3A_656, %mul3A_657 : i32
    %add3A_659 = arith.addi %mul3A_658, %add3A_645 : i32
    %mul3A_660 = arith.constant 256 : i32
    %mul3A_661 = arith.muli %add3A_659, %mul3A_660 : i32
    %dma_start3A_662 = arith.constant 0 : i32
    %dma_start3A_663 = tpu.memref_slice %arg4[%div3A_652, %dma_start3A_662] : memref<520x128xf32, #tpu.memory_space<vmem>> -> memref<256x128xf32, #tpu.memory_space<vmem>>
    %dma_start3A_664 = arith.constant 0 : i32
    %dma_start3A_665 = tpu.memref_slice %arg3[%mul3A_661, %dma_start3A_664] : memref<524288x128xf32, #tpu.memory_space<hbm>> -> memref<256x128xf32, #tpu.memory_space<hbm>>
    %dma_start3A_666 = arith.constant 0 : i32
    %dma_start3A_667 = tpu.memref_slice %arg3[%mul3A_661, %dma_start3A_666] : memref<524288x128xf32, #tpu.memory_space<hbm>> -> memref<256x128xf32, #tpu.memory_space<hbm>>
    %dma_start3A_668 = arith.constant 0 : i32
    %dma_start3A_669 = tpu.memref_slice %arg4[%div3A_652, %dma_start3A_668] : memref<520x128xf32, #tpu.memory_space<vmem>> -> memref<256x128xf32, #tpu.memory_space<vmem>>
    tpu.enqueue_dma source(%dma_start3A_669 : memref<256x128xf32, #tpu.memory_space<vmem>>) target(%dma_start3A_667 : memref<256x128xf32, #tpu.memory_space<hbm>>) target_semaphore(%arg5 : memref<!tpu.dma_semaphore, #tpu.memory_space<semaphore_mem>>)
    %dma_wait3A_670 = arith.constant 0 : i32
    %dma_wait3A_671 = tpu.memref_slice %arg4[%div3A_229, %dma_wait3A_670] : memref<520x128xf32, #tpu.memory_space<vmem>> -> memref<256x128xf32, #tpu.memory_space<vmem>>
    %dma_wait3A_672 = arith.constant 0 : i32
    %dma_wait3A_673 = tpu.memref_slice %arg3[%mul3A_238, %dma_wait3A_672] : memref<524288x128xf32, #tpu.memory_space<hbm>> -> memref<256x128xf32, #tpu.memory_space<hbm>>
    %dma_wait3A_674 = arith.constant 0 : i32
    %dma_wait3A_675 = tpu.memref_slice %arg3[%mul3A_238, %dma_wait3A_674] : memref<524288x128xf32, #tpu.memory_space<hbm>> -> memref<256x128xf32, #tpu.memory_space<hbm>>
    %dma_wait3A_676 = arith.constant 0 : i32
    %dma_wait3A_677 = tpu.memref_slice %arg4[%div3A_229, %dma_wait3A_676] : memref<520x128xf32, #tpu.memory_space<vmem>> -> memref<256x128xf32, #tpu.memory_space<vmem>>
    tpu.wait_dma2 semaphore(%arg5 : memref<!tpu.dma_semaphore, #tpu.memory_space<semaphore_mem>>) src(%dma_wait3A_677 : memref<256x128xf32, #tpu.memory_space<vmem>>) dst(%dma_wait3A_675 : memref<256x128xf32, #tpu.memory_space<hbm>>)
    %mul3A_678 = arith.constant 2 : i32
    %mul3A_679 = arith.muli %arg0, %mul3A_678 : i32
    %add3A_680 = arith.constant 1 : i32
    %add3A_681 = arith.addi %mul3A_679, %add3A_680 : i32
    %mul3A_682 = arith.constant 512 : i32
    %mul3A_683 = arith.muli %add3A_681, %mul3A_682 : i32
    %add3A_684 = arith.addi %mul3A_683, %add3A_645 : i32
    %mul3A_685 = arith.constant 256 : i32
    %mul3A_686 = arith.muli %add3A_684, %mul3A_685 : i32
    %dma_start3A_687 = arith.constant 0 : i32
    %dma_start3A_688 = tpu.memref_slice %arg4[%div3A_652, %dma_start3A_687] : memref<520x128xf32, #tpu.memory_space<vmem>> -> memref<256x128xf32, #tpu.memory_space<vmem>>
    %dma_start3A_689 = arith.constant 0 : i32
    %dma_start3A_690 = tpu.memref_slice %arg3[%mul3A_686, %dma_start3A_689] : memref<524288x128xf32, #tpu.memory_space<hbm>> -> memref<256x128xf32, #tpu.memory_space<hbm>>
    %dma_start3A_691 = arith.constant 0 : i32
    %dma_start3A_692 = tpu.memref_slice %arg3[%mul3A_686, %dma_start3A_691] : memref<524288x128xf32, #tpu.memory_space<hbm>> -> memref<256x128xf32, #tpu.memory_space<hbm>>
    %dma_start3A_693 = arith.constant 0 : i32
    %dma_start3A_694 = tpu.memref_slice %arg4[%div3A_652, %dma_start3A_693] : memref<520x128xf32, #tpu.memory_space<vmem>> -> memref<256x128xf32, #tpu.memory_space<vmem>>
    tpu.enqueue_dma source(%dma_start3A_694 : memref<256x128xf32, #tpu.memory_space<vmem>>) target(%dma_start3A_692 : memref<256x128xf32, #tpu.memory_space<hbm>>) target_semaphore(%arg5 : memref<!tpu.dma_semaphore, #tpu.memory_space<semaphore_mem>>)
    %dma_wait3A_695 = arith.constant 0 : i32
    %dma_wait3A_696 = tpu.memref_slice %arg4[%div3A_229, %dma_wait3A_695] : memref<520x128xf32, #tpu.memory_space<vmem>> -> memref<256x128xf32, #tpu.memory_space<vmem>>
    %dma_wait3A_697 = arith.constant 0 : i32
    %dma_wait3A_698 = tpu.memref_slice %arg3[%mul3A_255, %dma_wait3A_697] : memref<524288x128xf32, #tpu.memory_space<hbm>> -> memref<256x128xf32, #tpu.memory_space<hbm>>
    %dma_wait3A_699 = arith.constant 0 : i32
    %dma_wait3A_700 = tpu.memref_slice %arg3[%mul3A_255, %dma_wait3A_699] : memref<524288x128xf32, #tpu.memory_space<hbm>> -> memref<256x128xf32, #tpu.memory_space<hbm>>
    %dma_wait3A_701 = arith.constant 0 : i32
    %dma_wait3A_702 = tpu.memref_slice %arg4[%div3A_229, %dma_wait3A_701] : memref<520x128xf32, #tpu.memory_space<vmem>> -> memref<256x128xf32, #tpu.memory_space<vmem>>
    tpu.wait_dma2 semaphore(%arg5 : memref<!tpu.dma_semaphore, #tpu.memory_space<semaphore_mem>>) src(%dma_wait3A_702 : memref<256x128xf32, #tpu.memory_space<vmem>>) dst(%dma_wait3A_700 : memref<256x128xf32, #tpu.memory_space<hbm>>)
    %add3A_703 = arith.constant 224 : i32
    %add3A_704 = arith.addi %rem3A_8, %add3A_703 : i32
    %sub3A_705 = arith.constant 511 : i32
    %sub3A_706 = arith.subi %sub3A_705, %add3A_704 : i32
    %mul3A_707 = arith.constant 64 : i32
    %mul3A_708 = arith.muli %sub3A_706, %mul3A_707 : i32
    %add3A_709 = arith.addi %rem3A_4, %mul3A_708 : i32
    %div3A_710 = arith.constant 128 : i32
    %div3A_711 = arith.divsi %add3A_709, %div3A_710 : i32
    %mul3A_712 = arith.constant 2 : i32
    %mul3A_713 = arith.muli %arg0, %mul3A_712 : i32
    %add3A_714 = arith.constant 0 : i32
    %add3A_715 = arith.addi %mul3A_713, %add3A_714 : i32
    %mul3A_716 = arith.constant 512 : i32
    %mul3A_717 = arith.muli %add3A_715, %mul3A_716 : i32
    %add3A_718 = arith.addi %mul3A_717, %add3A_704 : i32
    %mul3A_719 = arith.constant 256 : i32
    %mul3A_720 = arith.muli %add3A_718, %mul3A_719 : i32
    %dma_start3A_721 = arith.constant 0 : i32
    %dma_start3A_722 = tpu.memref_slice %arg4[%div3A_711, %dma_start3A_721] : memref<520x128xf32, #tpu.memory_space<vmem>> -> memref<256x128xf32, #tpu.memory_space<vmem>>
    %dma_start3A_723 = arith.constant 0 : i32
    %dma_start3A_724 = tpu.memref_slice %arg3[%mul3A_720, %dma_start3A_723] : memref<524288x128xf32, #tpu.memory_space<hbm>> -> memref<256x128xf32, #tpu.memory_space<hbm>>
    %dma_start3A_725 = arith.constant 0 : i32
    %dma_start3A_726 = tpu.memref_slice %arg3[%mul3A_720, %dma_start3A_725] : memref<524288x128xf32, #tpu.memory_space<hbm>> -> memref<256x128xf32, #tpu.memory_space<hbm>>
    %dma_start3A_727 = arith.constant 0 : i32
    %dma_start3A_728 = tpu.memref_slice %arg4[%div3A_711, %dma_start3A_727] : memref<520x128xf32, #tpu.memory_space<vmem>> -> memref<256x128xf32, #tpu.memory_space<vmem>>
    tpu.enqueue_dma source(%dma_start3A_728 : memref<256x128xf32, #tpu.memory_space<vmem>>) target(%dma_start3A_726 : memref<256x128xf32, #tpu.memory_space<hbm>>) target_semaphore(%arg5 : memref<!tpu.dma_semaphore, #tpu.memory_space<semaphore_mem>>)
    %dma_wait3A_729 = arith.constant 0 : i32
    %dma_wait3A_730 = tpu.memref_slice %arg4[%div3A_272, %dma_wait3A_729] : memref<520x128xf32, #tpu.memory_space<vmem>> -> memref<256x128xf32, #tpu.memory_space<vmem>>
    %dma_wait3A_731 = arith.constant 0 : i32
    %dma_wait3A_732 = tpu.memref_slice %arg3[%mul3A_281, %dma_wait3A_731] : memref<524288x128xf32, #tpu.memory_space<hbm>> -> memref<256x128xf32, #tpu.memory_space<hbm>>
    %dma_wait3A_733 = arith.constant 0 : i32
    %dma_wait3A_734 = tpu.memref_slice %arg3[%mul3A_281, %dma_wait3A_733] : memref<524288x128xf32, #tpu.memory_space<hbm>> -> memref<256x128xf32, #tpu.memory_space<hbm>>
    %dma_wait3A_735 = arith.constant 0 : i32
    %dma_wait3A_736 = tpu.memref_slice %arg4[%div3A_272, %dma_wait3A_735] : memref<520x128xf32, #tpu.memory_space<vmem>> -> memref<256x128xf32, #tpu.memory_space<vmem>>
    tpu.wait_dma2 semaphore(%arg5 : memref<!tpu.dma_semaphore, #tpu.memory_space<semaphore_mem>>) src(%dma_wait3A_736 : memref<256x128xf32, #tpu.memory_space<vmem>>) dst(%dma_wait3A_734 : memref<256x128xf32, #tpu.memory_space<hbm>>)
    %mul3A_737 = arith.constant 2 : i32
    %mul3A_738 = arith.muli %arg0, %mul3A_737 : i32
    %add3A_739 = arith.constant 1 : i32
    %add3A_740 = arith.addi %mul3A_738, %add3A_739 : i32
    %mul3A_741 = arith.constant 512 : i32
    %mul3A_742 = arith.muli %add3A_740, %mul3A_741 : i32
    %add3A_743 = arith.addi %mul3A_742, %add3A_704 : i32
    %mul3A_744 = arith.constant 256 : i32
    %mul3A_745 = arith.muli %add3A_743, %mul3A_744 : i32
    %dma_start3A_746 = arith.constant 0 : i32
    %dma_start3A_747 = tpu.memref_slice %arg4[%div3A_711, %dma_start3A_746] : memref<520x128xf32, #tpu.memory_space<vmem>> -> memref<256x128xf32, #tpu.memory_space<vmem>>
    %dma_start3A_748 = arith.constant 0 : i32
    %dma_start3A_749 = tpu.memref_slice %arg3[%mul3A_745, %dma_start3A_748] : memref<524288x128xf32, #tpu.memory_space<hbm>> -> memref<256x128xf32, #tpu.memory_space<hbm>>
    %dma_start3A_750 = arith.constant 0 : i32
    %dma_start3A_751 = tpu.memref_slice %arg3[%mul3A_745, %dma_start3A_750] : memref<524288x128xf32, #tpu.memory_space<hbm>> -> memref<256x128xf32, #tpu.memory_space<hbm>>
    %dma_start3A_752 = arith.constant 0 : i32
    %dma_start3A_753 = tpu.memref_slice %arg4[%div3A_711, %dma_start3A_752] : memref<520x128xf32, #tpu.memory_space<vmem>> -> memref<256x128xf32, #tpu.memory_space<vmem>>
    tpu.enqueue_dma source(%dma_start3A_753 : memref<256x128xf32, #tpu.memory_space<vmem>>) target(%dma_start3A_751 : memref<256x128xf32, #tpu.memory_space<hbm>>) target_semaphore(%arg5 : memref<!tpu.dma_semaphore, #tpu.memory_space<semaphore_mem>>)
    %dma_wait3A_754 = arith.constant 0 : i32
    %dma_wait3A_755 = tpu.memref_slice %arg4[%div3A_272, %dma_wait3A_754] : memref<520x128xf32, #tpu.memory_space<vmem>> -> memref<256x128xf32, #tpu.memory_space<vmem>>
    %dma_wait3A_756 = arith.constant 0 : i32
    %dma_wait3A_757 = tpu.memref_slice %arg3[%mul3A_298, %dma_wait3A_756] : memref<524288x128xf32, #tpu.memory_space<hbm>> -> memref<256x128xf32, #tpu.memory_space<hbm>>
    %dma_wait3A_758 = arith.constant 0 : i32
    %dma_wait3A_759 = tpu.memref_slice %arg3[%mul3A_298, %dma_wait3A_758] : memref<524288x128xf32, #tpu.memory_space<hbm>> -> memref<256x128xf32, #tpu.memory_space<hbm>>
    %dma_wait3A_760 = arith.constant 0 : i32
    %dma_wait3A_761 = tpu.memref_slice %arg4[%div3A_272, %dma_wait3A_760] : memref<520x128xf32, #tpu.memory_space<vmem>> -> memref<256x128xf32, #tpu.memory_space<vmem>>
    tpu.wait_dma2 semaphore(%arg5 : memref<!tpu.dma_semaphore, #tpu.memory_space<semaphore_mem>>) src(%dma_wait3A_761 : memref<256x128xf32, #tpu.memory_space<vmem>>) dst(%dma_wait3A_759 : memref<256x128xf32, #tpu.memory_space<hbm>>)
    %add3A_762 = arith.constant 240 : i32
    %add3A_763 = arith.addi %rem3A_8, %add3A_762 : i32
    %sub3A_764 = arith.constant 511 : i32
    %sub3A_765 = arith.subi %sub3A_764, %add3A_763 : i32
    %mul3A_766 = arith.constant 64 : i32
    %mul3A_767 = arith.muli %sub3A_765, %mul3A_766 : i32
    %add3A_768 = arith.addi %rem3A_4, %mul3A_767 : i32
    %div3A_769 = arith.constant 128 : i32
    %div3A_770 = arith.divsi %add3A_768, %div3A_769 : i32
    %mul3A_771 = arith.constant 2 : i32
    %mul3A_772 = arith.muli %arg0, %mul3A_771 : i32
    %add3A_773 = arith.constant 0 : i32
    %add3A_774 = arith.addi %mul3A_772, %add3A_773 : i32
    %mul3A_775 = arith.constant 512 : i32
    %mul3A_776 = arith.muli %add3A_774, %mul3A_775 : i32
    %add3A_777 = arith.addi %mul3A_776, %add3A_763 : i32
    %mul3A_778 = arith.constant 256 : i32
    %mul3A_779 = arith.muli %add3A_777, %mul3A_778 : i32
    %dma_start3A_780 = arith.constant 0 : i32
    %dma_start3A_781 = tpu.memref_slice %arg4[%div3A_770, %dma_start3A_780] : memref<520x128xf32, #tpu.memory_space<vmem>> -> memref<256x128xf32, #tpu.memory_space<vmem>>
    %dma_start3A_782 = arith.constant 0 : i32
    %dma_start3A_783 = tpu.memref_slice %arg3[%mul3A_779, %dma_start3A_782] : memref<524288x128xf32, #tpu.memory_space<hbm>> -> memref<256x128xf32, #tpu.memory_space<hbm>>
    %dma_start3A_784 = arith.constant 0 : i32
    %dma_start3A_785 = tpu.memref_slice %arg3[%mul3A_779, %dma_start3A_784] : memref<524288x128xf32, #tpu.memory_space<hbm>> -> memref<256x128xf32, #tpu.memory_space<hbm>>
    %dma_start3A_786 = arith.constant 0 : i32
    %dma_start3A_787 = tpu.memref_slice %arg4[%div3A_770, %dma_start3A_786] : memref<520x128xf32, #tpu.memory_space<vmem>> -> memref<256x128xf32, #tpu.memory_space<vmem>>
    tpu.enqueue_dma source(%dma_start3A_787 : memref<256x128xf32, #tpu.memory_space<vmem>>) target(%dma_start3A_785 : memref<256x128xf32, #tpu.memory_space<hbm>>) target_semaphore(%arg5 : memref<!tpu.dma_semaphore, #tpu.memory_space<semaphore_mem>>)
    %dma_wait3A_788 = arith.constant 0 : i32
    %dma_wait3A_789 = tpu.memref_slice %arg4[%div3A_315, %dma_wait3A_788] : memref<520x128xf32, #tpu.memory_space<vmem>> -> memref<256x128xf32, #tpu.memory_space<vmem>>
    %dma_wait3A_790 = arith.constant 0 : i32
    %dma_wait3A_791 = tpu.memref_slice %arg3[%mul3A_324, %dma_wait3A_790] : memref<524288x128xf32, #tpu.memory_space<hbm>> -> memref<256x128xf32, #tpu.memory_space<hbm>>
    %dma_wait3A_792 = arith.constant 0 : i32
    %dma_wait3A_793 = tpu.memref_slice %arg3[%mul3A_324, %dma_wait3A_792] : memref<524288x128xf32, #tpu.memory_space<hbm>> -> memref<256x128xf32, #tpu.memory_space<hbm>>
    %dma_wait3A_794 = arith.constant 0 : i32
    %dma_wait3A_795 = tpu.memref_slice %arg4[%div3A_315, %dma_wait3A_794] : memref<520x128xf32, #tpu.memory_space<vmem>> -> memref<256x128xf32, #tpu.memory_space<vmem>>
    tpu.wait_dma2 semaphore(%arg5 : memref<!tpu.dma_semaphore, #tpu.memory_space<semaphore_mem>>) src(%dma_wait3A_795 : memref<256x128xf32, #tpu.memory_space<vmem>>) dst(%dma_wait3A_793 : memref<256x128xf32, #tpu.memory_space<hbm>>)
    %mul3A_796 = arith.constant 2 : i32
    %mul3A_797 = arith.muli %arg0, %mul3A_796 : i32
    %add3A_798 = arith.constant 1 : i32
    %add3A_799 = arith.addi %mul3A_797, %add3A_798 : i32
    %mul3A_800 = arith.constant 512 : i32
    %mul3A_801 = arith.muli %add3A_799, %mul3A_800 : i32
    %add3A_802 = arith.addi %mul3A_801, %add3A_763 : i32
    %mul3A_803 = arith.constant 256 : i32
    %mul3A_804 = arith.muli %add3A_802, %mul3A_803 : i32
    %dma_start3A_805 = arith.constant 0 : i32
    %dma_start3A_806 = tpu.memref_slice %arg4[%div3A_770, %dma_start3A_805] : memref<520x128xf32, #tpu.memory_space<vmem>> -> memref<256x128xf32, #tpu.memory_space<vmem>>
    %dma_start3A_807 = arith.constant 0 : i32
    %dma_start3A_808 = tpu.memref_slice %arg3[%mul3A_804, %dma_start3A_807] : memref<524288x128xf32, #tpu.memory_space<hbm>> -> memref<256x128xf32, #tpu.memory_space<hbm>>
    %dma_start3A_809 = arith.constant 0 : i32
    %dma_start3A_810 = tpu.memref_slice %arg3[%mul3A_804, %dma_start3A_809] : memref<524288x128xf32, #tpu.memory_space<hbm>> -> memref<256x128xf32, #tpu.memory_space<hbm>>
    %dma_start3A_811 = arith.constant 0 : i32
    %dma_start3A_812 = tpu.memref_slice %arg4[%div3A_770, %dma_start3A_811] : memref<520x128xf32, #tpu.memory_space<vmem>> -> memref<256x128xf32, #tpu.memory_space<vmem>>
    tpu.enqueue_dma source(%dma_start3A_812 : memref<256x128xf32, #tpu.memory_space<vmem>>) target(%dma_start3A_810 : memref<256x128xf32, #tpu.memory_space<hbm>>) target_semaphore(%arg5 : memref<!tpu.dma_semaphore, #tpu.memory_space<semaphore_mem>>)
    %dma_wait3A_813 = arith.constant 0 : i32
    %dma_wait3A_814 = tpu.memref_slice %arg4[%div3A_315, %dma_wait3A_813] : memref<520x128xf32, #tpu.memory_space<vmem>> -> memref<256x128xf32, #tpu.memory_space<vmem>>
    %dma_wait3A_815 = arith.constant 0 : i32
    %dma_wait3A_816 = tpu.memref_slice %arg3[%mul3A_341, %dma_wait3A_815] : memref<524288x128xf32, #tpu.memory_space<hbm>> -> memref<256x128xf32, #tpu.memory_space<hbm>>
    %dma_wait3A_817 = arith.constant 0 : i32
    %dma_wait3A_818 = tpu.memref_slice %arg3[%mul3A_341, %dma_wait3A_817] : memref<524288x128xf32, #tpu.memory_space<hbm>> -> memref<256x128xf32, #tpu.memory_space<hbm>>
    %dma_wait3A_819 = arith.constant 0 : i32
    %dma_wait3A_820 = tpu.memref_slice %arg4[%div3A_315, %dma_wait3A_819] : memref<520x128xf32, #tpu.memory_space<vmem>> -> memref<256x128xf32, #tpu.memory_space<vmem>>
    tpu.wait_dma2 semaphore(%arg5 : memref<!tpu.dma_semaphore, #tpu.memory_space<semaphore_mem>>) src(%dma_wait3A_820 : memref<256x128xf32, #tpu.memory_space<vmem>>) dst(%dma_wait3A_818 : memref<256x128xf32, #tpu.memory_space<hbm>>)
    %add3A_821 = arith.constant 256 : i32
    %add3A_822 = arith.addi %rem3A_8, %add3A_821 : i32
    %sub3A_823 = arith.constant 511 : i32
    %sub3A_824 = arith.subi %sub3A_823, %add3A_822 : i32
    %mul3A_825 = arith.constant 64 : i32
    %mul3A_826 = arith.muli %sub3A_824, %mul3A_825 : i32
    %add3A_827 = arith.addi %rem3A_4, %mul3A_826 : i32
    %div3A_828 = arith.constant 128 : i32
    %div3A_829 = arith.divsi %add3A_827, %div3A_828 : i32
    %mul3A_830 = arith.constant 2 : i32
    %mul3A_831 = arith.muli %arg0, %mul3A_830 : i32
    %add3A_832 = arith.constant 0 : i32
    %add3A_833 = arith.addi %mul3A_831, %add3A_832 : i32
    %mul3A_834 = arith.constant 512 : i32
    %mul3A_835 = arith.muli %add3A_833, %mul3A_834 : i32
    %add3A_836 = arith.addi %mul3A_835, %add3A_822 : i32
    %mul3A_837 = arith.constant 256 : i32
    %mul3A_838 = arith.muli %add3A_836, %mul3A_837 : i32
    %dma_start3A_839 = arith.constant 0 : i32
    %dma_start3A_840 = tpu.memref_slice %arg4[%div3A_829, %dma_start3A_839] : memref<520x128xf32, #tpu.memory_space<vmem>> -> memref<256x128xf32, #tpu.memory_space<vmem>>
    %dma_start3A_841 = arith.constant 0 : i32
    %dma_start3A_842 = tpu.memref_slice %arg3[%mul3A_838, %dma_start3A_841] : memref<524288x128xf32, #tpu.memory_space<hbm>> -> memref<256x128xf32, #tpu.memory_space<hbm>>
    %dma_start3A_843 = arith.constant 0 : i32
    %dma_start3A_844 = tpu.memref_slice %arg3[%mul3A_838, %dma_start3A_843] : memref<524288x128xf32, #tpu.memory_space<hbm>> -> memref<256x128xf32, #tpu.memory_space<hbm>>
    %dma_start3A_845 = arith.constant 0 : i32
    %dma_start3A_846 = tpu.memref_slice %arg4[%div3A_829, %dma_start3A_845] : memref<520x128xf32, #tpu.memory_space<vmem>> -> memref<256x128xf32, #tpu.memory_space<vmem>>
    tpu.enqueue_dma source(%dma_start3A_846 : memref<256x128xf32, #tpu.memory_space<vmem>>) target(%dma_start3A_844 : memref<256x128xf32, #tpu.memory_space<hbm>>) target_semaphore(%arg5 : memref<!tpu.dma_semaphore, #tpu.memory_space<semaphore_mem>>)
    %dma_wait3A_847 = arith.constant 0 : i32
    %dma_wait3A_848 = tpu.memref_slice %arg4[%div3A_358, %dma_wait3A_847] : memref<520x128xf32, #tpu.memory_space<vmem>> -> memref<256x128xf32, #tpu.memory_space<vmem>>
    %dma_wait3A_849 = arith.constant 0 : i32
    %dma_wait3A_850 = tpu.memref_slice %arg3[%mul3A_367, %dma_wait3A_849] : memref<524288x128xf32, #tpu.memory_space<hbm>> -> memref<256x128xf32, #tpu.memory_space<hbm>>
    %dma_wait3A_851 = arith.constant 0 : i32
    %dma_wait3A_852 = tpu.memref_slice %arg3[%mul3A_367, %dma_wait3A_851] : memref<524288x128xf32, #tpu.memory_space<hbm>> -> memref<256x128xf32, #tpu.memory_space<hbm>>
    %dma_wait3A_853 = arith.constant 0 : i32
    %dma_wait3A_854 = tpu.memref_slice %arg4[%div3A_358, %dma_wait3A_853] : memref<520x128xf32, #tpu.memory_space<vmem>> -> memref<256x128xf32, #tpu.memory_space<vmem>>
    tpu.wait_dma2 semaphore(%arg5 : memref<!tpu.dma_semaphore, #tpu.memory_space<semaphore_mem>>) src(%dma_wait3A_854 : memref<256x128xf32, #tpu.memory_space<vmem>>) dst(%dma_wait3A_852 : memref<256x128xf32, #tpu.memory_space<hbm>>)
    %mul3A_855 = arith.constant 2 : i32
    %mul3A_856 = arith.muli %arg0, %mul3A_855 : i32
    %add3A_857 = arith.constant 1 : i32
    %add3A_858 = arith.addi %mul3A_856, %add3A_857 : i32
    %mul3A_859 = arith.constant 512 : i32
    %mul3A_860 = arith.muli %add3A_858, %mul3A_859 : i32
    %add3A_861 = arith.addi %mul3A_860, %add3A_822 : i32
    %mul3A_862 = arith.constant 256 : i32
    %mul3A_863 = arith.muli %add3A_861, %mul3A_862 : i32
    %dma_start3A_864 = arith.constant 0 : i32
    %dma_start3A_865 = tpu.memref_slice %arg4[%div3A_829, %dma_start3A_864] : memref<520x128xf32, #tpu.memory_space<vmem>> -> memref<256x128xf32, #tpu.memory_space<vmem>>
    %dma_start3A_866 = arith.constant 0 : i32
    %dma_start3A_867 = tpu.memref_slice %arg3[%mul3A_863, %dma_start3A_866] : memref<524288x128xf32, #tpu.memory_space<hbm>> -> memref<256x128xf32, #tpu.memory_space<hbm>>
    %dma_start3A_868 = arith.constant 0 : i32
    %dma_start3A_869 = tpu.memref_slice %arg3[%mul3A_863, %dma_start3A_868] : memref<524288x128xf32, #tpu.memory_space<hbm>> -> memref<256x128xf32, #tpu.memory_space<hbm>>
    %dma_start3A_870 = arith.constant 0 : i32
    %dma_start3A_871 = tpu.memref_slice %arg4[%div3A_829, %dma_start3A_870] : memref<520x128xf32, #tpu.memory_space<vmem>> -> memref<256x128xf32, #tpu.memory_space<vmem>>
    tpu.enqueue_dma source(%dma_start3A_871 : memref<256x128xf32, #tpu.memory_space<vmem>>) target(%dma_start3A_869 : memref<256x128xf32, #tpu.memory_space<hbm>>) target_semaphore(%arg5 : memref<!tpu.dma_semaphore, #tpu.memory_space<semaphore_mem>>)
    %dma_wait3A_872 = arith.constant 0 : i32
    %dma_wait3A_873 = tpu.memref_slice %arg4[%div3A_358, %dma_wait3A_872] : memref<520x128xf32, #tpu.memory_space<vmem>> -> memref<256x128xf32, #tpu.memory_space<vmem>>
    %dma_wait3A_874 = arith.constant 0 : i32
    %dma_wait3A_875 = tpu.memref_slice %arg3[%mul3A_391, %dma_wait3A_874] : memref<524288x128xf32, #tpu.memory_space<hbm>> -> memref<256x128xf32, #tpu.memory_space<hbm>>
    %dma_wait3A_876 = arith.constant 0 : i32
    %dma_wait3A_877 = tpu.memref_slice %arg3[%mul3A_391, %dma_wait3A_876] : memref<524288x128xf32, #tpu.memory_space<hbm>> -> memref<256x128xf32, #tpu.memory_space<hbm>>
    %dma_wait3A_878 = arith.constant 0 : i32
    %dma_wait3A_879 = tpu.memref_slice %arg4[%div3A_358, %dma_wait3A_878] : memref<520x128xf32, #tpu.memory_space<vmem>> -> memref<256x128xf32, #tpu.memory_space<vmem>>
    tpu.wait_dma2 semaphore(%arg5 : memref<!tpu.dma_semaphore, #tpu.memory_space<semaphore_mem>>) src(%dma_wait3A_879 : memref<256x128xf32, #tpu.memory_space<vmem>>) dst(%dma_wait3A_877 : memref<256x128xf32, #tpu.memory_space<hbm>>)
    %add3A_880 = arith.constant 272 : i32
    %add3A_881 = arith.addi %rem3A_8, %add3A_880 : i32
    %sub3A_882 = arith.constant 511 : i32
    %sub3A_883 = arith.subi %sub3A_882, %add3A_881 : i32
    %mul3A_884 = arith.constant 64 : i32
    %mul3A_885 = arith.muli %sub3A_883, %mul3A_884 : i32
    %add3A_886 = arith.addi %rem3A_4, %mul3A_885 : i32
    %div3A_887 = arith.constant 128 : i32
    %div3A_888 = arith.divsi %add3A_886, %div3A_887 : i32
    %mul3A_889 = arith.constant 2 : i32
    %mul3A_890 = arith.muli %arg0, %mul3A_889 : i32
    %add3A_891 = arith.constant 0 : i32
    %add3A_892 = arith.addi %mul3A_890, %add3A_891 : i32
    %mul3A_893 = arith.constant 512 : i32
    %mul3A_894 = arith.muli %add3A_892, %mul3A_893 : i32
    %add3A_895 = arith.addi %mul3A_894, %add3A_881 : i32
    %mul3A_896 = arith.constant 256 : i32
    %mul3A_897 = arith.muli %add3A_895, %mul3A_896 : i32
    %dma_start3A_898 = arith.constant 0 : i32
    %dma_start3A_899 = tpu.memref_slice %arg4[%div3A_888, %dma_start3A_898] : memref<520x128xf32, #tpu.memory_space<vmem>> -> memref<256x128xf32, #tpu.memory_space<vmem>>
    %dma_start3A_900 = arith.constant 0 : i32
    %dma_start3A_901 = tpu.memref_slice %arg3[%mul3A_897, %dma_start3A_900] : memref<524288x128xf32, #tpu.memory_space<hbm>> -> memref<256x128xf32, #tpu.memory_space<hbm>>
    %dma_start3A_902 = arith.constant 0 : i32
    %dma_start3A_903 = tpu.memref_slice %arg3[%mul3A_897, %dma_start3A_902] : memref<524288x128xf32, #tpu.memory_space<hbm>> -> memref<256x128xf32, #tpu.memory_space<hbm>>
    %dma_start3A_904 = arith.constant 0 : i32
    %dma_start3A_905 = tpu.memref_slice %arg4[%div3A_888, %dma_start3A_904] : memref<520x128xf32, #tpu.memory_space<vmem>> -> memref<256x128xf32, #tpu.memory_space<vmem>>
    tpu.enqueue_dma source(%dma_start3A_905 : memref<256x128xf32, #tpu.memory_space<vmem>>) target(%dma_start3A_903 : memref<256x128xf32, #tpu.memory_space<hbm>>) target_semaphore(%arg5 : memref<!tpu.dma_semaphore, #tpu.memory_space<semaphore_mem>>)
    %dma_wait3A_906 = arith.constant 0 : i32
    %dma_wait3A_907 = tpu.memref_slice %arg4[%div3A_416, %dma_wait3A_906] : memref<520x128xf32, #tpu.memory_space<vmem>> -> memref<256x128xf32, #tpu.memory_space<vmem>>
    %dma_wait3A_908 = arith.constant 0 : i32
    %dma_wait3A_909 = tpu.memref_slice %arg3[%mul3A_425, %dma_wait3A_908] : memref<524288x128xf32, #tpu.memory_space<hbm>> -> memref<256x128xf32, #tpu.memory_space<hbm>>
    %dma_wait3A_910 = arith.constant 0 : i32
    %dma_wait3A_911 = tpu.memref_slice %arg3[%mul3A_425, %dma_wait3A_910] : memref<524288x128xf32, #tpu.memory_space<hbm>> -> memref<256x128xf32, #tpu.memory_space<hbm>>
    %dma_wait3A_912 = arith.constant 0 : i32
    %dma_wait3A_913 = tpu.memref_slice %arg4[%div3A_416, %dma_wait3A_912] : memref<520x128xf32, #tpu.memory_space<vmem>> -> memref<256x128xf32, #tpu.memory_space<vmem>>
    tpu.wait_dma2 semaphore(%arg5 : memref<!tpu.dma_semaphore, #tpu.memory_space<semaphore_mem>>) src(%dma_wait3A_913 : memref<256x128xf32, #tpu.memory_space<vmem>>) dst(%dma_wait3A_911 : memref<256x128xf32, #tpu.memory_space<hbm>>)
    %mul3A_914 = arith.constant 2 : i32
    %mul3A_915 = arith.muli %arg0, %mul3A_914 : i32
    %add3A_916 = arith.constant 1 : i32
    %add3A_917 = arith.addi %mul3A_915, %add3A_916 : i32
    %mul3A_918 = arith.constant 512 : i32
    %mul3A_919 = arith.muli %add3A_917, %mul3A_918 : i32
    %add3A_920 = arith.addi %mul3A_919, %add3A_881 : i32
    %mul3A_921 = arith.constant 256 : i32
    %mul3A_922 = arith.muli %add3A_920, %mul3A_921 : i32
    %dma_start3A_923 = arith.constant 0 : i32
    %dma_start3A_924 = tpu.memref_slice %arg4[%div3A_888, %dma_start3A_923] : memref<520x128xf32, #tpu.memory_space<vmem>> -> memref<256x128xf32, #tpu.memory_space<vmem>>
    %dma_start3A_925 = arith.constant 0 : i32
    %dma_start3A_926 = tpu.memref_slice %arg3[%mul3A_922, %dma_start3A_925] : memref<524288x128xf32, #tpu.memory_space<hbm>> -> memref<256x128xf32, #tpu.memory_space<hbm>>
    %dma_start3A_927 = arith.constant 0 : i32
    %dma_start3A_928 = tpu.memref_slice %arg3[%mul3A_922, %dma_start3A_927] : memref<524288x128xf32, #tpu.memory_space<hbm>> -> memref<256x128xf32, #tpu.memory_space<hbm>>
    %dma_start3A_929 = arith.constant 0 : i32
    %dma_start3A_930 = tpu.memref_slice %arg4[%div3A_888, %dma_start3A_929] : memref<520x128xf32, #tpu.memory_space<vmem>> -> memref<256x128xf32, #tpu.memory_space<vmem>>
    tpu.enqueue_dma source(%dma_start3A_930 : memref<256x128xf32, #tpu.memory_space<vmem>>) target(%dma_start3A_928 : memref<256x128xf32, #tpu.memory_space<hbm>>) target_semaphore(%arg5 : memref<!tpu.dma_semaphore, #tpu.memory_space<semaphore_mem>>)
    %dma_wait3A_931 = arith.constant 0 : i32
    %dma_wait3A_932 = tpu.memref_slice %arg4[%div3A_416, %dma_wait3A_931] : memref<520x128xf32, #tpu.memory_space<vmem>> -> memref<256x128xf32, #tpu.memory_space<vmem>>
    %dma_wait3A_933 = arith.constant 0 : i32
    %dma_wait3A_934 = tpu.memref_slice %arg3[%mul3A_450, %dma_wait3A_933] : memref<524288x128xf32, #tpu.memory_space<hbm>> -> memref<256x128xf32, #tpu.memory_space<hbm>>
    %dma_wait3A_935 = arith.constant 0 : i32
    %dma_wait3A_936 = tpu.memref_slice %arg3[%mul3A_450, %dma_wait3A_935] : memref<524288x128xf32, #tpu.memory_space<hbm>> -> memref<256x128xf32, #tpu.memory_space<hbm>>
    %dma_wait3A_937 = arith.constant 0 : i32
    %dma_wait3A_938 = tpu.memref_slice %arg4[%div3A_416, %dma_wait3A_937] : memref<520x128xf32, #tpu.memory_space<vmem>> -> memref<256x128xf32, #tpu.memory_space<vmem>>
    tpu.wait_dma2 semaphore(%arg5 : memref<!tpu.dma_semaphore, #tpu.memory_space<semaphore_mem>>) src(%dma_wait3A_938 : memref<256x128xf32, #tpu.memory_space<vmem>>) dst(%dma_wait3A_936 : memref<256x128xf32, #tpu.memory_space<hbm>>)
    %add3A_939 = arith.constant 288 : i32
    %add3A_940 = arith.addi %rem3A_8, %add3A_939 : i32
    %sub3A_941 = arith.constant 511 : i32
    %sub3A_942 = arith.subi %sub3A_941, %add3A_940 : i32
    %mul3A_943 = arith.constant 64 : i32
    %mul3A_944 = arith.muli %sub3A_942, %mul3A_943 : i32
    %add3A_945 = arith.addi %rem3A_4, %mul3A_944 : i32
    %div3A_946 = arith.constant 128 : i32
    %div3A_947 = arith.divsi %add3A_945, %div3A_946 : i32
    %mul3A_948 = arith.constant 2 : i32
    %mul3A_949 = arith.muli %arg0, %mul3A_948 : i32
    %add3A_950 = arith.constant 0 : i32
    %add3A_951 = arith.addi %mul3A_949, %add3A_950 : i32
    %mul3A_952 = arith.constant 512 : i32
    %mul3A_953 = arith.muli %add3A_951, %mul3A_952 : i32
    %add3A_954 = arith.addi %mul3A_953, %add3A_940 : i32
    %mul3A_955 = arith.constant 256 : i32
    %mul3A_956 = arith.muli %add3A_954, %mul3A_955 : i32
    %dma_start3A_957 = arith.constant 0 : i32
    %dma_start3A_958 = tpu.memref_slice %arg4[%div3A_947, %dma_start3A_957] : memref<520x128xf32, #tpu.memory_space<vmem>> -> memref<256x128xf32, #tpu.memory_space<vmem>>
    %dma_start3A_959 = arith.constant 0 : i32
    %dma_start3A_960 = tpu.memref_slice %arg3[%mul3A_956, %dma_start3A_959] : memref<524288x128xf32, #tpu.memory_space<hbm>> -> memref<256x128xf32, #tpu.memory_space<hbm>>
    %dma_start3A_961 = arith.constant 0 : i32
    %dma_start3A_962 = tpu.memref_slice %arg3[%mul3A_956, %dma_start3A_961] : memref<524288x128xf32, #tpu.memory_space<hbm>> -> memref<256x128xf32, #tpu.memory_space<hbm>>
    %dma_start3A_963 = arith.constant 0 : i32
    %dma_start3A_964 = tpu.memref_slice %arg4[%div3A_947, %dma_start3A_963] : memref<520x128xf32, #tpu.memory_space<vmem>> -> memref<256x128xf32, #tpu.memory_space<vmem>>
    tpu.enqueue_dma source(%dma_start3A_964 : memref<256x128xf32, #tpu.memory_space<vmem>>) target(%dma_start3A_962 : memref<256x128xf32, #tpu.memory_space<hbm>>) target_semaphore(%arg5 : memref<!tpu.dma_semaphore, #tpu.memory_space<semaphore_mem>>)
    %dma_wait3A_965 = arith.constant 0 : i32
    %dma_wait3A_966 = tpu.memref_slice %arg4[%div3A_475, %dma_wait3A_965] : memref<520x128xf32, #tpu.memory_space<vmem>> -> memref<256x128xf32, #tpu.memory_space<vmem>>
    %dma_wait3A_967 = arith.constant 0 : i32
    %dma_wait3A_968 = tpu.memref_slice %arg3[%mul3A_484, %dma_wait3A_967] : memref<524288x128xf32, #tpu.memory_space<hbm>> -> memref<256x128xf32, #tpu.memory_space<hbm>>
    %dma_wait3A_969 = arith.constant 0 : i32
    %dma_wait3A_970 = tpu.memref_slice %arg3[%mul3A_484, %dma_wait3A_969] : memref<524288x128xf32, #tpu.memory_space<hbm>> -> memref<256x128xf32, #tpu.memory_space<hbm>>
    %dma_wait3A_971 = arith.constant 0 : i32
    %dma_wait3A_972 = tpu.memref_slice %arg4[%div3A_475, %dma_wait3A_971] : memref<520x128xf32, #tpu.memory_space<vmem>> -> memref<256x128xf32, #tpu.memory_space<vmem>>
    tpu.wait_dma2 semaphore(%arg5 : memref<!tpu.dma_semaphore, #tpu.memory_space<semaphore_mem>>) src(%dma_wait3A_972 : memref<256x128xf32, #tpu.memory_space<vmem>>) dst(%dma_wait3A_970 : memref<256x128xf32, #tpu.memory_space<hbm>>)
    %mul3A_973 = arith.constant 2 : i32
    %mul3A_974 = arith.muli %arg0, %mul3A_973 : i32
    %add3A_975 = arith.constant 1 : i32
    %add3A_976 = arith.addi %mul3A_974, %add3A_975 : i32
    %mul3A_977 = arith.constant 512 : i32
    %mul3A_978 = arith.muli %add3A_976, %mul3A_977 : i32
    %add3A_979 = arith.addi %mul3A_978, %add3A_940 : i32
    %mul3A_980 = arith.constant 256 : i32
    %mul3A_981 = arith.muli %add3A_979, %mul3A_980 : i32
    %dma_start3A_982 = arith.constant 0 : i32
    %dma_start3A_983 = tpu.memref_slice %arg4[%div3A_947, %dma_start3A_982] : memref<520x128xf32, #tpu.memory_space<vmem>> -> memref<256x128xf32, #tpu.memory_space<vmem>>
    %dma_start3A_984 = arith.constant 0 : i32
    %dma_start3A_985 = tpu.memref_slice %arg3[%mul3A_981, %dma_start3A_984] : memref<524288x128xf32, #tpu.memory_space<hbm>> -> memref<256x128xf32, #tpu.memory_space<hbm>>
    %dma_start3A_986 = arith.constant 0 : i32
    %dma_start3A_987 = tpu.memref_slice %arg3[%mul3A_981, %dma_start3A_986] : memref<524288x128xf32, #tpu.memory_space<hbm>> -> memref<256x128xf32, #tpu.memory_space<hbm>>
    %dma_start3A_988 = arith.constant 0 : i32
    %dma_start3A_989 = tpu.memref_slice %arg4[%div3A_947, %dma_start3A_988] : memref<520x128xf32, #tpu.memory_space<vmem>> -> memref<256x128xf32, #tpu.memory_space<vmem>>
    tpu.enqueue_dma source(%dma_start3A_989 : memref<256x128xf32, #tpu.memory_space<vmem>>) target(%dma_start3A_987 : memref<256x128xf32, #tpu.memory_space<hbm>>) target_semaphore(%arg5 : memref<!tpu.dma_semaphore, #tpu.memory_space<semaphore_mem>>)
    %dma_wait3A_990 = arith.constant 0 : i32
    %dma_wait3A_991 = tpu.memref_slice %arg4[%div3A_475, %dma_wait3A_990] : memref<520x128xf32, #tpu.memory_space<vmem>> -> memref<256x128xf32, #tpu.memory_space<vmem>>
    %dma_wait3A_992 = arith.constant 0 : i32
    %dma_wait3A_993 = tpu.memref_slice %arg3[%mul3A_509, %dma_wait3A_992] : memref<524288x128xf32, #tpu.memory_space<hbm>> -> memref<256x128xf32, #tpu.memory_space<hbm>>
    %dma_wait3A_994 = arith.constant 0 : i32
    %dma_wait3A_995 = tpu.memref_slice %arg3[%mul3A_509, %dma_wait3A_994] : memref<524288x128xf32, #tpu.memory_space<hbm>> -> memref<256x128xf32, #tpu.memory_space<hbm>>
    %dma_wait3A_996 = arith.constant 0 : i32
    %dma_wait3A_997 = tpu.memref_slice %arg4[%div3A_475, %dma_wait3A_996] : memref<520x128xf32, #tpu.memory_space<vmem>> -> memref<256x128xf32, #tpu.memory_space<vmem>>
    tpu.wait_dma2 semaphore(%arg5 : memref<!tpu.dma_semaphore, #tpu.memory_space<semaphore_mem>>) src(%dma_wait3A_997 : memref<256x128xf32, #tpu.memory_space<vmem>>) dst(%dma_wait3A_995 : memref<256x128xf32, #tpu.memory_space<hbm>>)
    %add3A_998 = arith.constant 304 : i32
    %add3A_999 = arith.addi %rem3A_8, %add3A_998 : i32
    %sub3A_1000 = arith.constant 511 : i32
    %sub3A_1001 = arith.subi %sub3A_1000, %add3A_999 : i32
    %mul3A_1002 = arith.constant 64 : i32
    %mul3A_1003 = arith.muli %sub3A_1001, %mul3A_1002 : i32
    %add3A_1004 = arith.addi %rem3A_4, %mul3A_1003 : i32
    %div3A_1005 = arith.constant 128 : i32
    %div3A_1006 = arith.divsi %add3A_1004, %div3A_1005 : i32
    %mul3A_1007 = arith.constant 2 : i32
    %mul3A_1008 = arith.muli %arg0, %mul3A_1007 : i32
    %add3A_1009 = arith.constant 0 : i32
    %add3A_1010 = arith.addi %mul3A_1008, %add3A_1009 : i32
    %mul3A_1011 = arith.constant 512 : i32
    %mul3A_1012 = arith.muli %add3A_1010, %mul3A_1011 : i32
    %add3A_1013 = arith.addi %mul3A_1012, %add3A_999 : i32
    %mul3A_1014 = arith.constant 256 : i32
    %mul3A_1015 = arith.muli %add3A_1013, %mul3A_1014 : i32
    %dma_start3A_1016 = arith.constant 0 : i32
    %dma_start3A_1017 = tpu.memref_slice %arg4[%div3A_1006, %dma_start3A_1016] : memref<520x128xf32, #tpu.memory_space<vmem>> -> memref<256x128xf32, #tpu.memory_space<vmem>>
    %dma_start3A_1018 = arith.constant 0 : i32
    %dma_start3A_1019 = tpu.memref_slice %arg3[%mul3A_1015, %dma_start3A_1018] : memref<524288x128xf32, #tpu.memory_space<hbm>> -> memref<256x128xf32, #tpu.memory_space<hbm>>
    %dma_start3A_1020 = arith.constant 0 : i32
    %dma_start3A_1021 = tpu.memref_slice %arg3[%mul3A_1015, %dma_start3A_1020] : memref<524288x128xf32, #tpu.memory_space<hbm>> -> memref<256x128xf32, #tpu.memory_space<hbm>>
    %dma_start3A_1022 = arith.constant 0 : i32
    %dma_start3A_1023 = tpu.memref_slice %arg4[%div3A_1006, %dma_start3A_1022] : memref<520x128xf32, #tpu.memory_space<vmem>> -> memref<256x128xf32, #tpu.memory_space<vmem>>
    tpu.enqueue_dma source(%dma_start3A_1023 : memref<256x128xf32, #tpu.memory_space<vmem>>) target(%dma_start3A_1021 : memref<256x128xf32, #tpu.memory_space<hbm>>) target_semaphore(%arg5 : memref<!tpu.dma_semaphore, #tpu.memory_space<semaphore_mem>>)
    %dma_wait3A_1024 = arith.constant 0 : i32
    %dma_wait3A_1025 = tpu.memref_slice %arg4[%div3A_534, %dma_wait3A_1024] : memref<520x128xf32, #tpu.memory_space<vmem>> -> memref<256x128xf32, #tpu.memory_space<vmem>>
    %dma_wait3A_1026 = arith.constant 0 : i32
    %dma_wait3A_1027 = tpu.memref_slice %arg3[%mul3A_543, %dma_wait3A_1026] : memref<524288x128xf32, #tpu.memory_space<hbm>> -> memref<256x128xf32, #tpu.memory_space<hbm>>
    %dma_wait3A_1028 = arith.constant 0 : i32
    %dma_wait3A_1029 = tpu.memref_slice %arg3[%mul3A_543, %dma_wait3A_1028] : memref<524288x128xf32, #tpu.memory_space<hbm>> -> memref<256x128xf32, #tpu.memory_space<hbm>>
    %dma_wait3A_1030 = arith.constant 0 : i32
    %dma_wait3A_1031 = tpu.memref_slice %arg4[%div3A_534, %dma_wait3A_1030] : memref<520x128xf32, #tpu.memory_space<vmem>> -> memref<256x128xf32, #tpu.memory_space<vmem>>
    tpu.wait_dma2 semaphore(%arg5 : memref<!tpu.dma_semaphore, #tpu.memory_space<semaphore_mem>>) src(%dma_wait3A_1031 : memref<256x128xf32, #tpu.memory_space<vmem>>) dst(%dma_wait3A_1029 : memref<256x128xf32, #tpu.memory_space<hbm>>)
    %mul3A_1032 = arith.constant 2 : i32
    %mul3A_1033 = arith.muli %arg0, %mul3A_1032 : i32
    %add3A_1034 = arith.constant 1 : i32
    %add3A_1035 = arith.addi %mul3A_1033, %add3A_1034 : i32
    %mul3A_1036 = arith.constant 512 : i32
    %mul3A_1037 = arith.muli %add3A_1035, %mul3A_1036 : i32
    %add3A_1038 = arith.addi %mul3A_1037, %add3A_999 : i32
    %mul3A_1039 = arith.constant 256 : i32
    %mul3A_1040 = arith.muli %add3A_1038, %mul3A_1039 : i32
    %dma_start3A_1041 = arith.constant 0 : i32
    %dma_start3A_1042 = tpu.memref_slice %arg4[%div3A_1006, %dma_start3A_1041] : memref<520x128xf32, #tpu.memory_space<vmem>> -> memref<256x128xf32, #tpu.memory_space<vmem>>
    %dma_start3A_1043 = arith.constant 0 : i32
    %dma_start3A_1044 = tpu.memref_slice %arg3[%mul3A_1040, %dma_start3A_1043] : memref<524288x128xf32, #tpu.memory_space<hbm>> -> memref<256x128xf32, #tpu.memory_space<hbm>>
    %dma_start3A_1045 = arith.constant 0 : i32
    %dma_start3A_1046 = tpu.memref_slice %arg3[%mul3A_1040, %dma_start3A_1045] : memref<524288x128xf32, #tpu.memory_space<hbm>> -> memref<256x128xf32, #tpu.memory_space<hbm>>
    %dma_start3A_1047 = arith.constant 0 : i32
    %dma_start3A_1048 = tpu.memref_slice %arg4[%div3A_1006, %dma_start3A_1047] : memref<520x128xf32, #tpu.memory_space<vmem>> -> memref<256x128xf32, #tpu.memory_space<vmem>>
    tpu.enqueue_dma source(%dma_start3A_1048 : memref<256x128xf32, #tpu.memory_space<vmem>>) target(%dma_start3A_1046 : memref<256x128xf32, #tpu.memory_space<hbm>>) target_semaphore(%arg5 : memref<!tpu.dma_semaphore, #tpu.memory_space<semaphore_mem>>)
    %dma_wait3A_1049 = arith.constant 0 : i32
    %dma_wait3A_1050 = tpu.memref_slice %arg4[%div3A_534, %dma_wait3A_1049] : memref<520x128xf32, #tpu.memory_space<vmem>> -> memref<256x128xf32, #tpu.memory_space<vmem>>
    %dma_wait3A_1051 = arith.constant 0 : i32
    %dma_wait3A_1052 = tpu.memref_slice %arg3[%mul3A_568, %dma_wait3A_1051] : memref<524288x128xf32, #tpu.memory_space<hbm>> -> memref<256x128xf32, #tpu.memory_space<hbm>>
    %dma_wait3A_1053 = arith.constant 0 : i32
    %dma_wait3A_1054 = tpu.memref_slice %arg3[%mul3A_568, %dma_wait3A_1053] : memref<524288x128xf32, #tpu.memory_space<hbm>> -> memref<256x128xf32, #tpu.memory_space<hbm>>
    %dma_wait3A_1055 = arith.constant 0 : i32
    %dma_wait3A_1056 = tpu.memref_slice %arg4[%div3A_534, %dma_wait3A_1055] : memref<520x128xf32, #tpu.memory_space<vmem>> -> memref<256x128xf32, #tpu.memory_space<vmem>>
    tpu.wait_dma2 semaphore(%arg5 : memref<!tpu.dma_semaphore, #tpu.memory_space<semaphore_mem>>) src(%dma_wait3A_1056 : memref<256x128xf32, #tpu.memory_space<vmem>>) dst(%dma_wait3A_1054 : memref<256x128xf32, #tpu.memory_space<hbm>>)
    %add3A_1057 = arith.constant 320 : i32
    %add3A_1058 = arith.addi %rem3A_8, %add3A_1057 : i32
    %sub3A_1059 = arith.constant 511 : i32
    %sub3A_1060 = arith.subi %sub3A_1059, %add3A_1058 : i32
    %mul3A_1061 = arith.constant 64 : i32
    %mul3A_1062 = arith.muli %sub3A_1060, %mul3A_1061 : i32
    %add3A_1063 = arith.addi %rem3A_4, %mul3A_1062 : i32
    %div3A_1064 = arith.constant 128 : i32
    %div3A_1065 = arith.divsi %add3A_1063, %div3A_1064 : i32
    %mul3A_1066 = arith.constant 2 : i32
    %mul3A_1067 = arith.muli %arg0, %mul3A_1066 : i32
    %add3A_1068 = arith.constant 0 : i32
    %add3A_1069 = arith.addi %mul3A_1067, %add3A_1068 : i32
    %mul3A_1070 = arith.constant 512 : i32
    %mul3A_1071 = arith.muli %add3A_1069, %mul3A_1070 : i32
    %add3A_1072 = arith.addi %mul3A_1071, %add3A_1058 : i32
    %mul3A_1073 = arith.constant 256 : i32
    %mul3A_1074 = arith.muli %add3A_1072, %mul3A_1073 : i32
    %dma_start3A_1075 = arith.constant 0 : i32
    %dma_start3A_1076 = tpu.memref_slice %arg4[%div3A_1065, %dma_start3A_1075] : memref<520x128xf32, #tpu.memory_space<vmem>> -> memref<256x128xf32, #tpu.memory_space<vmem>>
    %dma_start3A_1077 = arith.constant 0 : i32
    %dma_start3A_1078 = tpu.memref_slice %arg3[%mul3A_1074, %dma_start3A_1077] : memref<524288x128xf32, #tpu.memory_space<hbm>> -> memref<256x128xf32, #tpu.memory_space<hbm>>
    %dma_start3A_1079 = arith.constant 0 : i32
    %dma_start3A_1080 = tpu.memref_slice %arg3[%mul3A_1074, %dma_start3A_1079] : memref<524288x128xf32, #tpu.memory_space<hbm>> -> memref<256x128xf32, #tpu.memory_space<hbm>>
    %dma_start3A_1081 = arith.constant 0 : i32
    %dma_start3A_1082 = tpu.memref_slice %arg4[%div3A_1065, %dma_start3A_1081] : memref<520x128xf32, #tpu.memory_space<vmem>> -> memref<256x128xf32, #tpu.memory_space<vmem>>
    tpu.enqueue_dma source(%dma_start3A_1082 : memref<256x128xf32, #tpu.memory_space<vmem>>) target(%dma_start3A_1080 : memref<256x128xf32, #tpu.memory_space<hbm>>) target_semaphore(%arg5 : memref<!tpu.dma_semaphore, #tpu.memory_space<semaphore_mem>>)
    %dma_wait3A_1083 = arith.constant 0 : i32
    %dma_wait3A_1084 = tpu.memref_slice %arg4[%div3A_593, %dma_wait3A_1083] : memref<520x128xf32, #tpu.memory_space<vmem>> -> memref<256x128xf32, #tpu.memory_space<vmem>>
    %dma_wait3A_1085 = arith.constant 0 : i32
    %dma_wait3A_1086 = tpu.memref_slice %arg3[%mul3A_602, %dma_wait3A_1085] : memref<524288x128xf32, #tpu.memory_space<hbm>> -> memref<256x128xf32, #tpu.memory_space<hbm>>
    %dma_wait3A_1087 = arith.constant 0 : i32
    %dma_wait3A_1088 = tpu.memref_slice %arg3[%mul3A_602, %dma_wait3A_1087] : memref<524288x128xf32, #tpu.memory_space<hbm>> -> memref<256x128xf32, #tpu.memory_space<hbm>>
    %dma_wait3A_1089 = arith.constant 0 : i32
    %dma_wait3A_1090 = tpu.memref_slice %arg4[%div3A_593, %dma_wait3A_1089] : memref<520x128xf32, #tpu.memory_space<vmem>> -> memref<256x128xf32, #tpu.memory_space<vmem>>
    tpu.wait_dma2 semaphore(%arg5 : memref<!tpu.dma_semaphore, #tpu.memory_space<semaphore_mem>>) src(%dma_wait3A_1090 : memref<256x128xf32, #tpu.memory_space<vmem>>) dst(%dma_wait3A_1088 : memref<256x128xf32, #tpu.memory_space<hbm>>)
    %mul3A_1091 = arith.constant 2 : i32
    %mul3A_1092 = arith.muli %arg0, %mul3A_1091 : i32
    %add3A_1093 = arith.constant 1 : i32
    %add3A_1094 = arith.addi %mul3A_1092, %add3A_1093 : i32
    %mul3A_1095 = arith.constant 512 : i32
    %mul3A_1096 = arith.muli %add3A_1094, %mul3A_1095 : i32
    %add3A_1097 = arith.addi %mul3A_1096, %add3A_1058 : i32
    %mul3A_1098 = arith.constant 256 : i32
    %mul3A_1099 = arith.muli %add3A_1097, %mul3A_1098 : i32
    %dma_start3A_1100 = arith.constant 0 : i32
    %dma_start3A_1101 = tpu.memref_slice %arg4[%div3A_1065, %dma_start3A_1100] : memref<520x128xf32, #tpu.memory_space<vmem>> -> memref<256x128xf32, #tpu.memory_space<vmem>>
    %dma_start3A_1102 = arith.constant 0 : i32
    %dma_start3A_1103 = tpu.memref_slice %arg3[%mul3A_1099, %dma_start3A_1102] : memref<524288x128xf32, #tpu.memory_space<hbm>> -> memref<256x128xf32, #tpu.memory_space<hbm>>
    %dma_start3A_1104 = arith.constant 0 : i32
    %dma_start3A_1105 = tpu.memref_slice %arg3[%mul3A_1099, %dma_start3A_1104] : memref<524288x128xf32, #tpu.memory_space<hbm>> -> memref<256x128xf32, #tpu.memory_space<hbm>>
    %dma_start3A_1106 = arith.constant 0 : i32
    %dma_start3A_1107 = tpu.memref_slice %arg4[%div3A_1065, %dma_start3A_1106] : memref<520x128xf32, #tpu.memory_space<vmem>> -> memref<256x128xf32, #tpu.memory_space<vmem>>
    tpu.enqueue_dma source(%dma_start3A_1107 : memref<256x128xf32, #tpu.memory_space<vmem>>) target(%dma_start3A_1105 : memref<256x128xf32, #tpu.memory_space<hbm>>) target_semaphore(%arg5 : memref<!tpu.dma_semaphore, #tpu.memory_space<semaphore_mem>>)
    %dma_wait3A_1108 = arith.constant 0 : i32
    %dma_wait3A_1109 = tpu.memref_slice %arg4[%div3A_593, %dma_wait3A_1108] : memref<520x128xf32, #tpu.memory_space<vmem>> -> memref<256x128xf32, #tpu.memory_space<vmem>>
    %dma_wait3A_1110 = arith.constant 0 : i32
    %dma_wait3A_1111 = tpu.memref_slice %arg3[%mul3A_627, %dma_wait3A_1110] : memref<524288x128xf32, #tpu.memory_space<hbm>> -> memref<256x128xf32, #tpu.memory_space<hbm>>
    %dma_wait3A_1112 = arith.constant 0 : i32
    %dma_wait3A_1113 = tpu.memref_slice %arg3[%mul3A_627, %dma_wait3A_1112] : memref<524288x128xf32, #tpu.memory_space<hbm>> -> memref<256x128xf32, #tpu.memory_space<hbm>>
    %dma_wait3A_1114 = arith.constant 0 : i32
    %dma_wait3A_1115 = tpu.memref_slice %arg4[%div3A_593, %dma_wait3A_1114] : memref<520x128xf32, #tpu.memory_space<vmem>> -> memref<256x128xf32, #tpu.memory_space<vmem>>
    tpu.wait_dma2 semaphore(%arg5 : memref<!tpu.dma_semaphore, #tpu.memory_space<semaphore_mem>>) src(%dma_wait3A_1115 : memref<256x128xf32, #tpu.memory_space<vmem>>) dst(%dma_wait3A_1113 : memref<256x128xf32, #tpu.memory_space<hbm>>)
    %add3A_1116 = arith.constant 336 : i32
    %add3A_1117 = arith.addi %rem3A_8, %add3A_1116 : i32
    %sub3A_1118 = arith.constant 511 : i32
    %sub3A_1119 = arith.subi %sub3A_1118, %add3A_1117 : i32
    %mul3A_1120 = arith.constant 64 : i32
    %mul3A_1121 = arith.muli %sub3A_1119, %mul3A_1120 : i32
    %add3A_1122 = arith.addi %rem3A_4, %mul3A_1121 : i32
    %div3A_1123 = arith.constant 128 : i32
    %div3A_1124 = arith.divsi %add3A_1122, %div3A_1123 : i32
    %mul3A_1125 = arith.constant 2 : i32
    %mul3A_1126 = arith.muli %arg0, %mul3A_1125 : i32
    %add3A_1127 = arith.constant 0 : i32
    %add3A_1128 = arith.addi %mul3A_1126, %add3A_1127 : i32
    %mul3A_1129 = arith.constant 512 : i32
    %mul3A_1130 = arith.muli %add3A_1128, %mul3A_1129 : i32
    %add3A_1131 = arith.addi %mul3A_1130, %add3A_1117 : i32
    %mul3A_1132 = arith.constant 256 : i32
    %mul3A_1133 = arith.muli %add3A_1131, %mul3A_1132 : i32
    %dma_start3A_1134 = arith.constant 0 : i32
    %dma_start3A_1135 = tpu.memref_slice %arg4[%div3A_1124, %dma_start3A_1134] : memref<520x128xf32, #tpu.memory_space<vmem>> -> memref<256x128xf32, #tpu.memory_space<vmem>>
    %dma_start3A_1136 = arith.constant 0 : i32
    %dma_start3A_1137 = tpu.memref_slice %arg3[%mul3A_1133, %dma_start3A_1136] : memref<524288x128xf32, #tpu.memory_space<hbm>> -> memref<256x128xf32, #tpu.memory_space<hbm>>
    %dma_start3A_1138 = arith.constant 0 : i32
    %dma_start3A_1139 = tpu.memref_slice %arg3[%mul3A_1133, %dma_start3A_1138] : memref<524288x128xf32, #tpu.memory_space<hbm>> -> memref<256x128xf32, #tpu.memory_space<hbm>>
    %dma_start3A_1140 = arith.constant 0 : i32
    %dma_start3A_1141 = tpu.memref_slice %arg4[%div3A_1124, %dma_start3A_1140] : memref<520x128xf32, #tpu.memory_space<vmem>> -> memref<256x128xf32, #tpu.memory_space<vmem>>
    tpu.enqueue_dma source(%dma_start3A_1141 : memref<256x128xf32, #tpu.memory_space<vmem>>) target(%dma_start3A_1139 : memref<256x128xf32, #tpu.memory_space<hbm>>) target_semaphore(%arg5 : memref<!tpu.dma_semaphore, #tpu.memory_space<semaphore_mem>>)
    %dma_wait3A_1142 = arith.constant 0 : i32
    %dma_wait3A_1143 = tpu.memref_slice %arg4[%div3A_652, %dma_wait3A_1142] : memref<520x128xf32, #tpu.memory_space<vmem>> -> memref<256x128xf32, #tpu.memory_space<vmem>>
    %dma_wait3A_1144 = arith.constant 0 : i32
    %dma_wait3A_1145 = tpu.memref_slice %arg3[%mul3A_661, %dma_wait3A_1144] : memref<524288x128xf32, #tpu.memory_space<hbm>> -> memref<256x128xf32, #tpu.memory_space<hbm>>
    %dma_wait3A_1146 = arith.constant 0 : i32
    %dma_wait3A_1147 = tpu.memref_slice %arg3[%mul3A_661, %dma_wait3A_1146] : memref<524288x128xf32, #tpu.memory_space<hbm>> -> memref<256x128xf32, #tpu.memory_space<hbm>>
    %dma_wait3A_1148 = arith.constant 0 : i32
    %dma_wait3A_1149 = tpu.memref_slice %arg4[%div3A_652, %dma_wait3A_1148] : memref<520x128xf32, #tpu.memory_space<vmem>> -> memref<256x128xf32, #tpu.memory_space<vmem>>
    tpu.wait_dma2 semaphore(%arg5 : memref<!tpu.dma_semaphore, #tpu.memory_space<semaphore_mem>>) src(%dma_wait3A_1149 : memref<256x128xf32, #tpu.memory_space<vmem>>) dst(%dma_wait3A_1147 : memref<256x128xf32, #tpu.memory_space<hbm>>)
    %mul3A_1150 = arith.constant 2 : i32
    %mul3A_1151 = arith.muli %arg0, %mul3A_1150 : i32
    %add3A_1152 = arith.constant 1 : i32
    %add3A_1153 = arith.addi %mul3A_1151, %add3A_1152 : i32
    %mul3A_1154 = arith.constant 512 : i32
    %mul3A_1155 = arith.muli %add3A_1153, %mul3A_1154 : i32
    %add3A_1156 = arith.addi %mul3A_1155, %add3A_1117 : i32
    %mul3A_1157 = arith.constant 256 : i32
    %mul3A_1158 = arith.muli %add3A_1156, %mul3A_1157 : i32
    %dma_start3A_1159 = arith.constant 0 : i32
    %dma_start3A_1160 = tpu.memref_slice %arg4[%div3A_1124, %dma_start3A_1159] : memref<520x128xf32, #tpu.memory_space<vmem>> -> memref<256x128xf32, #tpu.memory_space<vmem>>
    %dma_start3A_1161 = arith.constant 0 : i32
    %dma_start3A_1162 = tpu.memref_slice %arg3[%mul3A_1158, %dma_start3A_1161] : memref<524288x128xf32, #tpu.memory_space<hbm>> -> memref<256x128xf32, #tpu.memory_space<hbm>>
    %dma_start3A_1163 = arith.constant 0 : i32
    %dma_start3A_1164 = tpu.memref_slice %arg3[%mul3A_1158, %dma_start3A_1163] : memref<524288x128xf32, #tpu.memory_space<hbm>> -> memref<256x128xf32, #tpu.memory_space<hbm>>
    %dma_start3A_1165 = arith.constant 0 : i32
    %dma_start3A_1166 = tpu.memref_slice %arg4[%div3A_1124, %dma_start3A_1165] : memref<520x128xf32, #tpu.memory_space<vmem>> -> memref<256x128xf32, #tpu.memory_space<vmem>>
    tpu.enqueue_dma source(%dma_start3A_1166 : memref<256x128xf32, #tpu.memory_space<vmem>>) target(%dma_start3A_1164 : memref<256x128xf32, #tpu.memory_space<hbm>>) target_semaphore(%arg5 : memref<!tpu.dma_semaphore, #tpu.memory_space<semaphore_mem>>)
    %dma_wait3A_1167 = arith.constant 0 : i32
    %dma_wait3A_1168 = tpu.memref_slice %arg4[%div3A_652, %dma_wait3A_1167] : memref<520x128xf32, #tpu.memory_space<vmem>> -> memref<256x128xf32, #tpu.memory_space<vmem>>
    %dma_wait3A_1169 = arith.constant 0 : i32
    %dma_wait3A_1170 = tpu.memref_slice %arg3[%mul3A_686, %dma_wait3A_1169] : memref<524288x128xf32, #tpu.memory_space<hbm>> -> memref<256x128xf32, #tpu.memory_space<hbm>>
    %dma_wait3A_1171 = arith.constant 0 : i32
    %dma_wait3A_1172 = tpu.memref_slice %arg3[%mul3A_686, %dma_wait3A_1171] : memref<524288x128xf32, #tpu.memory_space<hbm>> -> memref<256x128xf32, #tpu.memory_space<hbm>>
    %dma_wait3A_1173 = arith.constant 0 : i32
    %dma_wait3A_1174 = tpu.memref_slice %arg4[%div3A_652, %dma_wait3A_1173] : memref<520x128xf32, #tpu.memory_space<vmem>> -> memref<256x128xf32, #tpu.memory_space<vmem>>
    tpu.wait_dma2 semaphore(%arg5 : memref<!tpu.dma_semaphore, #tpu.memory_space<semaphore_mem>>) src(%dma_wait3A_1174 : memref<256x128xf32, #tpu.memory_space<vmem>>) dst(%dma_wait3A_1172 : memref<256x128xf32, #tpu.memory_space<hbm>>)
    %add3A_1175 = arith.constant 352 : i32
    %add3A_1176 = arith.addi %rem3A_8, %add3A_1175 : i32
    %sub3A_1177 = arith.constant 511 : i32
    %sub3A_1178 = arith.subi %sub3A_1177, %add3A_1176 : i32
    %mul3A_1179 = arith.constant 64 : i32
    %mul3A_1180 = arith.muli %sub3A_1178, %mul3A_1179 : i32
    %add3A_1181 = arith.addi %rem3A_4, %mul3A_1180 : i32
    %div3A_1182 = arith.constant 128 : i32
    %div3A_1183 = arith.divsi %add3A_1181, %div3A_1182 : i32
    %mul3A_1184 = arith.constant 2 : i32
    %mul3A_1185 = arith.muli %arg0, %mul3A_1184 : i32
    %add3A_1186 = arith.constant 0 : i32
    %add3A_1187 = arith.addi %mul3A_1185, %add3A_1186 : i32
    %mul3A_1188 = arith.constant 512 : i32
    %mul3A_1189 = arith.muli %add3A_1187, %mul3A_1188 : i32
    %add3A_1190 = arith.addi %mul3A_1189, %add3A_1176 : i32
    %mul3A_1191 = arith.constant 256 : i32
    %mul3A_1192 = arith.muli %add3A_1190, %mul3A_1191 : i32
    %dma_start3A_1193 = arith.constant 0 : i32
    %dma_start3A_1194 = tpu.memref_slice %arg4[%div3A_1183, %dma_start3A_1193] : memref<520x128xf32, #tpu.memory_space<vmem>> -> memref<256x128xf32, #tpu.memory_space<vmem>>
    %dma_start3A_1195 = arith.constant 0 : i32
    %dma_start3A_1196 = tpu.memref_slice %arg3[%mul3A_1192, %dma_start3A_1195] : memref<524288x128xf32, #tpu.memory_space<hbm>> -> memref<256x128xf32, #tpu.memory_space<hbm>>
    %dma_start3A_1197 = arith.constant 0 : i32
    %dma_start3A_1198 = tpu.memref_slice %arg3[%mul3A_1192, %dma_start3A_1197] : memref<524288x128xf32, #tpu.memory_space<hbm>> -> memref<256x128xf32, #tpu.memory_space<hbm>>
    %dma_start3A_1199 = arith.constant 0 : i32
    %dma_start3A_1200 = tpu.memref_slice %arg4[%div3A_1183, %dma_start3A_1199] : memref<520x128xf32, #tpu.memory_space<vmem>> -> memref<256x128xf32, #tpu.memory_space<vmem>>
    tpu.enqueue_dma source(%dma_start3A_1200 : memref<256x128xf32, #tpu.memory_space<vmem>>) target(%dma_start3A_1198 : memref<256x128xf32, #tpu.memory_space<hbm>>) target_semaphore(%arg5 : memref<!tpu.dma_semaphore, #tpu.memory_space<semaphore_mem>>)
    %dma_wait3A_1201 = arith.constant 0 : i32
    %dma_wait3A_1202 = tpu.memref_slice %arg4[%div3A_711, %dma_wait3A_1201] : memref<520x128xf32, #tpu.memory_space<vmem>> -> memref<256x128xf32, #tpu.memory_space<vmem>>
    %dma_wait3A_1203 = arith.constant 0 : i32
    %dma_wait3A_1204 = tpu.memref_slice %arg3[%mul3A_720, %dma_wait3A_1203] : memref<524288x128xf32, #tpu.memory_space<hbm>> -> memref<256x128xf32, #tpu.memory_space<hbm>>
    %dma_wait3A_1205 = arith.constant 0 : i32
    %dma_wait3A_1206 = tpu.memref_slice %arg3[%mul3A_720, %dma_wait3A_1205] : memref<524288x128xf32, #tpu.memory_space<hbm>> -> memref<256x128xf32, #tpu.memory_space<hbm>>
    %dma_wait3A_1207 = arith.constant 0 : i32
    %dma_wait3A_1208 = tpu.memref_slice %arg4[%div3A_711, %dma_wait3A_1207] : memref<520x128xf32, #tpu.memory_space<vmem>> -> memref<256x128xf32, #tpu.memory_space<vmem>>
    tpu.wait_dma2 semaphore(%arg5 : memref<!tpu.dma_semaphore, #tpu.memory_space<semaphore_mem>>) src(%dma_wait3A_1208 : memref<256x128xf32, #tpu.memory_space<vmem>>) dst(%dma_wait3A_1206 : memref<256x128xf32, #tpu.memory_space<hbm>>)
    %mul3A_1209 = arith.constant 2 : i32
    %mul3A_1210 = arith.muli %arg0, %mul3A_1209 : i32
    %add3A_1211 = arith.constant 1 : i32
    %add3A_1212 = arith.addi %mul3A_1210, %add3A_1211 : i32
    %mul3A_1213 = arith.constant 512 : i32
    %mul3A_1214 = arith.muli %add3A_1212, %mul3A_1213 : i32
    %add3A_1215 = arith.addi %mul3A_1214, %add3A_1176 : i32
    %mul3A_1216 = arith.constant 256 : i32
    %mul3A_1217 = arith.muli %add3A_1215, %mul3A_1216 : i32
    %dma_start3A_1218 = arith.constant 0 : i32
    %dma_start3A_1219 = tpu.memref_slice %arg4[%div3A_1183, %dma_start3A_1218] : memref<520x128xf32, #tpu.memory_space<vmem>> -> memref<256x128xf32, #tpu.memory_space<vmem>>
    %dma_start3A_1220 = arith.constant 0 : i32
    %dma_start3A_1221 = tpu.memref_slice %arg3[%mul3A_1217, %dma_start3A_1220] : memref<524288x128xf32, #tpu.memory_space<hbm>> -> memref<256x128xf32, #tpu.memory_space<hbm>>
    %dma_start3A_1222 = arith.constant 0 : i32
    %dma_start3A_1223 = tpu.memref_slice %arg3[%mul3A_1217, %dma_start3A_1222] : memref<524288x128xf32, #tpu.memory_space<hbm>> -> memref<256x128xf32, #tpu.memory_space<hbm>>
    %dma_start3A_1224 = arith.constant 0 : i32
    %dma_start3A_1225 = tpu.memref_slice %arg4[%div3A_1183, %dma_start3A_1224] : memref<520x128xf32, #tpu.memory_space<vmem>> -> memref<256x128xf32, #tpu.memory_space<vmem>>
    tpu.enqueue_dma source(%dma_start3A_1225 : memref<256x128xf32, #tpu.memory_space<vmem>>) target(%dma_start3A_1223 : memref<256x128xf32, #tpu.memory_space<hbm>>) target_semaphore(%arg5 : memref<!tpu.dma_semaphore, #tpu.memory_space<semaphore_mem>>)
    %dma_wait3A_1226 = arith.constant 0 : i32
    %dma_wait3A_1227 = tpu.memref_slice %arg4[%div3A_711, %dma_wait3A_1226] : memref<520x128xf32, #tpu.memory_space<vmem>> -> memref<256x128xf32, #tpu.memory_space<vmem>>
    %dma_wait3A_1228 = arith.constant 0 : i32
    %dma_wait3A_1229 = tpu.memref_slice %arg3[%mul3A_745, %dma_wait3A_1228] : memref<524288x128xf32, #tpu.memory_space<hbm>> -> memref<256x128xf32, #tpu.memory_space<hbm>>
    %dma_wait3A_1230 = arith.constant 0 : i32
    %dma_wait3A_1231 = tpu.memref_slice %arg3[%mul3A_745, %dma_wait3A_1230] : memref<524288x128xf32, #tpu.memory_space<hbm>> -> memref<256x128xf32, #tpu.memory_space<hbm>>
    %dma_wait3A_1232 = arith.constant 0 : i32
    %dma_wait3A_1233 = tpu.memref_slice %arg4[%div3A_711, %dma_wait3A_1232] : memref<520x128xf32, #tpu.memory_space<vmem>> -> memref<256x128xf32, #tpu.memory_space<vmem>>
    tpu.wait_dma2 semaphore(%arg5 : memref<!tpu.dma_semaphore, #tpu.memory_space<semaphore_mem>>) src(%dma_wait3A_1233 : memref<256x128xf32, #tpu.memory_space<vmem>>) dst(%dma_wait3A_1231 : memref<256x128xf32, #tpu.memory_space<hbm>>)
    %add3A_1234 = arith.constant 368 : i32
    %add3A_1235 = arith.addi %rem3A_8, %add3A_1234 : i32
    %sub3A_1236 = arith.constant 511 : i32
    %sub3A_1237 = arith.subi %sub3A_1236, %add3A_1235 : i32
    %mul3A_1238 = arith.constant 64 : i32
    %mul3A_1239 = arith.muli %sub3A_1237, %mul3A_1238 : i32
    %add3A_1240 = arith.addi %rem3A_4, %mul3A_1239 : i32
    %div3A_1241 = arith.constant 128 : i32
    %div3A_1242 = arith.divsi %add3A_1240, %div3A_1241 : i32
    %mul3A_1243 = arith.constant 2 : i32
    %mul3A_1244 = arith.muli %arg0, %mul3A_1243 : i32
    %add3A_1245 = arith.constant 0 : i32
    %add3A_1246 = arith.addi %mul3A_1244, %add3A_1245 : i32
    %mul3A_1247 = arith.constant 512 : i32
    %mul3A_1248 = arith.muli %add3A_1246, %mul3A_1247 : i32
    %add3A_1249 = arith.addi %mul3A_1248, %add3A_1235 : i32
    %mul3A_1250 = arith.constant 256 : i32
    %mul3A_1251 = arith.muli %add3A_1249, %mul3A_1250 : i32
    %dma_start3A_1252 = arith.constant 0 : i32
    %dma_start3A_1253 = tpu.memref_slice %arg4[%div3A_1242, %dma_start3A_1252] : memref<520x128xf32, #tpu.memory_space<vmem>> -> memref<256x128xf32, #tpu.memory_space<vmem>>
    %dma_start3A_1254 = arith.constant 0 : i32
    %dma_start3A_1255 = tpu.memref_slice %arg3[%mul3A_1251, %dma_start3A_1254] : memref<524288x128xf32, #tpu.memory_space<hbm>> -> memref<256x128xf32, #tpu.memory_space<hbm>>
    %dma_start3A_1256 = arith.constant 0 : i32
    %dma_start3A_1257 = tpu.memref_slice %arg3[%mul3A_1251, %dma_start3A_1256] : memref<524288x128xf32, #tpu.memory_space<hbm>> -> memref<256x128xf32, #tpu.memory_space<hbm>>
    %dma_start3A_1258 = arith.constant 0 : i32
    %dma_start3A_1259 = tpu.memref_slice %arg4[%div3A_1242, %dma_start3A_1258] : memref<520x128xf32, #tpu.memory_space<vmem>> -> memref<256x128xf32, #tpu.memory_space<vmem>>
    tpu.enqueue_dma source(%dma_start3A_1259 : memref<256x128xf32, #tpu.memory_space<vmem>>) target(%dma_start3A_1257 : memref<256x128xf32, #tpu.memory_space<hbm>>) target_semaphore(%arg5 : memref<!tpu.dma_semaphore, #tpu.memory_space<semaphore_mem>>)
    %dma_wait3A_1260 = arith.constant 0 : i32
    %dma_wait3A_1261 = tpu.memref_slice %arg4[%div3A_770, %dma_wait3A_1260] : memref<520x128xf32, #tpu.memory_space<vmem>> -> memref<256x128xf32, #tpu.memory_space<vmem>>
    %dma_wait3A_1262 = arith.constant 0 : i32
    %dma_wait3A_1263 = tpu.memref_slice %arg3[%mul3A_779, %dma_wait3A_1262] : memref<524288x128xf32, #tpu.memory_space<hbm>> -> memref<256x128xf32, #tpu.memory_space<hbm>>
    %dma_wait3A_1264 = arith.constant 0 : i32
    %dma_wait3A_1265 = tpu.memref_slice %arg3[%mul3A_779, %dma_wait3A_1264] : memref<524288x128xf32, #tpu.memory_space<hbm>> -> memref<256x128xf32, #tpu.memory_space<hbm>>
    %dma_wait3A_1266 = arith.constant 0 : i32
    %dma_wait3A_1267 = tpu.memref_slice %arg4[%div3A_770, %dma_wait3A_1266] : memref<520x128xf32, #tpu.memory_space<vmem>> -> memref<256x128xf32, #tpu.memory_space<vmem>>
    tpu.wait_dma2 semaphore(%arg5 : memref<!tpu.dma_semaphore, #tpu.memory_space<semaphore_mem>>) src(%dma_wait3A_1267 : memref<256x128xf32, #tpu.memory_space<vmem>>) dst(%dma_wait3A_1265 : memref<256x128xf32, #tpu.memory_space<hbm>>)
    %mul3A_1268 = arith.constant 2 : i32
    %mul3A_1269 = arith.muli %arg0, %mul3A_1268 : i32
    %add3A_1270 = arith.constant 1 : i32
    %add3A_1271 = arith.addi %mul3A_1269, %add3A_1270 : i32
    %mul3A_1272 = arith.constant 512 : i32
    %mul3A_1273 = arith.muli %add3A_1271, %mul3A_1272 : i32
    %add3A_1274 = arith.addi %mul3A_1273, %add3A_1235 : i32
    %mul3A_1275 = arith.constant 256 : i32
    %mul3A_1276 = arith.muli %add3A_1274, %mul3A_1275 : i32
    %dma_start3A_1277 = arith.constant 0 : i32
    %dma_start3A_1278 = tpu.memref_slice %arg4[%div3A_1242, %dma_start3A_1277] : memref<520x128xf32, #tpu.memory_space<vmem>> -> memref<256x128xf32, #tpu.memory_space<vmem>>
    %dma_start3A_1279 = arith.constant 0 : i32
    %dma_start3A_1280 = tpu.memref_slice %arg3[%mul3A_1276, %dma_start3A_1279] : memref<524288x128xf32, #tpu.memory_space<hbm>> -> memref<256x128xf32, #tpu.memory_space<hbm>>
    %dma_start3A_1281 = arith.constant 0 : i32
    %dma_start3A_1282 = tpu.memref_slice %arg3[%mul3A_1276, %dma_start3A_1281] : memref<524288x128xf32, #tpu.memory_space<hbm>> -> memref<256x128xf32, #tpu.memory_space<hbm>>
    %dma_start3A_1283 = arith.constant 0 : i32
    %dma_start3A_1284 = tpu.memref_slice %arg4[%div3A_1242, %dma_start3A_1283] : memref<520x128xf32, #tpu.memory_space<vmem>> -> memref<256x128xf32, #tpu.memory_space<vmem>>
    tpu.enqueue_dma source(%dma_start3A_1284 : memref<256x128xf32, #tpu.memory_space<vmem>>) target(%dma_start3A_1282 : memref<256x128xf32, #tpu.memory_space<hbm>>) target_semaphore(%arg5 : memref<!tpu.dma_semaphore, #tpu.memory_space<semaphore_mem>>)
    %dma_wait3A_1285 = arith.constant 0 : i32
    %dma_wait3A_1286 = tpu.memref_slice %arg4[%div3A_770, %dma_wait3A_1285] : memref<520x128xf32, #tpu.memory_space<vmem>> -> memref<256x128xf32, #tpu.memory_space<vmem>>
    %dma_wait3A_1287 = arith.constant 0 : i32
    %dma_wait3A_1288 = tpu.memref_slice %arg3[%mul3A_804, %dma_wait3A_1287] : memref<524288x128xf32, #tpu.memory_space<hbm>> -> memref<256x128xf32, #tpu.memory_space<hbm>>
    %dma_wait3A_1289 = arith.constant 0 : i32
    %dma_wait3A_1290 = tpu.memref_slice %arg3[%mul3A_804, %dma_wait3A_1289] : memref<524288x128xf32, #tpu.memory_space<hbm>> -> memref<256x128xf32, #tpu.memory_space<hbm>>
    %dma_wait3A_1291 = arith.constant 0 : i32
    %dma_wait3A_1292 = tpu.memref_slice %arg4[%div3A_770, %dma_wait3A_1291] : memref<520x128xf32, #tpu.memory_space<vmem>> -> memref<256x128xf32, #tpu.memory_space<vmem>>
    tpu.wait_dma2 semaphore(%arg5 : memref<!tpu.dma_semaphore, #tpu.memory_space<semaphore_mem>>) src(%dma_wait3A_1292 : memref<256x128xf32, #tpu.memory_space<vmem>>) dst(%dma_wait3A_1290 : memref<256x128xf32, #tpu.memory_space<hbm>>)
    %add3A_1293 = arith.constant 384 : i32
    %add3A_1294 = arith.addi %rem3A_8, %add3A_1293 : i32
    %sub3A_1295 = arith.constant 511 : i32
    %sub3A_1296 = arith.subi %sub3A_1295, %add3A_1294 : i32
    %mul3A_1297 = arith.constant 64 : i32
    %mul3A_1298 = arith.muli %sub3A_1296, %mul3A_1297 : i32
    %add3A_1299 = arith.addi %rem3A_4, %mul3A_1298 : i32
    %div3A_1300 = arith.constant 128 : i32
    %div3A_1301 = arith.divsi %add3A_1299, %div3A_1300 : i32
    %mul3A_1302 = arith.constant 2 : i32
    %mul3A_1303 = arith.muli %arg0, %mul3A_1302 : i32
    %add3A_1304 = arith.constant 0 : i32
    %add3A_1305 = arith.addi %mul3A_1303, %add3A_1304 : i32
    %mul3A_1306 = arith.constant 512 : i32
    %mul3A_1307 = arith.muli %add3A_1305, %mul3A_1306 : i32
    %add3A_1308 = arith.addi %mul3A_1307, %add3A_1294 : i32
    %mul3A_1309 = arith.constant 256 : i32
    %mul3A_1310 = arith.muli %add3A_1308, %mul3A_1309 : i32
    %dma_start3A_1311 = arith.constant 0 : i32
    %dma_start3A_1312 = tpu.memref_slice %arg4[%div3A_1301, %dma_start3A_1311] : memref<520x128xf32, #tpu.memory_space<vmem>> -> memref<256x128xf32, #tpu.memory_space<vmem>>
    %dma_start3A_1313 = arith.constant 0 : i32
    %dma_start3A_1314 = tpu.memref_slice %arg3[%mul3A_1310, %dma_start3A_1313] : memref<524288x128xf32, #tpu.memory_space<hbm>> -> memref<256x128xf32, #tpu.memory_space<hbm>>
    %dma_start3A_1315 = arith.constant 0 : i32
    %dma_start3A_1316 = tpu.memref_slice %arg3[%mul3A_1310, %dma_start3A_1315] : memref<524288x128xf32, #tpu.memory_space<hbm>> -> memref<256x128xf32, #tpu.memory_space<hbm>>
    %dma_start3A_1317 = arith.constant 0 : i32
    %dma_start3A_1318 = tpu.memref_slice %arg4[%div3A_1301, %dma_start3A_1317] : memref<520x128xf32, #tpu.memory_space<vmem>> -> memref<256x128xf32, #tpu.memory_space<vmem>>
    tpu.enqueue_dma source(%dma_start3A_1318 : memref<256x128xf32, #tpu.memory_space<vmem>>) target(%dma_start3A_1316 : memref<256x128xf32, #tpu.memory_space<hbm>>) target_semaphore(%arg5 : memref<!tpu.dma_semaphore, #tpu.memory_space<semaphore_mem>>)
    %dma_wait3A_1319 = arith.constant 0 : i32
    %dma_wait3A_1320 = tpu.memref_slice %arg4[%div3A_829, %dma_wait3A_1319] : memref<520x128xf32, #tpu.memory_space<vmem>> -> memref<256x128xf32, #tpu.memory_space<vmem>>
    %dma_wait3A_1321 = arith.constant 0 : i32
    %dma_wait3A_1322 = tpu.memref_slice %arg3[%mul3A_838, %dma_wait3A_1321] : memref<524288x128xf32, #tpu.memory_space<hbm>> -> memref<256x128xf32, #tpu.memory_space<hbm>>
    %dma_wait3A_1323 = arith.constant 0 : i32
    %dma_wait3A_1324 = tpu.memref_slice %arg3[%mul3A_838, %dma_wait3A_1323] : memref<524288x128xf32, #tpu.memory_space<hbm>> -> memref<256x128xf32, #tpu.memory_space<hbm>>
    %dma_wait3A_1325 = arith.constant 0 : i32
    %dma_wait3A_1326 = tpu.memref_slice %arg4[%div3A_829, %dma_wait3A_1325] : memref<520x128xf32, #tpu.memory_space<vmem>> -> memref<256x128xf32, #tpu.memory_space<vmem>>
    tpu.wait_dma2 semaphore(%arg5 : memref<!tpu.dma_semaphore, #tpu.memory_space<semaphore_mem>>) src(%dma_wait3A_1326 : memref<256x128xf32, #tpu.memory_space<vmem>>) dst(%dma_wait3A_1324 : memref<256x128xf32, #tpu.memory_space<hbm>>)
    %mul3A_1327 = arith.constant 2 : i32
    %mul3A_1328 = arith.muli %arg0, %mul3A_1327 : i32
    %add3A_1329 = arith.constant 1 : i32
    %add3A_1330 = arith.addi %mul3A_1328, %add3A_1329 : i32
    %mul3A_1331 = arith.constant 512 : i32
    %mul3A_1332 = arith.muli %add3A_1330, %mul3A_1331 : i32
    %add3A_1333 = arith.addi %mul3A_1332, %add3A_1294 : i32
    %mul3A_1334 = arith.constant 256 : i32
    %mul3A_1335 = arith.muli %add3A_1333, %mul3A_1334 : i32
    %dma_start3A_1336 = arith.constant 0 : i32
    %dma_start3A_1337 = tpu.memref_slice %arg4[%div3A_1301, %dma_start3A_1336] : memref<520x128xf32, #tpu.memory_space<vmem>> -> memref<256x128xf32, #tpu.memory_space<vmem>>
    %dma_start3A_1338 = arith.constant 0 : i32
    %dma_start3A_1339 = tpu.memref_slice %arg3[%mul3A_1335, %dma_start3A_1338] : memref<524288x128xf32, #tpu.memory_space<hbm>> -> memref<256x128xf32, #tpu.memory_space<hbm>>
    %dma_start3A_1340 = arith.constant 0 : i32
    %dma_start3A_1341 = tpu.memref_slice %arg3[%mul3A_1335, %dma_start3A_1340] : memref<524288x128xf32, #tpu.memory_space<hbm>> -> memref<256x128xf32, #tpu.memory_space<hbm>>
    %dma_start3A_1342 = arith.constant 0 : i32
    %dma_start3A_1343 = tpu.memref_slice %arg4[%div3A_1301, %dma_start3A_1342] : memref<520x128xf32, #tpu.memory_space<vmem>> -> memref<256x128xf32, #tpu.memory_space<vmem>>
    tpu.enqueue_dma source(%dma_start3A_1343 : memref<256x128xf32, #tpu.memory_space<vmem>>) target(%dma_start3A_1341 : memref<256x128xf32, #tpu.memory_space<hbm>>) target_semaphore(%arg5 : memref<!tpu.dma_semaphore, #tpu.memory_space<semaphore_mem>>)
    %dma_wait3A_1344 = arith.constant 0 : i32
    %dma_wait3A_1345 = tpu.memref_slice %arg4[%div3A_829, %dma_wait3A_1344] : memref<520x128xf32, #tpu.memory_space<vmem>> -> memref<256x128xf32, #tpu.memory_space<vmem>>
    %dma_wait3A_1346 = arith.constant 0 : i32
    %dma_wait3A_1347 = tpu.memref_slice %arg3[%mul3A_863, %dma_wait3A_1346] : memref<524288x128xf32, #tpu.memory_space<hbm>> -> memref<256x128xf32, #tpu.memory_space<hbm>>
    %dma_wait3A_1348 = arith.constant 0 : i32
    %dma_wait3A_1349 = tpu.memref_slice %arg3[%mul3A_863, %dma_wait3A_1348] : memref<524288x128xf32, #tpu.memory_space<hbm>> -> memref<256x128xf32, #tpu.memory_space<hbm>>
    %dma_wait3A_1350 = arith.constant 0 : i32
    %dma_wait3A_1351 = tpu.memref_slice %arg4[%div3A_829, %dma_wait3A_1350] : memref<520x128xf32, #tpu.memory_space<vmem>> -> memref<256x128xf32, #tpu.memory_space<vmem>>
    tpu.wait_dma2 semaphore(%arg5 : memref<!tpu.dma_semaphore, #tpu.memory_space<semaphore_mem>>) src(%dma_wait3A_1351 : memref<256x128xf32, #tpu.memory_space<vmem>>) dst(%dma_wait3A_1349 : memref<256x128xf32, #tpu.memory_space<hbm>>)
    %add3A_1352 = arith.constant 400 : i32
    %add3A_1353 = arith.addi %rem3A_8, %add3A_1352 : i32
    %sub3A_1354 = arith.constant 511 : i32
    %sub3A_1355 = arith.subi %sub3A_1354, %add3A_1353 : i32
    %mul3A_1356 = arith.constant 64 : i32
    %mul3A_1357 = arith.muli %sub3A_1355, %mul3A_1356 : i32
    %add3A_1358 = arith.addi %rem3A_4, %mul3A_1357 : i32
    %div3A_1359 = arith.constant 128 : i32
    %div3A_1360 = arith.divsi %add3A_1358, %div3A_1359 : i32
    %mul3A_1361 = arith.constant 2 : i32
    %mul3A_1362 = arith.muli %arg0, %mul3A_1361 : i32
    %add3A_1363 = arith.constant 0 : i32
    %add3A_1364 = arith.addi %mul3A_1362, %add3A_1363 : i32
    %mul3A_1365 = arith.constant 512 : i32
    %mul3A_1366 = arith.muli %add3A_1364, %mul3A_1365 : i32
    %add3A_1367 = arith.addi %mul3A_1366, %add3A_1353 : i32
    %mul3A_1368 = arith.constant 256 : i32
    %mul3A_1369 = arith.muli %add3A_1367, %mul3A_1368 : i32
    %dma_start3A_1370 = arith.constant 0 : i32
    %dma_start3A_1371 = tpu.memref_slice %arg4[%div3A_1360, %dma_start3A_1370] : memref<520x128xf32, #tpu.memory_space<vmem>> -> memref<256x128xf32, #tpu.memory_space<vmem>>
    %dma_start3A_1372 = arith.constant 0 : i32
    %dma_start3A_1373 = tpu.memref_slice %arg3[%mul3A_1369, %dma_start3A_1372] : memref<524288x128xf32, #tpu.memory_space<hbm>> -> memref<256x128xf32, #tpu.memory_space<hbm>>
    %dma_start3A_1374 = arith.constant 0 : i32
    %dma_start3A_1375 = tpu.memref_slice %arg3[%mul3A_1369, %dma_start3A_1374] : memref<524288x128xf32, #tpu.memory_space<hbm>> -> memref<256x128xf32, #tpu.memory_space<hbm>>
    %dma_start3A_1376 = arith.constant 0 : i32
    %dma_start3A_1377 = tpu.memref_slice %arg4[%div3A_1360, %dma_start3A_1376] : memref<520x128xf32, #tpu.memory_space<vmem>> -> memref<256x128xf32, #tpu.memory_space<vmem>>
    tpu.enqueue_dma source(%dma_start3A_1377 : memref<256x128xf32, #tpu.memory_space<vmem>>) target(%dma_start3A_1375 : memref<256x128xf32, #tpu.memory_space<hbm>>) target_semaphore(%arg5 : memref<!tpu.dma_semaphore, #tpu.memory_space<semaphore_mem>>)
    %dma_wait3A_1378 = arith.constant 0 : i32
    %dma_wait3A_1379 = tpu.memref_slice %arg4[%div3A_888, %dma_wait3A_1378] : memref<520x128xf32, #tpu.memory_space<vmem>> -> memref<256x128xf32, #tpu.memory_space<vmem>>
    %dma_wait3A_1380 = arith.constant 0 : i32
    %dma_wait3A_1381 = tpu.memref_slice %arg3[%mul3A_897, %dma_wait3A_1380] : memref<524288x128xf32, #tpu.memory_space<hbm>> -> memref<256x128xf32, #tpu.memory_space<hbm>>
    %dma_wait3A_1382 = arith.constant 0 : i32
    %dma_wait3A_1383 = tpu.memref_slice %arg3[%mul3A_897, %dma_wait3A_1382] : memref<524288x128xf32, #tpu.memory_space<hbm>> -> memref<256x128xf32, #tpu.memory_space<hbm>>
    %dma_wait3A_1384 = arith.constant 0 : i32
    %dma_wait3A_1385 = tpu.memref_slice %arg4[%div3A_888, %dma_wait3A_1384] : memref<520x128xf32, #tpu.memory_space<vmem>> -> memref<256x128xf32, #tpu.memory_space<vmem>>
    tpu.wait_dma2 semaphore(%arg5 : memref<!tpu.dma_semaphore, #tpu.memory_space<semaphore_mem>>) src(%dma_wait3A_1385 : memref<256x128xf32, #tpu.memory_space<vmem>>) dst(%dma_wait3A_1383 : memref<256x128xf32, #tpu.memory_space<hbm>>)
    %mul3A_1386 = arith.constant 2 : i32
    %mul3A_1387 = arith.muli %arg0, %mul3A_1386 : i32
    %add3A_1388 = arith.constant 1 : i32
    %add3A_1389 = arith.addi %mul3A_1387, %add3A_1388 : i32
    %mul3A_1390 = arith.constant 512 : i32
    %mul3A_1391 = arith.muli %add3A_1389, %mul3A_1390 : i32
    %add3A_1392 = arith.addi %mul3A_1391, %add3A_1353 : i32
    %mul3A_1393 = arith.constant 256 : i32
    %mul3A_1394 = arith.muli %add3A_1392, %mul3A_1393 : i32
    %dma_start3A_1395 = arith.constant 0 : i32
    %dma_start3A_1396 = tpu.memref_slice %arg4[%div3A_1360, %dma_start3A_1395] : memref<520x128xf32, #tpu.memory_space<vmem>> -> memref<256x128xf32, #tpu.memory_space<vmem>>
    %dma_start3A_1397 = arith.constant 0 : i32
    %dma_start3A_1398 = tpu.memref_slice %arg3[%mul3A_1394, %dma_start3A_1397] : memref<524288x128xf32, #tpu.memory_space<hbm>> -> memref<256x128xf32, #tpu.memory_space<hbm>>
    %dma_start3A_1399 = arith.constant 0 : i32
    %dma_start3A_1400 = tpu.memref_slice %arg3[%mul3A_1394, %dma_start3A_1399] : memref<524288x128xf32, #tpu.memory_space<hbm>> -> memref<256x128xf32, #tpu.memory_space<hbm>>
    %dma_start3A_1401 = arith.constant 0 : i32
    %dma_start3A_1402 = tpu.memref_slice %arg4[%div3A_1360, %dma_start3A_1401] : memref<520x128xf32, #tpu.memory_space<vmem>> -> memref<256x128xf32, #tpu.memory_space<vmem>>
    tpu.enqueue_dma source(%dma_start3A_1402 : memref<256x128xf32, #tpu.memory_space<vmem>>) target(%dma_start3A_1400 : memref<256x128xf32, #tpu.memory_space<hbm>>) target_semaphore(%arg5 : memref<!tpu.dma_semaphore, #tpu.memory_space<semaphore_mem>>)
    %dma_wait3A_1403 = arith.constant 0 : i32
    %dma_wait3A_1404 = tpu.memref_slice %arg4[%div3A_888, %dma_wait3A_1403] : memref<520x128xf32, #tpu.memory_space<vmem>> -> memref<256x128xf32, #tpu.memory_space<vmem>>
    %dma_wait3A_1405 = arith.constant 0 : i32
    %dma_wait3A_1406 = tpu.memref_slice %arg3[%mul3A_922, %dma_wait3A_1405] : memref<524288x128xf32, #tpu.memory_space<hbm>> -> memref<256x128xf32, #tpu.memory_space<hbm>>
    %dma_wait3A_1407 = arith.constant 0 : i32
    %dma_wait3A_1408 = tpu.memref_slice %arg3[%mul3A_922, %dma_wait3A_1407] : memref<524288x128xf32, #tpu.memory_space<hbm>> -> memref<256x128xf32, #tpu.memory_space<hbm>>
    %dma_wait3A_1409 = arith.constant 0 : i32
    %dma_wait3A_1410 = tpu.memref_slice %arg4[%div3A_888, %dma_wait3A_1409] : memref<520x128xf32, #tpu.memory_space<vmem>> -> memref<256x128xf32, #tpu.memory_space<vmem>>
    tpu.wait_dma2 semaphore(%arg5 : memref<!tpu.dma_semaphore, #tpu.memory_space<semaphore_mem>>) src(%dma_wait3A_1410 : memref<256x128xf32, #tpu.memory_space<vmem>>) dst(%dma_wait3A_1408 : memref<256x128xf32, #tpu.memory_space<hbm>>)
    %add3A_1411 = arith.constant 416 : i32
    %add3A_1412 = arith.addi %rem3A_8, %add3A_1411 : i32
    %sub3A_1413 = arith.constant 511 : i32
    %sub3A_1414 = arith.subi %sub3A_1413, %add3A_1412 : i32
    %mul3A_1415 = arith.constant 64 : i32
    %mul3A_1416 = arith.muli %sub3A_1414, %mul3A_1415 : i32
    %add3A_1417 = arith.addi %rem3A_4, %mul3A_1416 : i32
    %div3A_1418 = arith.constant 128 : i32
    %div3A_1419 = arith.divsi %add3A_1417, %div3A_1418 : i32
    %mul3A_1420 = arith.constant 2 : i32
    %mul3A_1421 = arith.muli %arg0, %mul3A_1420 : i32
    %add3A_1422 = arith.constant 0 : i32
    %add3A_1423 = arith.addi %mul3A_1421, %add3A_1422 : i32
    %mul3A_1424 = arith.constant 512 : i32
    %mul3A_1425 = arith.muli %add3A_1423, %mul3A_1424 : i32
    %add3A_1426 = arith.addi %mul3A_1425, %add3A_1412 : i32
    %mul3A_1427 = arith.constant 256 : i32
    %mul3A_1428 = arith.muli %add3A_1426, %mul3A_1427 : i32
    %dma_start3A_1429 = arith.constant 0 : i32
    %dma_start3A_1430 = tpu.memref_slice %arg4[%div3A_1419, %dma_start3A_1429] : memref<520x128xf32, #tpu.memory_space<vmem>> -> memref<256x128xf32, #tpu.memory_space<vmem>>
    %dma_start3A_1431 = arith.constant 0 : i32
    %dma_start3A_1432 = tpu.memref_slice %arg3[%mul3A_1428, %dma_start3A_1431] : memref<524288x128xf32, #tpu.memory_space<hbm>> -> memref<256x128xf32, #tpu.memory_space<hbm>>
    %dma_start3A_1433 = arith.constant 0 : i32
    %dma_start3A_1434 = tpu.memref_slice %arg3[%mul3A_1428, %dma_start3A_1433] : memref<524288x128xf32, #tpu.memory_space<hbm>> -> memref<256x128xf32, #tpu.memory_space<hbm>>
    %dma_start3A_1435 = arith.constant 0 : i32
    %dma_start3A_1436 = tpu.memref_slice %arg4[%div3A_1419, %dma_start3A_1435] : memref<520x128xf32, #tpu.memory_space<vmem>> -> memref<256x128xf32, #tpu.memory_space<vmem>>
    tpu.enqueue_dma source(%dma_start3A_1436 : memref<256x128xf32, #tpu.memory_space<vmem>>) target(%dma_start3A_1434 : memref<256x128xf32, #tpu.memory_space<hbm>>) target_semaphore(%arg5 : memref<!tpu.dma_semaphore, #tpu.memory_space<semaphore_mem>>)
    %dma_wait3A_1437 = arith.constant 0 : i32
    %dma_wait3A_1438 = tpu.memref_slice %arg4[%div3A_947, %dma_wait3A_1437] : memref<520x128xf32, #tpu.memory_space<vmem>> -> memref<256x128xf32, #tpu.memory_space<vmem>>
    %dma_wait3A_1439 = arith.constant 0 : i32
    %dma_wait3A_1440 = tpu.memref_slice %arg3[%mul3A_956, %dma_wait3A_1439] : memref<524288x128xf32, #tpu.memory_space<hbm>> -> memref<256x128xf32, #tpu.memory_space<hbm>>
    %dma_wait3A_1441 = arith.constant 0 : i32
    %dma_wait3A_1442 = tpu.memref_slice %arg3[%mul3A_956, %dma_wait3A_1441] : memref<524288x128xf32, #tpu.memory_space<hbm>> -> memref<256x128xf32, #tpu.memory_space<hbm>>
    %dma_wait3A_1443 = arith.constant 0 : i32
    %dma_wait3A_1444 = tpu.memref_slice %arg4[%div3A_947, %dma_wait3A_1443] : memref<520x128xf32, #tpu.memory_space<vmem>> -> memref<256x128xf32, #tpu.memory_space<vmem>>
    tpu.wait_dma2 semaphore(%arg5 : memref<!tpu.dma_semaphore, #tpu.memory_space<semaphore_mem>>) src(%dma_wait3A_1444 : memref<256x128xf32, #tpu.memory_space<vmem>>) dst(%dma_wait3A_1442 : memref<256x128xf32, #tpu.memory_space<hbm>>)
    %mul3A_1445 = arith.constant 2 : i32
    %mul3A_1446 = arith.muli %arg0, %mul3A_1445 : i32
    %add3A_1447 = arith.constant 1 : i32
    %add3A_1448 = arith.addi %mul3A_1446, %add3A_1447 : i32
    %mul3A_1449 = arith.constant 512 : i32
    %mul3A_1450 = arith.muli %add3A_1448, %mul3A_1449 : i32
    %add3A_1451 = arith.addi %mul3A_1450, %add3A_1412 : i32
    %mul3A_1452 = arith.constant 256 : i32
    %mul3A_1453 = arith.muli %add3A_1451, %mul3A_1452 : i32
    %dma_start3A_1454 = arith.constant 0 : i32
    %dma_start3A_1455 = tpu.memref_slice %arg4[%div3A_1419, %dma_start3A_1454] : memref<520x128xf32, #tpu.memory_space<vmem>> -> memref<256x128xf32, #tpu.memory_space<vmem>>
    %dma_start3A_1456 = arith.constant 0 : i32
    %dma_start3A_1457 = tpu.memref_slice %arg3[%mul3A_1453, %dma_start3A_1456] : memref<524288x128xf32, #tpu.memory_space<hbm>> -> memref<256x128xf32, #tpu.memory_space<hbm>>
    %dma_start3A_1458 = arith.constant 0 : i32
    %dma_start3A_1459 = tpu.memref_slice %arg3[%mul3A_1453, %dma_start3A_1458] : memref<524288x128xf32, #tpu.memory_space<hbm>> -> memref<256x128xf32, #tpu.memory_space<hbm>>
    %dma_start3A_1460 = arith.constant 0 : i32
    %dma_start3A_1461 = tpu.memref_slice %arg4[%div3A_1419, %dma_start3A_1460] : memref<520x128xf32, #tpu.memory_space<vmem>> -> memref<256x128xf32, #tpu.memory_space<vmem>>
    tpu.enqueue_dma source(%dma_start3A_1461 : memref<256x128xf32, #tpu.memory_space<vmem>>) target(%dma_start3A_1459 : memref<256x128xf32, #tpu.memory_space<hbm>>) target_semaphore(%arg5 : memref<!tpu.dma_semaphore, #tpu.memory_space<semaphore_mem>>)
    %dma_wait3A_1462 = arith.constant 0 : i32
    %dma_wait3A_1463 = tpu.memref_slice %arg4[%div3A_947, %dma_wait3A_1462] : memref<520x128xf32, #tpu.memory_space<vmem>> -> memref<256x128xf32, #tpu.memory_space<vmem>>
    %dma_wait3A_1464 = arith.constant 0 : i32
    %dma_wait3A_1465 = tpu.memref_slice %arg3[%mul3A_981, %dma_wait3A_1464] : memref<524288x128xf32, #tpu.memory_space<hbm>> -> memref<256x128xf32, #tpu.memory_space<hbm>>
    %dma_wait3A_1466 = arith.constant 0 : i32
    %dma_wait3A_1467 = tpu.memref_slice %arg3[%mul3A_981, %dma_wait3A_1466] : memref<524288x128xf32, #tpu.memory_space<hbm>> -> memref<256x128xf32, #tpu.memory_space<hbm>>
    %dma_wait3A_1468 = arith.constant 0 : i32
    %dma_wait3A_1469 = tpu.memref_slice %arg4[%div3A_947, %dma_wait3A_1468] : memref<520x128xf32, #tpu.memory_space<vmem>> -> memref<256x128xf32, #tpu.memory_space<vmem>>
    tpu.wait_dma2 semaphore(%arg5 : memref<!tpu.dma_semaphore, #tpu.memory_space<semaphore_mem>>) src(%dma_wait3A_1469 : memref<256x128xf32, #tpu.memory_space<vmem>>) dst(%dma_wait3A_1467 : memref<256x128xf32, #tpu.memory_space<hbm>>)
    %add3A_1470 = arith.constant 432 : i32
    %add3A_1471 = arith.addi %rem3A_8, %add3A_1470 : i32
    %sub3A_1472 = arith.constant 511 : i32
    %sub3A_1473 = arith.subi %sub3A_1472, %add3A_1471 : i32
    %mul3A_1474 = arith.constant 64 : i32
    %mul3A_1475 = arith.muli %sub3A_1473, %mul3A_1474 : i32
    %add3A_1476 = arith.addi %rem3A_4, %mul3A_1475 : i32
    %div3A_1477 = arith.constant 128 : i32
    %div3A_1478 = arith.divsi %add3A_1476, %div3A_1477 : i32
    %mul3A_1479 = arith.constant 2 : i32
    %mul3A_1480 = arith.muli %arg0, %mul3A_1479 : i32
    %add3A_1481 = arith.constant 0 : i32
    %add3A_1482 = arith.addi %mul3A_1480, %add3A_1481 : i32
    %mul3A_1483 = arith.constant 512 : i32
    %mul3A_1484 = arith.muli %add3A_1482, %mul3A_1483 : i32
    %add3A_1485 = arith.addi %mul3A_1484, %add3A_1471 : i32
    %mul3A_1486 = arith.constant 256 : i32
    %mul3A_1487 = arith.muli %add3A_1485, %mul3A_1486 : i32
    %dma_start3A_1488 = arith.constant 0 : i32
    %dma_start3A_1489 = tpu.memref_slice %arg4[%div3A_1478, %dma_start3A_1488] : memref<520x128xf32, #tpu.memory_space<vmem>> -> memref<256x128xf32, #tpu.memory_space<vmem>>
    %dma_start3A_1490 = arith.constant 0 : i32
    %dma_start3A_1491 = tpu.memref_slice %arg3[%mul3A_1487, %dma_start3A_1490] : memref<524288x128xf32, #tpu.memory_space<hbm>> -> memref<256x128xf32, #tpu.memory_space<hbm>>
    %dma_start3A_1492 = arith.constant 0 : i32
    %dma_start3A_1493 = tpu.memref_slice %arg3[%mul3A_1487, %dma_start3A_1492] : memref<524288x128xf32, #tpu.memory_space<hbm>> -> memref<256x128xf32, #tpu.memory_space<hbm>>
    %dma_start3A_1494 = arith.constant 0 : i32
    %dma_start3A_1495 = tpu.memref_slice %arg4[%div3A_1478, %dma_start3A_1494] : memref<520x128xf32, #tpu.memory_space<vmem>> -> memref<256x128xf32, #tpu.memory_space<vmem>>
    tpu.enqueue_dma source(%dma_start3A_1495 : memref<256x128xf32, #tpu.memory_space<vmem>>) target(%dma_start3A_1493 : memref<256x128xf32, #tpu.memory_space<hbm>>) target_semaphore(%arg5 : memref<!tpu.dma_semaphore, #tpu.memory_space<semaphore_mem>>)
    %dma_wait3A_1496 = arith.constant 0 : i32
    %dma_wait3A_1497 = tpu.memref_slice %arg4[%div3A_1006, %dma_wait3A_1496] : memref<520x128xf32, #tpu.memory_space<vmem>> -> memref<256x128xf32, #tpu.memory_space<vmem>>
    %dma_wait3A_1498 = arith.constant 0 : i32
    %dma_wait3A_1499 = tpu.memref_slice %arg3[%mul3A_1015, %dma_wait3A_1498] : memref<524288x128xf32, #tpu.memory_space<hbm>> -> memref<256x128xf32, #tpu.memory_space<hbm>>
    %dma_wait3A_1500 = arith.constant 0 : i32
    %dma_wait3A_1501 = tpu.memref_slice %arg3[%mul3A_1015, %dma_wait3A_1500] : memref<524288x128xf32, #tpu.memory_space<hbm>> -> memref<256x128xf32, #tpu.memory_space<hbm>>
    %dma_wait3A_1502 = arith.constant 0 : i32
    %dma_wait3A_1503 = tpu.memref_slice %arg4[%div3A_1006, %dma_wait3A_1502] : memref<520x128xf32, #tpu.memory_space<vmem>> -> memref<256x128xf32, #tpu.memory_space<vmem>>
    tpu.wait_dma2 semaphore(%arg5 : memref<!tpu.dma_semaphore, #tpu.memory_space<semaphore_mem>>) src(%dma_wait3A_1503 : memref<256x128xf32, #tpu.memory_space<vmem>>) dst(%dma_wait3A_1501 : memref<256x128xf32, #tpu.memory_space<hbm>>)
    %mul3A_1504 = arith.constant 2 : i32
    %mul3A_1505 = arith.muli %arg0, %mul3A_1504 : i32
    %add3A_1506 = arith.constant 1 : i32
    %add3A_1507 = arith.addi %mul3A_1505, %add3A_1506 : i32
    %mul3A_1508 = arith.constant 512 : i32
    %mul3A_1509 = arith.muli %add3A_1507, %mul3A_1508 : i32
    %add3A_1510 = arith.addi %mul3A_1509, %add3A_1471 : i32
    %mul3A_1511 = arith.constant 256 : i32
    %mul3A_1512 = arith.muli %add3A_1510, %mul3A_1511 : i32
    %dma_start3A_1513 = arith.constant 0 : i32
    %dma_start3A_1514 = tpu.memref_slice %arg4[%div3A_1478, %dma_start3A_1513] : memref<520x128xf32, #tpu.memory_space<vmem>> -> memref<256x128xf32, #tpu.memory_space<vmem>>
    %dma_start3A_1515 = arith.constant 0 : i32
    %dma_start3A_1516 = tpu.memref_slice %arg3[%mul3A_1512, %dma_start3A_1515] : memref<524288x128xf32, #tpu.memory_space<hbm>> -> memref<256x128xf32, #tpu.memory_space<hbm>>
    %dma_start3A_1517 = arith.constant 0 : i32
    %dma_start3A_1518 = tpu.memref_slice %arg3[%mul3A_1512, %dma_start3A_1517] : memref<524288x128xf32, #tpu.memory_space<hbm>> -> memref<256x128xf32, #tpu.memory_space<hbm>>
    %dma_start3A_1519 = arith.constant 0 : i32
    %dma_start3A_1520 = tpu.memref_slice %arg4[%div3A_1478, %dma_start3A_1519] : memref<520x128xf32, #tpu.memory_space<vmem>> -> memref<256x128xf32, #tpu.memory_space<vmem>>
    tpu.enqueue_dma source(%dma_start3A_1520 : memref<256x128xf32, #tpu.memory_space<vmem>>) target(%dma_start3A_1518 : memref<256x128xf32, #tpu.memory_space<hbm>>) target_semaphore(%arg5 : memref<!tpu.dma_semaphore, #tpu.memory_space<semaphore_mem>>)
    %dma_wait3A_1521 = arith.constant 0 : i32
    %dma_wait3A_1522 = tpu.memref_slice %arg4[%div3A_1006, %dma_wait3A_1521] : memref<520x128xf32, #tpu.memory_space<vmem>> -> memref<256x128xf32, #tpu.memory_space<vmem>>
    %dma_wait3A_1523 = arith.constant 0 : i32
    %dma_wait3A_1524 = tpu.memref_slice %arg3[%mul3A_1040, %dma_wait3A_1523] : memref<524288x128xf32, #tpu.memory_space<hbm>> -> memref<256x128xf32, #tpu.memory_space<hbm>>
    %dma_wait3A_1525 = arith.constant 0 : i32
    %dma_wait3A_1526 = tpu.memref_slice %arg3[%mul3A_1040, %dma_wait3A_1525] : memref<524288x128xf32, #tpu.memory_space<hbm>> -> memref<256x128xf32, #tpu.memory_space<hbm>>
    %dma_wait3A_1527 = arith.constant 0 : i32
    %dma_wait3A_1528 = tpu.memref_slice %arg4[%div3A_1006, %dma_wait3A_1527] : memref<520x128xf32, #tpu.memory_space<vmem>> -> memref<256x128xf32, #tpu.memory_space<vmem>>
    tpu.wait_dma2 semaphore(%arg5 : memref<!tpu.dma_semaphore, #tpu.memory_space<semaphore_mem>>) src(%dma_wait3A_1528 : memref<256x128xf32, #tpu.memory_space<vmem>>) dst(%dma_wait3A_1526 : memref<256x128xf32, #tpu.memory_space<hbm>>)
    %add3A_1529 = arith.constant 448 : i32
    %add3A_1530 = arith.addi %rem3A_8, %add3A_1529 : i32
    %sub3A_1531 = arith.constant 511 : i32
    %sub3A_1532 = arith.subi %sub3A_1531, %add3A_1530 : i32
    %mul3A_1533 = arith.constant 64 : i32
    %mul3A_1534 = arith.muli %sub3A_1532, %mul3A_1533 : i32
    %add3A_1535 = arith.addi %rem3A_4, %mul3A_1534 : i32
    %div3A_1536 = arith.constant 128 : i32
    %div3A_1537 = arith.divsi %add3A_1535, %div3A_1536 : i32
    %mul3A_1538 = arith.constant 2 : i32
    %mul3A_1539 = arith.muli %arg0, %mul3A_1538 : i32
    %add3A_1540 = arith.constant 0 : i32
    %add3A_1541 = arith.addi %mul3A_1539, %add3A_1540 : i32
    %mul3A_1542 = arith.constant 512 : i32
    %mul3A_1543 = arith.muli %add3A_1541, %mul3A_1542 : i32
    %add3A_1544 = arith.addi %mul3A_1543, %add3A_1530 : i32
    %mul3A_1545 = arith.constant 256 : i32
    %mul3A_1546 = arith.muli %add3A_1544, %mul3A_1545 : i32
    %dma_start3A_1547 = arith.constant 0 : i32
    %dma_start3A_1548 = tpu.memref_slice %arg4[%div3A_1537, %dma_start3A_1547] : memref<520x128xf32, #tpu.memory_space<vmem>> -> memref<256x128xf32, #tpu.memory_space<vmem>>
    %dma_start3A_1549 = arith.constant 0 : i32
    %dma_start3A_1550 = tpu.memref_slice %arg3[%mul3A_1546, %dma_start3A_1549] : memref<524288x128xf32, #tpu.memory_space<hbm>> -> memref<256x128xf32, #tpu.memory_space<hbm>>
    %dma_start3A_1551 = arith.constant 0 : i32
    %dma_start3A_1552 = tpu.memref_slice %arg3[%mul3A_1546, %dma_start3A_1551] : memref<524288x128xf32, #tpu.memory_space<hbm>> -> memref<256x128xf32, #tpu.memory_space<hbm>>
    %dma_start3A_1553 = arith.constant 0 : i32
    %dma_start3A_1554 = tpu.memref_slice %arg4[%div3A_1537, %dma_start3A_1553] : memref<520x128xf32, #tpu.memory_space<vmem>> -> memref<256x128xf32, #tpu.memory_space<vmem>>
    tpu.enqueue_dma source(%dma_start3A_1554 : memref<256x128xf32, #tpu.memory_space<vmem>>) target(%dma_start3A_1552 : memref<256x128xf32, #tpu.memory_space<hbm>>) target_semaphore(%arg5 : memref<!tpu.dma_semaphore, #tpu.memory_space<semaphore_mem>>)
    %dma_wait3A_1555 = arith.constant 0 : i32
    %dma_wait3A_1556 = tpu.memref_slice %arg4[%div3A_1065, %dma_wait3A_1555] : memref<520x128xf32, #tpu.memory_space<vmem>> -> memref<256x128xf32, #tpu.memory_space<vmem>>
    %dma_wait3A_1557 = arith.constant 0 : i32
    %dma_wait3A_1558 = tpu.memref_slice %arg3[%mul3A_1074, %dma_wait3A_1557] : memref<524288x128xf32, #tpu.memory_space<hbm>> -> memref<256x128xf32, #tpu.memory_space<hbm>>
    %dma_wait3A_1559 = arith.constant 0 : i32
    %dma_wait3A_1560 = tpu.memref_slice %arg3[%mul3A_1074, %dma_wait3A_1559] : memref<524288x128xf32, #tpu.memory_space<hbm>> -> memref<256x128xf32, #tpu.memory_space<hbm>>
    %dma_wait3A_1561 = arith.constant 0 : i32
    %dma_wait3A_1562 = tpu.memref_slice %arg4[%div3A_1065, %dma_wait3A_1561] : memref<520x128xf32, #tpu.memory_space<vmem>> -> memref<256x128xf32, #tpu.memory_space<vmem>>
    tpu.wait_dma2 semaphore(%arg5 : memref<!tpu.dma_semaphore, #tpu.memory_space<semaphore_mem>>) src(%dma_wait3A_1562 : memref<256x128xf32, #tpu.memory_space<vmem>>) dst(%dma_wait3A_1560 : memref<256x128xf32, #tpu.memory_space<hbm>>)
    %mul3A_1563 = arith.constant 2 : i32
    %mul3A_1564 = arith.muli %arg0, %mul3A_1563 : i32
    %add3A_1565 = arith.constant 1 : i32
    %add3A_1566 = arith.addi %mul3A_1564, %add3A_1565 : i32
    %mul3A_1567 = arith.constant 512 : i32
    %mul3A_1568 = arith.muli %add3A_1566, %mul3A_1567 : i32
    %add3A_1569 = arith.addi %mul3A_1568, %add3A_1530 : i32
    %mul3A_1570 = arith.constant 256 : i32
    %mul3A_1571 = arith.muli %add3A_1569, %mul3A_1570 : i32
    %dma_start3A_1572 = arith.constant 0 : i32
    %dma_start3A_1573 = tpu.memref_slice %arg4[%div3A_1537, %dma_start3A_1572] : memref<520x128xf32, #tpu.memory_space<vmem>> -> memref<256x128xf32, #tpu.memory_space<vmem>>
    %dma_start3A_1574 = arith.constant 0 : i32
    %dma_start3A_1575 = tpu.memref_slice %arg3[%mul3A_1571, %dma_start3A_1574] : memref<524288x128xf32, #tpu.memory_space<hbm>> -> memref<256x128xf32, #tpu.memory_space<hbm>>
    %dma_start3A_1576 = arith.constant 0 : i32
    %dma_start3A_1577 = tpu.memref_slice %arg3[%mul3A_1571, %dma_start3A_1576] : memref<524288x128xf32, #tpu.memory_space<hbm>> -> memref<256x128xf32, #tpu.memory_space<hbm>>
    %dma_start3A_1578 = arith.constant 0 : i32
    %dma_start3A_1579 = tpu.memref_slice %arg4[%div3A_1537, %dma_start3A_1578] : memref<520x128xf32, #tpu.memory_space<vmem>> -> memref<256x128xf32, #tpu.memory_space<vmem>>
    tpu.enqueue_dma source(%dma_start3A_1579 : memref<256x128xf32, #tpu.memory_space<vmem>>) target(%dma_start3A_1577 : memref<256x128xf32, #tpu.memory_space<hbm>>) target_semaphore(%arg5 : memref<!tpu.dma_semaphore, #tpu.memory_space<semaphore_mem>>)
    %dma_wait3A_1580 = arith.constant 0 : i32
    %dma_wait3A_1581 = tpu.memref_slice %arg4[%div3A_1065, %dma_wait3A_1580] : memref<520x128xf32, #tpu.memory_space<vmem>> -> memref<256x128xf32, #tpu.memory_space<vmem>>
    %dma_wait3A_1582 = arith.constant 0 : i32
    %dma_wait3A_1583 = tpu.memref_slice %arg3[%mul3A_1099, %dma_wait3A_1582] : memref<524288x128xf32, #tpu.memory_space<hbm>> -> memref<256x128xf32, #tpu.memory_space<hbm>>
    %dma_wait3A_1584 = arith.constant 0 : i32
    %dma_wait3A_1585 = tpu.memref_slice %arg3[%mul3A_1099, %dma_wait3A_1584] : memref<524288x128xf32, #tpu.memory_space<hbm>> -> memref<256x128xf32, #tpu.memory_space<hbm>>
    %dma_wait3A_1586 = arith.constant 0 : i32
    %dma_wait3A_1587 = tpu.memref_slice %arg4[%div3A_1065, %dma_wait3A_1586] : memref<520x128xf32, #tpu.memory_space<vmem>> -> memref<256x128xf32, #tpu.memory_space<vmem>>
    tpu.wait_dma2 semaphore(%arg5 : memref<!tpu.dma_semaphore, #tpu.memory_space<semaphore_mem>>) src(%dma_wait3A_1587 : memref<256x128xf32, #tpu.memory_space<vmem>>) dst(%dma_wait3A_1585 : memref<256x128xf32, #tpu.memory_space<hbm>>)
    %add3A_1588 = arith.constant 464 : i32
    %add3A_1589 = arith.addi %rem3A_8, %add3A_1588 : i32
    %sub3A_1590 = arith.constant 511 : i32
    %sub3A_1591 = arith.subi %sub3A_1590, %add3A_1589 : i32
    %mul3A_1592 = arith.constant 64 : i32
    %mul3A_1593 = arith.muli %sub3A_1591, %mul3A_1592 : i32
    %add3A_1594 = arith.addi %rem3A_4, %mul3A_1593 : i32
    %div3A_1595 = arith.constant 128 : i32
    %div3A_1596 = arith.divsi %add3A_1594, %div3A_1595 : i32
    %mul3A_1597 = arith.constant 2 : i32
    %mul3A_1598 = arith.muli %arg0, %mul3A_1597 : i32
    %add3A_1599 = arith.constant 0 : i32
    %add3A_1600 = arith.addi %mul3A_1598, %add3A_1599 : i32
    %mul3A_1601 = arith.constant 512 : i32
    %mul3A_1602 = arith.muli %add3A_1600, %mul3A_1601 : i32
    %add3A_1603 = arith.addi %mul3A_1602, %add3A_1589 : i32
    %mul3A_1604 = arith.constant 256 : i32
    %mul3A_1605 = arith.muli %add3A_1603, %mul3A_1604 : i32
    %dma_start3A_1606 = arith.constant 0 : i32
    %dma_start3A_1607 = tpu.memref_slice %arg4[%div3A_1596, %dma_start3A_1606] : memref<520x128xf32, #tpu.memory_space<vmem>> -> memref<256x128xf32, #tpu.memory_space<vmem>>
    %dma_start3A_1608 = arith.constant 0 : i32
    %dma_start3A_1609 = tpu.memref_slice %arg3[%mul3A_1605, %dma_start3A_1608] : memref<524288x128xf32, #tpu.memory_space<hbm>> -> memref<256x128xf32, #tpu.memory_space<hbm>>
    %dma_start3A_1610 = arith.constant 0 : i32
    %dma_start3A_1611 = tpu.memref_slice %arg3[%mul3A_1605, %dma_start3A_1610] : memref<524288x128xf32, #tpu.memory_space<hbm>> -> memref<256x128xf32, #tpu.memory_space<hbm>>
    %dma_start3A_1612 = arith.constant 0 : i32
    %dma_start3A_1613 = tpu.memref_slice %arg4[%div3A_1596, %dma_start3A_1612] : memref<520x128xf32, #tpu.memory_space<vmem>> -> memref<256x128xf32, #tpu.memory_space<vmem>>
    tpu.enqueue_dma source(%dma_start3A_1613 : memref<256x128xf32, #tpu.memory_space<vmem>>) target(%dma_start3A_1611 : memref<256x128xf32, #tpu.memory_space<hbm>>) target_semaphore(%arg5 : memref<!tpu.dma_semaphore, #tpu.memory_space<semaphore_mem>>)
    %dma_wait3A_1614 = arith.constant 0 : i32
    %dma_wait3A_1615 = tpu.memref_slice %arg4[%div3A_1124, %dma_wait3A_1614] : memref<520x128xf32, #tpu.memory_space<vmem>> -> memref<256x128xf32, #tpu.memory_space<vmem>>
    %dma_wait3A_1616 = arith.constant 0 : i32
    %dma_wait3A_1617 = tpu.memref_slice %arg3[%mul3A_1133, %dma_wait3A_1616] : memref<524288x128xf32, #tpu.memory_space<hbm>> -> memref<256x128xf32, #tpu.memory_space<hbm>>
    %dma_wait3A_1618 = arith.constant 0 : i32
    %dma_wait3A_1619 = tpu.memref_slice %arg3[%mul3A_1133, %dma_wait3A_1618] : memref<524288x128xf32, #tpu.memory_space<hbm>> -> memref<256x128xf32, #tpu.memory_space<hbm>>
    %dma_wait3A_1620 = arith.constant 0 : i32
    %dma_wait3A_1621 = tpu.memref_slice %arg4[%div3A_1124, %dma_wait3A_1620] : memref<520x128xf32, #tpu.memory_space<vmem>> -> memref<256x128xf32, #tpu.memory_space<vmem>>
    tpu.wait_dma2 semaphore(%arg5 : memref<!tpu.dma_semaphore, #tpu.memory_space<semaphore_mem>>) src(%dma_wait3A_1621 : memref<256x128xf32, #tpu.memory_space<vmem>>) dst(%dma_wait3A_1619 : memref<256x128xf32, #tpu.memory_space<hbm>>)
    %mul3A_1622 = arith.constant 2 : i32
    %mul3A_1623 = arith.muli %arg0, %mul3A_1622 : i32
    %add3A_1624 = arith.constant 1 : i32
    %add3A_1625 = arith.addi %mul3A_1623, %add3A_1624 : i32
    %mul3A_1626 = arith.constant 512 : i32
    %mul3A_1627 = arith.muli %add3A_1625, %mul3A_1626 : i32
    %add3A_1628 = arith.addi %mul3A_1627, %add3A_1589 : i32
    %mul3A_1629 = arith.constant 256 : i32
    %mul3A_1630 = arith.muli %add3A_1628, %mul3A_1629 : i32
    %dma_start3A_1631 = arith.constant 0 : i32
    %dma_start3A_1632 = tpu.memref_slice %arg4[%div3A_1596, %dma_start3A_1631] : memref<520x128xf32, #tpu.memory_space<vmem>> -> memref<256x128xf32, #tpu.memory_space<vmem>>
    %dma_start3A_1633 = arith.constant 0 : i32
    %dma_start3A_1634 = tpu.memref_slice %arg3[%mul3A_1630, %dma_start3A_1633] : memref<524288x128xf32, #tpu.memory_space<hbm>> -> memref<256x128xf32, #tpu.memory_space<hbm>>
    %dma_start3A_1635 = arith.constant 0 : i32
    %dma_start3A_1636 = tpu.memref_slice %arg3[%mul3A_1630, %dma_start3A_1635] : memref<524288x128xf32, #tpu.memory_space<hbm>> -> memref<256x128xf32, #tpu.memory_space<hbm>>
    %dma_start3A_1637 = arith.constant 0 : i32
    %dma_start3A_1638 = tpu.memref_slice %arg4[%div3A_1596, %dma_start3A_1637] : memref<520x128xf32, #tpu.memory_space<vmem>> -> memref<256x128xf32, #tpu.memory_space<vmem>>
    tpu.enqueue_dma source(%dma_start3A_1638 : memref<256x128xf32, #tpu.memory_space<vmem>>) target(%dma_start3A_1636 : memref<256x128xf32, #tpu.memory_space<hbm>>) target_semaphore(%arg5 : memref<!tpu.dma_semaphore, #tpu.memory_space<semaphore_mem>>)
    %dma_wait3A_1639 = arith.constant 0 : i32
    %dma_wait3A_1640 = tpu.memref_slice %arg4[%div3A_1124, %dma_wait3A_1639] : memref<520x128xf32, #tpu.memory_space<vmem>> -> memref<256x128xf32, #tpu.memory_space<vmem>>
    %dma_wait3A_1641 = arith.constant 0 : i32
    %dma_wait3A_1642 = tpu.memref_slice %arg3[%mul3A_1158, %dma_wait3A_1641] : memref<524288x128xf32, #tpu.memory_space<hbm>> -> memref<256x128xf32, #tpu.memory_space<hbm>>
    %dma_wait3A_1643 = arith.constant 0 : i32
    %dma_wait3A_1644 = tpu.memref_slice %arg3[%mul3A_1158, %dma_wait3A_1643] : memref<524288x128xf32, #tpu.memory_space<hbm>> -> memref<256x128xf32, #tpu.memory_space<hbm>>
    %dma_wait3A_1645 = arith.constant 0 : i32
    %dma_wait3A_1646 = tpu.memref_slice %arg4[%div3A_1124, %dma_wait3A_1645] : memref<520x128xf32, #tpu.memory_space<vmem>> -> memref<256x128xf32, #tpu.memory_space<vmem>>
    tpu.wait_dma2 semaphore(%arg5 : memref<!tpu.dma_semaphore, #tpu.memory_space<semaphore_mem>>) src(%dma_wait3A_1646 : memref<256x128xf32, #tpu.memory_space<vmem>>) dst(%dma_wait3A_1644 : memref<256x128xf32, #tpu.memory_space<hbm>>)
    %add3A_1647 = arith.constant 480 : i32
    %add3A_1648 = arith.addi %rem3A_8, %add3A_1647 : i32
    %sub3A_1649 = arith.constant 511 : i32
    %sub3A_1650 = arith.subi %sub3A_1649, %add3A_1648 : i32
    %mul3A_1651 = arith.constant 64 : i32
    %mul3A_1652 = arith.muli %sub3A_1650, %mul3A_1651 : i32
    %add3A_1653 = arith.addi %rem3A_4, %mul3A_1652 : i32
    %div3A_1654 = arith.constant 128 : i32
    %div3A_1655 = arith.divsi %add3A_1653, %div3A_1654 : i32
    %mul3A_1656 = arith.constant 2 : i32
    %mul3A_1657 = arith.muli %arg0, %mul3A_1656 : i32
    %add3A_1658 = arith.constant 0 : i32
    %add3A_1659 = arith.addi %mul3A_1657, %add3A_1658 : i32
    %mul3A_1660 = arith.constant 512 : i32
    %mul3A_1661 = arith.muli %add3A_1659, %mul3A_1660 : i32
    %add3A_1662 = arith.addi %mul3A_1661, %add3A_1648 : i32
    %mul3A_1663 = arith.constant 256 : i32
    %mul3A_1664 = arith.muli %add3A_1662, %mul3A_1663 : i32
    %dma_start3A_1665 = arith.constant 0 : i32
    %dma_start3A_1666 = tpu.memref_slice %arg4[%div3A_1655, %dma_start3A_1665] : memref<520x128xf32, #tpu.memory_space<vmem>> -> memref<256x128xf32, #tpu.memory_space<vmem>>
    %dma_start3A_1667 = arith.constant 0 : i32
    %dma_start3A_1668 = tpu.memref_slice %arg3[%mul3A_1664, %dma_start3A_1667] : memref<524288x128xf32, #tpu.memory_space<hbm>> -> memref<256x128xf32, #tpu.memory_space<hbm>>
    %dma_start3A_1669 = arith.constant 0 : i32
    %dma_start3A_1670 = tpu.memref_slice %arg3[%mul3A_1664, %dma_start3A_1669] : memref<524288x128xf32, #tpu.memory_space<hbm>> -> memref<256x128xf32, #tpu.memory_space<hbm>>
    %dma_start3A_1671 = arith.constant 0 : i32
    %dma_start3A_1672 = tpu.memref_slice %arg4[%div3A_1655, %dma_start3A_1671] : memref<520x128xf32, #tpu.memory_space<vmem>> -> memref<256x128xf32, #tpu.memory_space<vmem>>
    tpu.enqueue_dma source(%dma_start3A_1672 : memref<256x128xf32, #tpu.memory_space<vmem>>) target(%dma_start3A_1670 : memref<256x128xf32, #tpu.memory_space<hbm>>) target_semaphore(%arg5 : memref<!tpu.dma_semaphore, #tpu.memory_space<semaphore_mem>>)
    %dma_wait3A_1673 = arith.constant 0 : i32
    %dma_wait3A_1674 = tpu.memref_slice %arg4[%div3A_1183, %dma_wait3A_1673] : memref<520x128xf32, #tpu.memory_space<vmem>> -> memref<256x128xf32, #tpu.memory_space<vmem>>
    %dma_wait3A_1675 = arith.constant 0 : i32
    %dma_wait3A_1676 = tpu.memref_slice %arg3[%mul3A_1192, %dma_wait3A_1675] : memref<524288x128xf32, #tpu.memory_space<hbm>> -> memref<256x128xf32, #tpu.memory_space<hbm>>
    %dma_wait3A_1677 = arith.constant 0 : i32
    %dma_wait3A_1678 = tpu.memref_slice %arg3[%mul3A_1192, %dma_wait3A_1677] : memref<524288x128xf32, #tpu.memory_space<hbm>> -> memref<256x128xf32, #tpu.memory_space<hbm>>
    %dma_wait3A_1679 = arith.constant 0 : i32
    %dma_wait3A_1680 = tpu.memref_slice %arg4[%div3A_1183, %dma_wait3A_1679] : memref<520x128xf32, #tpu.memory_space<vmem>> -> memref<256x128xf32, #tpu.memory_space<vmem>>
    tpu.wait_dma2 semaphore(%arg5 : memref<!tpu.dma_semaphore, #tpu.memory_space<semaphore_mem>>) src(%dma_wait3A_1680 : memref<256x128xf32, #tpu.memory_space<vmem>>) dst(%dma_wait3A_1678 : memref<256x128xf32, #tpu.memory_space<hbm>>)
    %mul3A_1681 = arith.constant 2 : i32
    %mul3A_1682 = arith.muli %arg0, %mul3A_1681 : i32
    %add3A_1683 = arith.constant 1 : i32
    %add3A_1684 = arith.addi %mul3A_1682, %add3A_1683 : i32
    %mul3A_1685 = arith.constant 512 : i32
    %mul3A_1686 = arith.muli %add3A_1684, %mul3A_1685 : i32
    %add3A_1687 = arith.addi %mul3A_1686, %add3A_1648 : i32
    %mul3A_1688 = arith.constant 256 : i32
    %mul3A_1689 = arith.muli %add3A_1687, %mul3A_1688 : i32
    %dma_start3A_1690 = arith.constant 0 : i32
    %dma_start3A_1691 = tpu.memref_slice %arg4[%div3A_1655, %dma_start3A_1690] : memref<520x128xf32, #tpu.memory_space<vmem>> -> memref<256x128xf32, #tpu.memory_space<vmem>>
    %dma_start3A_1692 = arith.constant 0 : i32
    %dma_start3A_1693 = tpu.memref_slice %arg3[%mul3A_1689, %dma_start3A_1692] : memref<524288x128xf32, #tpu.memory_space<hbm>> -> memref<256x128xf32, #tpu.memory_space<hbm>>
    %dma_start3A_1694 = arith.constant 0 : i32
    %dma_start3A_1695 = tpu.memref_slice %arg3[%mul3A_1689, %dma_start3A_1694] : memref<524288x128xf32, #tpu.memory_space<hbm>> -> memref<256x128xf32, #tpu.memory_space<hbm>>
    %dma_start3A_1696 = arith.constant 0 : i32
    %dma_start3A_1697 = tpu.memref_slice %arg4[%div3A_1655, %dma_start3A_1696] : memref<520x128xf32, #tpu.memory_space<vmem>> -> memref<256x128xf32, #tpu.memory_space<vmem>>
    tpu.enqueue_dma source(%dma_start3A_1697 : memref<256x128xf32, #tpu.memory_space<vmem>>) target(%dma_start3A_1695 : memref<256x128xf32, #tpu.memory_space<hbm>>) target_semaphore(%arg5 : memref<!tpu.dma_semaphore, #tpu.memory_space<semaphore_mem>>)
    %dma_wait3A_1698 = arith.constant 0 : i32
    %dma_wait3A_1699 = tpu.memref_slice %arg4[%div3A_1183, %dma_wait3A_1698] : memref<520x128xf32, #tpu.memory_space<vmem>> -> memref<256x128xf32, #tpu.memory_space<vmem>>
    %dma_wait3A_1700 = arith.constant 0 : i32
    %dma_wait3A_1701 = tpu.memref_slice %arg3[%mul3A_1217, %dma_wait3A_1700] : memref<524288x128xf32, #tpu.memory_space<hbm>> -> memref<256x128xf32, #tpu.memory_space<hbm>>
    %dma_wait3A_1702 = arith.constant 0 : i32
    %dma_wait3A_1703 = tpu.memref_slice %arg3[%mul3A_1217, %dma_wait3A_1702] : memref<524288x128xf32, #tpu.memory_space<hbm>> -> memref<256x128xf32, #tpu.memory_space<hbm>>
    %dma_wait3A_1704 = arith.constant 0 : i32
    %dma_wait3A_1705 = tpu.memref_slice %arg4[%div3A_1183, %dma_wait3A_1704] : memref<520x128xf32, #tpu.memory_space<vmem>> -> memref<256x128xf32, #tpu.memory_space<vmem>>
    tpu.wait_dma2 semaphore(%arg5 : memref<!tpu.dma_semaphore, #tpu.memory_space<semaphore_mem>>) src(%dma_wait3A_1705 : memref<256x128xf32, #tpu.memory_space<vmem>>) dst(%dma_wait3A_1703 : memref<256x128xf32, #tpu.memory_space<hbm>>)
    %add3A_1706 = arith.constant 496 : i32
    %add3A_1707 = arith.addi %rem3A_8, %add3A_1706 : i32
    %sub3A_1708 = arith.constant 511 : i32
    %sub3A_1709 = arith.subi %sub3A_1708, %add3A_1707 : i32
    %mul3A_1710 = arith.constant 64 : i32
    %mul3A_1711 = arith.muli %sub3A_1709, %mul3A_1710 : i32
    %add3A_1712 = arith.addi %rem3A_4, %mul3A_1711 : i32
    %div3A_1713 = arith.constant 128 : i32
    %div3A_1714 = arith.divsi %add3A_1712, %div3A_1713 : i32
    %mul3A_1715 = arith.constant 2 : i32
    %mul3A_1716 = arith.muli %arg0, %mul3A_1715 : i32
    %add3A_1717 = arith.constant 0 : i32
    %add3A_1718 = arith.addi %mul3A_1716, %add3A_1717 : i32
    %mul3A_1719 = arith.constant 512 : i32
    %mul3A_1720 = arith.muli %add3A_1718, %mul3A_1719 : i32
    %add3A_1721 = arith.addi %mul3A_1720, %add3A_1707 : i32
    %mul3A_1722 = arith.constant 256 : i32
    %mul3A_1723 = arith.muli %add3A_1721, %mul3A_1722 : i32
    %dma_start3A_1724 = arith.constant 0 : i32
    %dma_start3A_1725 = tpu.memref_slice %arg4[%div3A_1714, %dma_start3A_1724] : memref<520x128xf32, #tpu.memory_space<vmem>> -> memref<256x128xf32, #tpu.memory_space<vmem>>
    %dma_start3A_1726 = arith.constant 0 : i32
    %dma_start3A_1727 = tpu.memref_slice %arg3[%mul3A_1723, %dma_start3A_1726] : memref<524288x128xf32, #tpu.memory_space<hbm>> -> memref<256x128xf32, #tpu.memory_space<hbm>>
    %dma_start3A_1728 = arith.constant 0 : i32
    %dma_start3A_1729 = tpu.memref_slice %arg3[%mul3A_1723, %dma_start3A_1728] : memref<524288x128xf32, #tpu.memory_space<hbm>> -> memref<256x128xf32, #tpu.memory_space<hbm>>
    %dma_start3A_1730 = arith.constant 0 : i32
    %dma_start3A_1731 = tpu.memref_slice %arg4[%div3A_1714, %dma_start3A_1730] : memref<520x128xf32, #tpu.memory_space<vmem>> -> memref<256x128xf32, #tpu.memory_space<vmem>>
    tpu.enqueue_dma source(%dma_start3A_1731 : memref<256x128xf32, #tpu.memory_space<vmem>>) target(%dma_start3A_1729 : memref<256x128xf32, #tpu.memory_space<hbm>>) target_semaphore(%arg5 : memref<!tpu.dma_semaphore, #tpu.memory_space<semaphore_mem>>)
    %dma_wait3A_1732 = arith.constant 0 : i32
    %dma_wait3A_1733 = tpu.memref_slice %arg4[%div3A_1242, %dma_wait3A_1732] : memref<520x128xf32, #tpu.memory_space<vmem>> -> memref<256x128xf32, #tpu.memory_space<vmem>>
    %dma_wait3A_1734 = arith.constant 0 : i32
    %dma_wait3A_1735 = tpu.memref_slice %arg3[%mul3A_1251, %dma_wait3A_1734] : memref<524288x128xf32, #tpu.memory_space<hbm>> -> memref<256x128xf32, #tpu.memory_space<hbm>>
    %dma_wait3A_1736 = arith.constant 0 : i32
    %dma_wait3A_1737 = tpu.memref_slice %arg3[%mul3A_1251, %dma_wait3A_1736] : memref<524288x128xf32, #tpu.memory_space<hbm>> -> memref<256x128xf32, #tpu.memory_space<hbm>>
    %dma_wait3A_1738 = arith.constant 0 : i32
    %dma_wait3A_1739 = tpu.memref_slice %arg4[%div3A_1242, %dma_wait3A_1738] : memref<520x128xf32, #tpu.memory_space<vmem>> -> memref<256x128xf32, #tpu.memory_space<vmem>>
    tpu.wait_dma2 semaphore(%arg5 : memref<!tpu.dma_semaphore, #tpu.memory_space<semaphore_mem>>) src(%dma_wait3A_1739 : memref<256x128xf32, #tpu.memory_space<vmem>>) dst(%dma_wait3A_1737 : memref<256x128xf32, #tpu.memory_space<hbm>>)
    %mul3A_1740 = arith.constant 2 : i32
    %mul3A_1741 = arith.muli %arg0, %mul3A_1740 : i32
    %add3A_1742 = arith.constant 1 : i32
    %add3A_1743 = arith.addi %mul3A_1741, %add3A_1742 : i32
    %mul3A_1744 = arith.constant 512 : i32
    %mul3A_1745 = arith.muli %add3A_1743, %mul3A_1744 : i32
    %add3A_1746 = arith.addi %mul3A_1745, %add3A_1707 : i32
    %mul3A_1747 = arith.constant 256 : i32
    %mul3A_1748 = arith.muli %add3A_1746, %mul3A_1747 : i32
    %dma_start3A_1749 = arith.constant 0 : i32
    %dma_start3A_1750 = tpu.memref_slice %arg4[%div3A_1714, %dma_start3A_1749] : memref<520x128xf32, #tpu.memory_space<vmem>> -> memref<256x128xf32, #tpu.memory_space<vmem>>
    %dma_start3A_1751 = arith.constant 0 : i32
    %dma_start3A_1752 = tpu.memref_slice %arg3[%mul3A_1748, %dma_start3A_1751] : memref<524288x128xf32, #tpu.memory_space<hbm>> -> memref<256x128xf32, #tpu.memory_space<hbm>>
    %dma_start3A_1753 = arith.constant 0 : i32
    %dma_start3A_1754 = tpu.memref_slice %arg3[%mul3A_1748, %dma_start3A_1753] : memref<524288x128xf32, #tpu.memory_space<hbm>> -> memref<256x128xf32, #tpu.memory_space<hbm>>
    %dma_start3A_1755 = arith.constant 0 : i32
    %dma_start3A_1756 = tpu.memref_slice %arg4[%div3A_1714, %dma_start3A_1755] : memref<520x128xf32, #tpu.memory_space<vmem>> -> memref<256x128xf32, #tpu.memory_space<vmem>>
    tpu.enqueue_dma source(%dma_start3A_1756 : memref<256x128xf32, #tpu.memory_space<vmem>>) target(%dma_start3A_1754 : memref<256x128xf32, #tpu.memory_space<hbm>>) target_semaphore(%arg5 : memref<!tpu.dma_semaphore, #tpu.memory_space<semaphore_mem>>)
    %dma_wait3A_1757 = arith.constant 0 : i32
    %dma_wait3A_1758 = tpu.memref_slice %arg4[%div3A_1242, %dma_wait3A_1757] : memref<520x128xf32, #tpu.memory_space<vmem>> -> memref<256x128xf32, #tpu.memory_space<vmem>>
    %dma_wait3A_1759 = arith.constant 0 : i32
    %dma_wait3A_1760 = tpu.memref_slice %arg3[%mul3A_1276, %dma_wait3A_1759] : memref<524288x128xf32, #tpu.memory_space<hbm>> -> memref<256x128xf32, #tpu.memory_space<hbm>>
    %dma_wait3A_1761 = arith.constant 0 : i32
    %dma_wait3A_1762 = tpu.memref_slice %arg3[%mul3A_1276, %dma_wait3A_1761] : memref<524288x128xf32, #tpu.memory_space<hbm>> -> memref<256x128xf32, #tpu.memory_space<hbm>>
    %dma_wait3A_1763 = arith.constant 0 : i32
    %dma_wait3A_1764 = tpu.memref_slice %arg4[%div3A_1242, %dma_wait3A_1763] : memref<520x128xf32, #tpu.memory_space<vmem>> -> memref<256x128xf32, #tpu.memory_space<vmem>>
    tpu.wait_dma2 semaphore(%arg5 : memref<!tpu.dma_semaphore, #tpu.memory_space<semaphore_mem>>) src(%dma_wait3A_1764 : memref<256x128xf32, #tpu.memory_space<vmem>>) dst(%dma_wait3A_1762 : memref<256x128xf32, #tpu.memory_space<hbm>>)
    %dma_wait3A_1765 = arith.constant 0 : i32
    %dma_wait3A_1766 = tpu.memref_slice %arg4[%div3A_1301, %dma_wait3A_1765] : memref<520x128xf32, #tpu.memory_space<vmem>> -> memref<256x128xf32, #tpu.memory_space<vmem>>
    %dma_wait3A_1767 = arith.constant 0 : i32
    %dma_wait3A_1768 = tpu.memref_slice %arg3[%mul3A_1310, %dma_wait3A_1767] : memref<524288x128xf32, #tpu.memory_space<hbm>> -> memref<256x128xf32, #tpu.memory_space<hbm>>
    %dma_wait3A_1769 = arith.constant 0 : i32
    %dma_wait3A_1770 = tpu.memref_slice %arg3[%mul3A_1310, %dma_wait3A_1769] : memref<524288x128xf32, #tpu.memory_space<hbm>> -> memref<256x128xf32, #tpu.memory_space<hbm>>
    %dma_wait3A_1771 = arith.constant 0 : i32
    %dma_wait3A_1772 = tpu.memref_slice %arg4[%div3A_1301, %dma_wait3A_1771] : memref<520x128xf32, #tpu.memory_space<vmem>> -> memref<256x128xf32, #tpu.memory_space<vmem>>
    tpu.wait_dma2 semaphore(%arg5 : memref<!tpu.dma_semaphore, #tpu.memory_space<semaphore_mem>>) src(%dma_wait3A_1772 : memref<256x128xf32, #tpu.memory_space<vmem>>) dst(%dma_wait3A_1770 : memref<256x128xf32, #tpu.memory_space<hbm>>)
    %dma_wait3A_1773 = arith.constant 0 : i32
    %dma_wait3A_1774 = tpu.memref_slice %arg4[%div3A_1301, %dma_wait3A_1773] : memref<520x128xf32, #tpu.memory_space<vmem>> -> memref<256x128xf32, #tpu.memory_space<vmem>>
    %dma_wait3A_1775 = arith.constant 0 : i32
    %dma_wait3A_1776 = tpu.memref_slice %arg3[%mul3A_1335, %dma_wait3A_1775] : memref<524288x128xf32, #tpu.memory_space<hbm>> -> memref<256x128xf32, #tpu.memory_space<hbm>>
    %dma_wait3A_1777 = arith.constant 0 : i32
    %dma_wait3A_1778 = tpu.memref_slice %arg3[%mul3A_1335, %dma_wait3A_1777] : memref<524288x128xf32, #tpu.memory_space<hbm>> -> memref<256x128xf32, #tpu.memory_space<hbm>>
    %dma_wait3A_1779 = arith.constant 0 : i32
    %dma_wait3A_1780 = tpu.memref_slice %arg4[%div3A_1301, %dma_wait3A_1779] : memref<520x128xf32, #tpu.memory_space<vmem>> -> memref<256x128xf32, #tpu.memory_space<vmem>>
    tpu.wait_dma2 semaphore(%arg5 : memref<!tpu.dma_semaphore, #tpu.memory_space<semaphore_mem>>) src(%dma_wait3A_1780 : memref<256x128xf32, #tpu.memory_space<vmem>>) dst(%dma_wait3A_1778 : memref<256x128xf32, #tpu.memory_space<hbm>>)
    %dma_wait3A_1781 = arith.constant 0 : i32
    %dma_wait3A_1782 = tpu.memref_slice %arg4[%div3A_1360, %dma_wait3A_1781] : memref<520x128xf32, #tpu.memory_space<vmem>> -> memref<256x128xf32, #tpu.memory_space<vmem>>
    %dma_wait3A_1783 = arith.constant 0 : i32
    %dma_wait3A_1784 = tpu.memref_slice %arg3[%mul3A_1369, %dma_wait3A_1783] : memref<524288x128xf32, #tpu.memory_space<hbm>> -> memref<256x128xf32, #tpu.memory_space<hbm>>
    %dma_wait3A_1785 = arith.constant 0 : i32
    %dma_wait3A_1786 = tpu.memref_slice %arg3[%mul3A_1369, %dma_wait3A_1785] : memref<524288x128xf32, #tpu.memory_space<hbm>> -> memref<256x128xf32, #tpu.memory_space<hbm>>
    %dma_wait3A_1787 = arith.constant 0 : i32
    %dma_wait3A_1788 = tpu.memref_slice %arg4[%div3A_1360, %dma_wait3A_1787] : memref<520x128xf32, #tpu.memory_space<vmem>> -> memref<256x128xf32, #tpu.memory_space<vmem>>
    tpu.wait_dma2 semaphore(%arg5 : memref<!tpu.dma_semaphore, #tpu.memory_space<semaphore_mem>>) src(%dma_wait3A_1788 : memref<256x128xf32, #tpu.memory_space<vmem>>) dst(%dma_wait3A_1786 : memref<256x128xf32, #tpu.memory_space<hbm>>)
    %dma_wait3A_1789 = arith.constant 0 : i32
    %dma_wait3A_1790 = tpu.memref_slice %arg4[%div3A_1360, %dma_wait3A_1789] : memref<520x128xf32, #tpu.memory_space<vmem>> -> memref<256x128xf32, #tpu.memory_space<vmem>>
    %dma_wait3A_1791 = arith.constant 0 : i32
    %dma_wait3A_1792 = tpu.memref_slice %arg3[%mul3A_1394, %dma_wait3A_1791] : memref<524288x128xf32, #tpu.memory_space<hbm>> -> memref<256x128xf32, #tpu.memory_space<hbm>>
    %dma_wait3A_1793 = arith.constant 0 : i32
    %dma_wait3A_1794 = tpu.memref_slice %arg3[%mul3A_1394, %dma_wait3A_1793] : memref<524288x128xf32, #tpu.memory_space<hbm>> -> memref<256x128xf32, #tpu.memory_space<hbm>>
    %dma_wait3A_1795 = arith.constant 0 : i32
    %dma_wait3A_1796 = tpu.memref_slice %arg4[%div3A_1360, %dma_wait3A_1795] : memref<520x128xf32, #tpu.memory_space<vmem>> -> memref<256x128xf32, #tpu.memory_space<vmem>>
    tpu.wait_dma2 semaphore(%arg5 : memref<!tpu.dma_semaphore, #tpu.memory_space<semaphore_mem>>) src(%dma_wait3A_1796 : memref<256x128xf32, #tpu.memory_space<vmem>>) dst(%dma_wait3A_1794 : memref<256x128xf32, #tpu.memory_space<hbm>>)
    %dma_wait3A_1797 = arith.constant 0 : i32
    %dma_wait3A_1798 = tpu.memref_slice %arg4[%div3A_1419, %dma_wait3A_1797] : memref<520x128xf32, #tpu.memory_space<vmem>> -> memref<256x128xf32, #tpu.memory_space<vmem>>
    %dma_wait3A_1799 = arith.constant 0 : i32
    %dma_wait3A_1800 = tpu.memref_slice %arg3[%mul3A_1428, %dma_wait3A_1799] : memref<524288x128xf32, #tpu.memory_space<hbm>> -> memref<256x128xf32, #tpu.memory_space<hbm>>
    %dma_wait3A_1801 = arith.constant 0 : i32
    %dma_wait3A_1802 = tpu.memref_slice %arg3[%mul3A_1428, %dma_wait3A_1801] : memref<524288x128xf32, #tpu.memory_space<hbm>> -> memref<256x128xf32, #tpu.memory_space<hbm>>
    %dma_wait3A_1803 = arith.constant 0 : i32
    %dma_wait3A_1804 = tpu.memref_slice %arg4[%div3A_1419, %dma_wait3A_1803] : memref<520x128xf32, #tpu.memory_space<vmem>> -> memref<256x128xf32, #tpu.memory_space<vmem>>
    tpu.wait_dma2 semaphore(%arg5 : memref<!tpu.dma_semaphore, #tpu.memory_space<semaphore_mem>>) src(%dma_wait3A_1804 : memref<256x128xf32, #tpu.memory_space<vmem>>) dst(%dma_wait3A_1802 : memref<256x128xf32, #tpu.memory_space<hbm>>)
    %dma_wait3A_1805 = arith.constant 0 : i32
    %dma_wait3A_1806 = tpu.memref_slice %arg4[%div3A_1419, %dma_wait3A_1805] : memref<520x128xf32, #tpu.memory_space<vmem>> -> memref<256x128xf32, #tpu.memory_space<vmem>>
    %dma_wait3A_1807 = arith.constant 0 : i32
    %dma_wait3A_1808 = tpu.memref_slice %arg3[%mul3A_1453, %dma_wait3A_1807] : memref<524288x128xf32, #tpu.memory_space<hbm>> -> memref<256x128xf32, #tpu.memory_space<hbm>>
    %dma_wait3A_1809 = arith.constant 0 : i32
    %dma_wait3A_1810 = tpu.memref_slice %arg3[%mul3A_1453, %dma_wait3A_1809] : memref<524288x128xf32, #tpu.memory_space<hbm>> -> memref<256x128xf32, #tpu.memory_space<hbm>>
    %dma_wait3A_1811 = arith.constant 0 : i32
    %dma_wait3A_1812 = tpu.memref_slice %arg4[%div3A_1419, %dma_wait3A_1811] : memref<520x128xf32, #tpu.memory_space<vmem>> -> memref<256x128xf32, #tpu.memory_space<vmem>>
    tpu.wait_dma2 semaphore(%arg5 : memref<!tpu.dma_semaphore, #tpu.memory_space<semaphore_mem>>) src(%dma_wait3A_1812 : memref<256x128xf32, #tpu.memory_space<vmem>>) dst(%dma_wait3A_1810 : memref<256x128xf32, #tpu.memory_space<hbm>>)
    %dma_wait3A_1813 = arith.constant 0 : i32
    %dma_wait3A_1814 = tpu.memref_slice %arg4[%div3A_1478, %dma_wait3A_1813] : memref<520x128xf32, #tpu.memory_space<vmem>> -> memref<256x128xf32, #tpu.memory_space<vmem>>
    %dma_wait3A_1815 = arith.constant 0 : i32
    %dma_wait3A_1816 = tpu.memref_slice %arg3[%mul3A_1487, %dma_wait3A_1815] : memref<524288x128xf32, #tpu.memory_space<hbm>> -> memref<256x128xf32, #tpu.memory_space<hbm>>
    %dma_wait3A_1817 = arith.constant 0 : i32
    %dma_wait3A_1818 = tpu.memref_slice %arg3[%mul3A_1487, %dma_wait3A_1817] : memref<524288x128xf32, #tpu.memory_space<hbm>> -> memref<256x128xf32, #tpu.memory_space<hbm>>
    %dma_wait3A_1819 = arith.constant 0 : i32
    %dma_wait3A_1820 = tpu.memref_slice %arg4[%div3A_1478, %dma_wait3A_1819] : memref<520x128xf32, #tpu.memory_space<vmem>> -> memref<256x128xf32, #tpu.memory_space<vmem>>
    tpu.wait_dma2 semaphore(%arg5 : memref<!tpu.dma_semaphore, #tpu.memory_space<semaphore_mem>>) src(%dma_wait3A_1820 : memref<256x128xf32, #tpu.memory_space<vmem>>) dst(%dma_wait3A_1818 : memref<256x128xf32, #tpu.memory_space<hbm>>)
    %dma_wait3A_1821 = arith.constant 0 : i32
    %dma_wait3A_1822 = tpu.memref_slice %arg4[%div3A_1478, %dma_wait3A_1821] : memref<520x128xf32, #tpu.memory_space<vmem>> -> memref<256x128xf32, #tpu.memory_space<vmem>>
    %dma_wait3A_1823 = arith.constant 0 : i32
    %dma_wait3A_1824 = tpu.memref_slice %arg3[%mul3A_1512, %dma_wait3A_1823] : memref<524288x128xf32, #tpu.memory_space<hbm>> -> memref<256x128xf32, #tpu.memory_space<hbm>>
    %dma_wait3A_1825 = arith.constant 0 : i32
    %dma_wait3A_1826 = tpu.memref_slice %arg3[%mul3A_1512, %dma_wait3A_1825] : memref<524288x128xf32, #tpu.memory_space<hbm>> -> memref<256x128xf32, #tpu.memory_space<hbm>>
    %dma_wait3A_1827 = arith.constant 0 : i32
    %dma_wait3A_1828 = tpu.memref_slice %arg4[%div3A_1478, %dma_wait3A_1827] : memref<520x128xf32, #tpu.memory_space<vmem>> -> memref<256x128xf32, #tpu.memory_space<vmem>>
    tpu.wait_dma2 semaphore(%arg5 : memref<!tpu.dma_semaphore, #tpu.memory_space<semaphore_mem>>) src(%dma_wait3A_1828 : memref<256x128xf32, #tpu.memory_space<vmem>>) dst(%dma_wait3A_1826 : memref<256x128xf32, #tpu.memory_space<hbm>>)
    %dma_wait3A_1829 = arith.constant 0 : i32
    %dma_wait3A_1830 = tpu.memref_slice %arg4[%div3A_1537, %dma_wait3A_1829] : memref<520x128xf32, #tpu.memory_space<vmem>> -> memref<256x128xf32, #tpu.memory_space<vmem>>
    %dma_wait3A_1831 = arith.constant 0 : i32
    %dma_wait3A_1832 = tpu.memref_slice %arg3[%mul3A_1546, %dma_wait3A_1831] : memref<524288x128xf32, #tpu.memory_space<hbm>> -> memref<256x128xf32, #tpu.memory_space<hbm>>
    %dma_wait3A_1833 = arith.constant 0 : i32
    %dma_wait3A_1834 = tpu.memref_slice %arg3[%mul3A_1546, %dma_wait3A_1833] : memref<524288x128xf32, #tpu.memory_space<hbm>> -> memref<256x128xf32, #tpu.memory_space<hbm>>
    %dma_wait3A_1835 = arith.constant 0 : i32
    %dma_wait3A_1836 = tpu.memref_slice %arg4[%div3A_1537, %dma_wait3A_1835] : memref<520x128xf32, #tpu.memory_space<vmem>> -> memref<256x128xf32, #tpu.memory_space<vmem>>
    tpu.wait_dma2 semaphore(%arg5 : memref<!tpu.dma_semaphore, #tpu.memory_space<semaphore_mem>>) src(%dma_wait3A_1836 : memref<256x128xf32, #tpu.memory_space<vmem>>) dst(%dma_wait3A_1834 : memref<256x128xf32, #tpu.memory_space<hbm>>)
    %dma_wait3A_1837 = arith.constant 0 : i32
    %dma_wait3A_1838 = tpu.memref_slice %arg4[%div3A_1537, %dma_wait3A_1837] : memref<520x128xf32, #tpu.memory_space<vmem>> -> memref<256x128xf32, #tpu.memory_space<vmem>>
    %dma_wait3A_1839 = arith.constant 0 : i32
    %dma_wait3A_1840 = tpu.memref_slice %arg3[%mul3A_1571, %dma_wait3A_1839] : memref<524288x128xf32, #tpu.memory_space<hbm>> -> memref<256x128xf32, #tpu.memory_space<hbm>>
    %dma_wait3A_1841 = arith.constant 0 : i32
    %dma_wait3A_1842 = tpu.memref_slice %arg3[%mul3A_1571, %dma_wait3A_1841] : memref<524288x128xf32, #tpu.memory_space<hbm>> -> memref<256x128xf32, #tpu.memory_space<hbm>>
    %dma_wait3A_1843 = arith.constant 0 : i32
    %dma_wait3A_1844 = tpu.memref_slice %arg4[%div3A_1537, %dma_wait3A_1843] : memref<520x128xf32, #tpu.memory_space<vmem>> -> memref<256x128xf32, #tpu.memory_space<vmem>>
    tpu.wait_dma2 semaphore(%arg5 : memref<!tpu.dma_semaphore, #tpu.memory_space<semaphore_mem>>) src(%dma_wait3A_1844 : memref<256x128xf32, #tpu.memory_space<vmem>>) dst(%dma_wait3A_1842 : memref<256x128xf32, #tpu.memory_space<hbm>>)
    %dma_wait3A_1845 = arith.constant 0 : i32
    %dma_wait3A_1846 = tpu.memref_slice %arg4[%div3A_1596, %dma_wait3A_1845] : memref<520x128xf32, #tpu.memory_space<vmem>> -> memref<256x128xf32, #tpu.memory_space<vmem>>
    %dma_wait3A_1847 = arith.constant 0 : i32
    %dma_wait3A_1848 = tpu.memref_slice %arg3[%mul3A_1605, %dma_wait3A_1847] : memref<524288x128xf32, #tpu.memory_space<hbm>> -> memref<256x128xf32, #tpu.memory_space<hbm>>
    %dma_wait3A_1849 = arith.constant 0 : i32
    %dma_wait3A_1850 = tpu.memref_slice %arg3[%mul3A_1605, %dma_wait3A_1849] : memref<524288x128xf32, #tpu.memory_space<hbm>> -> memref<256x128xf32, #tpu.memory_space<hbm>>
    %dma_wait3A_1851 = arith.constant 0 : i32
    %dma_wait3A_1852 = tpu.memref_slice %arg4[%div3A_1596, %dma_wait3A_1851] : memref<520x128xf32, #tpu.memory_space<vmem>> -> memref<256x128xf32, #tpu.memory_space<vmem>>
    tpu.wait_dma2 semaphore(%arg5 : memref<!tpu.dma_semaphore, #tpu.memory_space<semaphore_mem>>) src(%dma_wait3A_1852 : memref<256x128xf32, #tpu.memory_space<vmem>>) dst(%dma_wait3A_1850 : memref<256x128xf32, #tpu.memory_space<hbm>>)
    %dma_wait3A_1853 = arith.constant 0 : i32
    %dma_wait3A_1854 = tpu.memref_slice %arg4[%div3A_1596, %dma_wait3A_1853] : memref<520x128xf32, #tpu.memory_space<vmem>> -> memref<256x128xf32, #tpu.memory_space<vmem>>
    %dma_wait3A_1855 = arith.constant 0 : i32
    %dma_wait3A_1856 = tpu.memref_slice %arg3[%mul3A_1630, %dma_wait3A_1855] : memref<524288x128xf32, #tpu.memory_space<hbm>> -> memref<256x128xf32, #tpu.memory_space<hbm>>
    %dma_wait3A_1857 = arith.constant 0 : i32
    %dma_wait3A_1858 = tpu.memref_slice %arg3[%mul3A_1630, %dma_wait3A_1857] : memref<524288x128xf32, #tpu.memory_space<hbm>> -> memref<256x128xf32, #tpu.memory_space<hbm>>
    %dma_wait3A_1859 = arith.constant 0 : i32
    %dma_wait3A_1860 = tpu.memref_slice %arg4[%div3A_1596, %dma_wait3A_1859] : memref<520x128xf32, #tpu.memory_space<vmem>> -> memref<256x128xf32, #tpu.memory_space<vmem>>
    tpu.wait_dma2 semaphore(%arg5 : memref<!tpu.dma_semaphore, #tpu.memory_space<semaphore_mem>>) src(%dma_wait3A_1860 : memref<256x128xf32, #tpu.memory_space<vmem>>) dst(%dma_wait3A_1858 : memref<256x128xf32, #tpu.memory_space<hbm>>)
    %dma_wait3A_1861 = arith.constant 0 : i32
    %dma_wait3A_1862 = tpu.memref_slice %arg4[%div3A_1655, %dma_wait3A_1861] : memref<520x128xf32, #tpu.memory_space<vmem>> -> memref<256x128xf32, #tpu.memory_space<vmem>>
    %dma_wait3A_1863 = arith.constant 0 : i32
    %dma_wait3A_1864 = tpu.memref_slice %arg3[%mul3A_1664, %dma_wait3A_1863] : memref<524288x128xf32, #tpu.memory_space<hbm>> -> memref<256x128xf32, #tpu.memory_space<hbm>>
    %dma_wait3A_1865 = arith.constant 0 : i32
    %dma_wait3A_1866 = tpu.memref_slice %arg3[%mul3A_1664, %dma_wait3A_1865] : memref<524288x128xf32, #tpu.memory_space<hbm>> -> memref<256x128xf32, #tpu.memory_space<hbm>>
    %dma_wait3A_1867 = arith.constant 0 : i32
    %dma_wait3A_1868 = tpu.memref_slice %arg4[%div3A_1655, %dma_wait3A_1867] : memref<520x128xf32, #tpu.memory_space<vmem>> -> memref<256x128xf32, #tpu.memory_space<vmem>>
    tpu.wait_dma2 semaphore(%arg5 : memref<!tpu.dma_semaphore, #tpu.memory_space<semaphore_mem>>) src(%dma_wait3A_1868 : memref<256x128xf32, #tpu.memory_space<vmem>>) dst(%dma_wait3A_1866 : memref<256x128xf32, #tpu.memory_space<hbm>>)
    %dma_wait3A_1869 = arith.constant 0 : i32
    %dma_wait3A_1870 = tpu.memref_slice %arg4[%div3A_1655, %dma_wait3A_1869] : memref<520x128xf32, #tpu.memory_space<vmem>> -> memref<256x128xf32, #tpu.memory_space<vmem>>
    %dma_wait3A_1871 = arith.constant 0 : i32
    %dma_wait3A_1872 = tpu.memref_slice %arg3[%mul3A_1689, %dma_wait3A_1871] : memref<524288x128xf32, #tpu.memory_space<hbm>> -> memref<256x128xf32, #tpu.memory_space<hbm>>
    %dma_wait3A_1873 = arith.constant 0 : i32
    %dma_wait3A_1874 = tpu.memref_slice %arg3[%mul3A_1689, %dma_wait3A_1873] : memref<524288x128xf32, #tpu.memory_space<hbm>> -> memref<256x128xf32, #tpu.memory_space<hbm>>
    %dma_wait3A_1875 = arith.constant 0 : i32
    %dma_wait3A_1876 = tpu.memref_slice %arg4[%div3A_1655, %dma_wait3A_1875] : memref<520x128xf32, #tpu.memory_space<vmem>> -> memref<256x128xf32, #tpu.memory_space<vmem>>
    tpu.wait_dma2 semaphore(%arg5 : memref<!tpu.dma_semaphore, #tpu.memory_space<semaphore_mem>>) src(%dma_wait3A_1876 : memref<256x128xf32, #tpu.memory_space<vmem>>) dst(%dma_wait3A_1874 : memref<256x128xf32, #tpu.memory_space<hbm>>)
    %dma_wait3A_1877 = arith.constant 0 : i32
    %dma_wait3A_1878 = tpu.memref_slice %arg4[%div3A_1714, %dma_wait3A_1877] : memref<520x128xf32, #tpu.memory_space<vmem>> -> memref<256x128xf32, #tpu.memory_space<vmem>>
    %dma_wait3A_1879 = arith.constant 0 : i32
    %dma_wait3A_1880 = tpu.memref_slice %arg3[%mul3A_1723, %dma_wait3A_1879] : memref<524288x128xf32, #tpu.memory_space<hbm>> -> memref<256x128xf32, #tpu.memory_space<hbm>>
    %dma_wait3A_1881 = arith.constant 0 : i32
    %dma_wait3A_1882 = tpu.memref_slice %arg3[%mul3A_1723, %dma_wait3A_1881] : memref<524288x128xf32, #tpu.memory_space<hbm>> -> memref<256x128xf32, #tpu.memory_space<hbm>>
    %dma_wait3A_1883 = arith.constant 0 : i32
    %dma_wait3A_1884 = tpu.memref_slice %arg4[%div3A_1714, %dma_wait3A_1883] : memref<520x128xf32, #tpu.memory_space<vmem>> -> memref<256x128xf32, #tpu.memory_space<vmem>>
    tpu.wait_dma2 semaphore(%arg5 : memref<!tpu.dma_semaphore, #tpu.memory_space<semaphore_mem>>) src(%dma_wait3A_1884 : memref<256x128xf32, #tpu.memory_space<vmem>>) dst(%dma_wait3A_1882 : memref<256x128xf32, #tpu.memory_space<hbm>>)
    %dma_wait3A_1885 = arith.constant 0 : i32
    %dma_wait3A_1886 = tpu.memref_slice %arg4[%div3A_1714, %dma_wait3A_1885] : memref<520x128xf32, #tpu.memory_space<vmem>> -> memref<256x128xf32, #tpu.memory_space<vmem>>
    %dma_wait3A_1887 = arith.constant 0 : i32
    %dma_wait3A_1888 = tpu.memref_slice %arg3[%mul3A_1748, %dma_wait3A_1887] : memref<524288x128xf32, #tpu.memory_space<hbm>> -> memref<256x128xf32, #tpu.memory_space<hbm>>
    %dma_wait3A_1889 = arith.constant 0 : i32
    %dma_wait3A_1890 = tpu.memref_slice %arg3[%mul3A_1748, %dma_wait3A_1889] : memref<524288x128xf32, #tpu.memory_space<hbm>> -> memref<256x128xf32, #tpu.memory_space<hbm>>
    %dma_wait3A_1891 = arith.constant 0 : i32
    %dma_wait3A_1892 = tpu.memref_slice %arg4[%div3A_1714, %dma_wait3A_1891] : memref<520x128xf32, #tpu.memory_space<vmem>> -> memref<256x128xf32, #tpu.memory_space<vmem>>
    tpu.wait_dma2 semaphore(%arg5 : memref<!tpu.dma_semaphore, #tpu.memory_space<semaphore_mem>>) src(%dma_wait3A_1892 : memref<256x128xf32, #tpu.memory_space<vmem>>) dst(%dma_wait3A_1890 : memref<256x128xf32, #tpu.memory_space<hbm>>)
    return
  }
}

</mosaic_0001>

<sc_bundles>
// kernel: kernel.3.cloned.1.call-start
scs
__scs_entry_jumppad:
0x0: {  	(pc) =	sbr.rel $0x88, $3  }
0x1: {  	(tag) =	ssettag $0x0;
	lr =	simm.s32 $0x1  }
0x2: {  	[smem:$0x3FA0] =	sst lr;
	_ =	strace $0xD0000000  }
0x3: {  	_ = 	snop  }
0x4: {  	_ = 	snop  }
0x5: {  	_ = 	snop  }
0x6: {  	_ = 	snop  }
0x7: {  	_ = 	snop  }
__scs_overlays_trampoline_lowered:
0x8: {  	[smem:$0x3FAF] =	sst s0  }
0x9: {  	[smem:$0x3FB0] =	sst s1  }
0xa: {  	[smem:$0x3FB1] =	sst s2  }
0xb: {  	[smem:$0x3FB2] =	sst s3  }
0xc: {  	[smem:$0x3FB3] =	sst s4  }
0xd: {  	[smem:$0x3FB4] =	sst s5  }
0xe: {  	[smem:$0x3FB5] =	sst s6  }
0xf: {  	[smem:$0x3FB6] =	sst s7  }
0x10: {  	[smem:$0x3FB7] =	sst s8  }
0x11: {  	[smem:$0x3FB8] =	sst s9;
	s0 =	simm.s32 @!p0 $0x0  }
0x12: {  	s1 =	sld [smem:$0x3F9E];
	s0 =	simm.s32 @p0 $0x1  }
0x13: {  	[smem:$0x3FB9] =	sst s0;
	s0 =	simm.s32 @!p1 $0x0  }
0x14: {  	s2 =	sld [smem:$0x3F9D];
	s0 =	simm.s32 @p1 $0x1  }
0x15: {  	[smem:$0x3FBA] =	sst s0;
	s0 =	simm.s32 @!p2 $0x0  }
0x16: {  	s3 =	sld [smem:$0x3FDB];
	s0 =	simm.s32 @p2 $0x1  }
0x17: {  	s4 =	simm.s32 $0x1BF5;
	[smem:$0x3FBC] =	sst s0  }
0x18: {  	s0 =	sld [smem:$0x3F9F];
	_ =	swait.ge [sflag:s4], $0x0  }
0x19: {  	s7 =	sld [smem:$0x3FA0]  }
0x1a: {  	s8 =	sadd.s32 $0xFFFFE003, lr  }
0x1b: {  	s9 =	sadd.s32 $0xFFFFFEF7, lr;
	s5 =	simm.s32 $0xFFFFFFFF;
	p2 =	slt.u32 s8, $0xFFFFF086  }
0x1c: {  	p1 =	slt.u32 s9, $0xF7A;
	s5 =	simm.s32 @!p2 $0x0  }
0x1d: {  	s5 =	simm.s32 @p1 $0x1;
	p0 =	seq.s32 s7, s2  }
0x1e: {  	s7 =	smul.u32 @!p0 $0xF7A, s2;
	p2 =	seq.s32 @!p0 s5, $0x0  }
0x1f: {  	s9 =	smul.u32 $0xF7A, s1;
	s8 =	simm.s32 @!p0 $0x1BF5;
	p2 =	por !p2, p0  }
0x20: {  	[sflag:s8] =	ssyncset.s32 @!p0 $0xFFFFF086;
	s6 =	sadd.s32 @!p0 s3, s7;
	s7 =	simm.s32 @!p0 $0x108  }
0x21: {  	s3 =	sadd.s32 s3, s9;
	s6 =	sadd.s32 @!p0 $0x88, s6;
	s7 =	simm.s32 @p2 $0x1082  }
0x22: {  	[simem:s7], [sflag:s8] =	dma.local @!p0 [hbm:s6], $0xF7A  }
0x23: {  	s9 =	sor.u32 $0xD0000000, s2;
	s6 =	simm.s32 $0x108;
	_ =	swait.ge @!p0 [sflag:s8], $0x0  }
0x24: {  	s3 =	sadd.s32 $0x88, s3;
	s6 =	simm.s32 @!p1 $0x1082;
	[sflag:s4] =	ssyncset.s32 $0xFFFFF086  }
0x25: {  	[simem:s6], [sflag:s4] =	dma.local [hbm:s3], $0xF7A  }
0x26: {  	[smem:$0x3FA0] =	sst s1;
	(tag) =	ssettag s2;
	_ =	strace s9  }
0x27: {  	s1 =	sld [smem:$0x3FB0]  }
0x28: {  	s2 =	sld [smem:$0x3FB1]  }
0x29: {  	s4 =	sld [smem:$0x3FB3]  }
0x2a: {  	p0 =	seq.s32 s5, $0x0;
	s5 =	sld [smem:$0x3FB4]  }
0x2b: {  	s6 =	sld [smem:$0x3FB5]  }
0x2c: {  	s7 =	sld [smem:$0x3FB6]  }
0x2d: {  	s3 =	simm.s32 $0x108;
	s8 =	sld [smem:$0x3FB7]  }
0x2e: {  	s3 =	simm.s32 @!p0 $0x1082;
	s9 =	sld [smem:$0x3FB8]  }
0x2f: {  	lr =	sadd.s32 s0, s3;
	s0 =	sld [smem:$0x3FAF]  }
0x30: {  	s3 =	sld [smem:$0x3FB2]  }
0x31: {  	[smem:$0x3FBB] =	sst s10  }
0x32: {  	s10 =	sld [smem:$0x3FB9];
	_ =	sdelay $0x3  }
0x33: {  	p0 =	seq.s32 s10, $0x1;
	s10 =	sld [smem:$0x3FBB];
	_ =	sdelay $0x3  }
0x34: {  	[smem:$0x3FBB] =	sst s10  }
0x35: {  	s10 =	sld [smem:$0x3FBA];
	_ =	sdelay $0x3  }
0x36: {  	p1 =	seq.s32 s10, $0x1;
	s10 =	sld [smem:$0x3FBB];
	_ =	sdelay $0x3  }
0x37: {  	[smem:$0x3FBB] =	sst s10  }
0x38: {  	s10 =	sld [smem:$0x3FBC]  }
0x39: {  	_ = 	snop;
	(pc) =	sbr.ind lr, $3  }
0x3a: {  	_ = 	snop  }
0x3b: {  	_ = 	snop  }
0x3c: {  	p2 =	seq.s32 s10, $0x1;
	s10 =	sld [smem:$0x3FBB]  }
0x3d: {  	_ =	shalt  }
0x3e: {  	_ =	shalt  }
0x3f: {  	_ =	shalt  }
0x40: {  	_ =	shalt  }
0x41: {  	_ =	shalt  }
0x42: {  	_ =	shalt  }
0x43: {  	_ =	shalt  }
0x44: {  	_ =	shalt  }
0x45: {  	_ =	shalt  }
0x46: {  	_ =	shalt  }
0x47: {  	_ =	shalt  }
0x48: {  	_ =	shalt  }
0x49: {  	_ =	shalt  }
0x4a: {  	_ =	shalt  }
0x4b: {  	_ =	shalt  }
0x4c: {  	_ =	shalt  }
0x4d: {  	_ =	shalt  }
0x4e: {  	_ =	shalt  }
0x4f: {  	_ =	shalt  }
0x50: {  	_ =	shalt  }
0x51: {  	_ =	shalt  }
0x52: {  	_ =	shalt  }
0x53: {  	_ =	shalt  }
0x54: {  	_ =	shalt  }
0x55: {  	_ =	shalt  }
0x56: {  	_ =	shalt  }
0x57: {  	_ =	shalt  }
0x58: {  	_ =	shalt  }
0x59: {  	_ =	shalt  }
0x5a: {  	_ =	shalt  }
0x5b: {  	_ =	shalt  }
0x5c: {  	_ =	shalt  }
0x5d: {  	_ =	shalt  }
0x5e: {  	_ =	shalt  }
0x5f: {  	_ =	shalt  }
0x60: {  	_ =	shalt  }
0x61: {  	_ =	shalt  }
0x62: {  	_ =	shalt  }
0x63: {  	_ =	shalt  }
0x64: {  	_ =	shalt  }
0x65: {  	_ =	shalt  }
0x66: {  	_ =	shalt  }
0x67: {  	_ =	shalt  }
0x68: {  	_ =	shalt  }
0x69: {  	_ =	shalt  }
0x6a: {  	_ =	shalt  }
0x6b: {  	_ =	shalt  }
0x6c: {  	_ =	shalt  }
0x6d: {  	_ =	shalt  }
0x6e: {  	_ =	shalt  }
0x6f: {  	_ =	shalt  }
0x70: {  	_ =	shalt  }
0x71: {  	_ =	shalt  }
0x72: {  	_ =	shalt  }
0x73: {  	_ =	shalt  }
0x74: {  	_ =	shalt  }
0x75: {  	_ =	shalt  }
0x76: {  	_ =	shalt  }
0x77: {  	_ =	shalt  }
0x78: {  	_ =	shalt  }
0x79: {  	_ =	shalt  }
0x7a: {  	_ =	shalt  }
0x7b: {  	_ =	shalt  }
0x7c: {  	_ =	shalt  }
0x7d: {  	_ =	shalt  }
0x7e: {  	_ =	shalt  }
0x7f: {  	_ =	shalt  }
0x80: {  	_ =	shalt  }
0x81: {  	_ =	shalt  }
0x82: {  	_ =	shalt  }
0x83: {  	_ =	shalt  }
0x84: {  	_ =	shalt  }
0x85: {  	_ =	shalt  }
0x86: {  	_ =	shalt  }
0x87: {  	_ =	shalt  }
.Lfunc_end0:
.L_simem_size_0:
called_computation.1_lowered:
.L_overlay_start_0:
0x88: {  	s2 =	sld [smem:$0x3FD9]  }
0x89: {  	s3 =	sld [smem:$0x3FFE];
	_ =	sdelay $0x1  }
0x8a: {  	s1 =	srdreg.scid  }
0x8b: {  	s0 =	sand.u32 $0x1, s1  }
0x8c: {  	s17 =	sshll.u32 s0, $0xA;
	s2 =	sadd.s32 s3, s2  }
0x8d: {  	s2 =	sadd.s32 s2, s17  }
0x8e: {  	[smem:$0x3FC7] =	sst s2  }
0x8f: {  	_ = 	snop  }
0x90: {  	s2 =	sld [smem:$0x3FD0];
	(tm) =	ssettm $0x1  }
0x91: {  	s18 =	sld [smem:$0x3FFB];
	_ =	sdelay $0x3  }
0x92: {  	_ =	strace s18  }
0x93: {  	s3 =	sld [smem:$0x3FFC];
	_ =	sdelay $0x3  }
0x94: {  	_ =	strace s3  }
0x95: {  	s3 =	sld [smem:$0x3FFD];
	_ =	sdelay $0x3  }
0x96: {  	_ =	strace s3  }
0x97: {  	_ =	strace $0x8FFFFFFF  }
0x98: {  	s19 =	sld [smem:$0x3FDB];
	_ =	sdelay $0x1  }
0x99: {  	s4 =	simm.s32 $_scs_section_size  }
0x9a: {  	s5 =	simm.s32 $_size__tile_overlayer_lowered;
	s6 =	simm.s32 $_tile_overlayer_lowered  }
0x9b: {  	s22 =	simm.s32 $0x1BFF;
	s21 =	sshll.u32 s6, $0x1;
	s3 =	sadd.s32 s4, s19  }
0x9c: {  	s7 =	simm.s32 $0x0;
	s20 =	sshll.u32 s5, $0x1;
	s5 =	sadd.s32 s21, s3  }
0x9d: {  	[timem:s7], [sflag:s22] =	dma.local [hbm:s5], s20  }
0x9e: {  	_ =	swait.ge [sflag:s22], s20  }
0x9f: {  	s4 =	ssub.s32 $0x0, s20;
	[sflag:s22] =	ssyncset.done $0x0  }
0xa0: {  	[sflag:s22] =	ssyncadd.s32 s4;
	_ =	sdelay $0x1  }
0xa1: {  	s23 =	simm.s32 $0x1B8B  }
0xa2: {  	_ =	swait.ge [sflag:s23], $0x1  }
0xa3: {  	[sflag:s23] =	ssyncset.done $0x0  }
0xa4: {  	s25 =	simm.s32 $0x1B8E;
	s24 =	sld [smem:$0x3FFE];
	[sflag:s23] =	ssyncadd.s32 $0xFFFFFFFF  }
0xa5: {  	s26 =	simm.s32 $execute0_lowered;
	[smem:$0x3FD2] =	sst s25  }
0xa6: {  	s5 =	sshll.u32 s26, $0x1;
	_ =	strace $0x80000046;
	[dreg:$0x1] =	wrdreg $0xFFFFFFFF  }
0xa7: {  	s28 =	simm.s32 $_size_execute0_lowered;
	s3 =	sadd.s32 s3, s5;
	[dreg:$0x0] =	wrdreg $0x0  }
0xa8: {  	s5 =	sshll.u32 s28, $0x1;
	[dreg:$0x2] =	wrdreg s3  }
0xa9: {  	[dreg:$0x3] =	wrdreg s5  }
0xaa: {  	[dreg:$0x4] =	wrdreg $0xC0  }
0xab: {  	_ =	task [dreg:s7], $0x5FFFF  }
0xac: {  	[dreg:$0x1] =	wrdreg $0xFFFFFFFF  }
0xad: {  	[dreg:$0x0] =	wrdreg $0x60  }
0xae: {  	[dreg:$0x2] =	wrdreg s24  }
0xaf: {  	[dreg:$0x3] =	wrdreg s2  }
0xb0: {  	[dreg:$0x4] =	wrdreg $0x9  }
0xb1: {  	_ =	task.clear_ibuf [dreg:s7], $0x5FFFF;
	_ =	strace $0x90000046  }
0xb2: {  	s29 =	simm.s32 $0x9;
	_ =	strace $0x80000048  }
0xb3: {  	_ =	swait.ge [sflag:s29], $0x1  }
0xb4: {  	[sflag:s29] =	ssyncadd.s32 $0xFFFFFFFF  }
0xb5: {  	_ =	strace $0x90000048  }
0xb6: {  	_ =	sfence  }
0xb7: {  	s30 =	sld [smem:$0x0];
	_ =	sdelay $0x2  }
0xb8: {  	s31 =	sshll.u32 s1, $0xD;
	s1 =	sshrl.u32 s1, $0x2  }
0xb9: {  	s3 =	sand.u32 $0x4000, s31;
	s1 =	sadd.s32 s1, s30  }
0xba: {  	s0 =	sor.u32 s3, s0;
	s1 =	sshll.u32 s1, $0x11  }
0xbb: {  	s0 =	sor.u32 s1, s0  }
0xbc: {  	s0 =	sadd.s32 $0x8F2B, s0  }
0xbd: {  	[sflag:s0] =	ssyncadd.remote.s32 $0x1  }
0xbe: {  	_ =	sfence.sel $0xFFFF  }
0xbf: {  	[dreg:$0x0] =	wrdreg $0xFFFFFFFF;
	(pc) =	sbr.abs _section_cstart, $3  }
0xc0: {  	[dreg:$0x1] =	wrdreg $0xFFFFFFFF  }
0xc1: {  	_ =	task.clear_ibuf [dreg:s7], $0x2FFFF;
	_ =	strace $0x9FFFFFFF  }
0xc2: {  	(tm) =	ssettm $0x7FFFFFFF  }
0xc3: {  	_ =	shalt  }
tec
execute0_lowered:
.L_overlay_start_1:
0x0: {  	(tag) =	ssettag $0x1  }
0x1: {  	s1 =	rddreg [dreg:$0x0]  }
0x2: {  	s0 =	rddreg [dreg:$0x1];
	s2 =	simm.s32 $0x0;
	s19 =	stileid.u32  }
0x3: {  	s4 =	srdreg.scid;
	p0 =	por $0x0, $0x0;
	s3 =	smul.u32 $0x2080, s19  }
0x4: {  	[smem:$0x7FF] =	sst s2;
	s4 =	sand.u32 $0x1, s4;
	s5 =	smul.u32 $0xF00, s19  }
0x5: {  	s8 =	sxor.u32 $0xF, s19;
	s14 =	sxor.u32 $0x1F, s19;
	s21 =	sxor.u32 $0x2F, s19  }
0x6: {  	_ =	strace $0x80000047;
	s26 =	ssub.s32 $0x2, s4;
	s7 =	sshll.u32 s8, $0x8  }
0x7: {  	s1 =	sadd.s32 s3, s1;
	s6 =	sshrl.u32 s26, $0x1;
	s5 =	sand.u32 $0xF00, s5  }
0x8: {  	s6 =	ssub.s32 s26, s6;
	s1 =	sadd.s32 $0xA00, s1;
	s7 =	ssub.s32 s5, s7  }
0x9: {  	s26 =	sxor.u32 $0x3F, s19;
	[dreg:$0x3] =	wrdreg s1;
	s1 =	sshll.u32 s4, $0xA  }
0xa: {  	s9 =	sadd.s32 $0x1FF00, s7;
	s17 =	sadd.s32 $0x1EF00, s7;
	s20 =	sadd.s32 $0x1DF00, s7  }
0xb: {  	s6 =	smax.u32 s6, $0x1;
	s10 =	sand.u32 $0xFFFFFE00, s9;
	s11 =	sor.u32 s8, s1  }
0xc: {  	s3 =	sor.u32 $0x200, s1;
	s16 =	sor.u32 s14, s1;
	s22 =	sand.u32 $0xFFFFFE00, s20  }
0xd: {  	s23 =	sor.u32 s21, s1;
	s20 =	sxor.u32 $0x5F, s19;
	p1 =	sne.s32 s6, $0x1  }
0xe: {  	s6 =	sadd.s32 $0xFFFFFFFF, s6;
	s4 =	sshra.s32 s10, $0x2;
	s12 =	sshll.u32 s11, $0xC  }
0xf: {  	s13 =	sor.u32 s8, s3;
	s8 =	sor.u32 s14, s3;
	s9 =	sshra.s32 s22, $0x2  }
0x10: {  	s24 =	sshll.u32 s23, $0xC;
	s25 =	sor.u32 s21, s3;
	s10 =	sor.u32 s26, s1  }
0x11: {  	s11 =	sadd.s32 $0x1CF00, s7;
	s14 =	sxor.u32 $0x4F, s19;
	s22 =	sor.u32 s20, s1  }
0x12: {  	s23 =	sadd.s32 $0x1AF00, s7;
	[smem:$0x7CF] =	sst s4;
	s4 =	sadd.s32 s0, s12  }
0x13: {  	s5 =	sshll.u32 s13, $0xC;
	s18 =	sshll.u32 s8, $0xC;
	s8 =	sor.u32 s26, s3  }
0x14: {  	s13 =	sadd.s32 $0x1BF00, s7;
	s26 =	sxor.u32 $0x6F, s19;
	[dreg:$0x4] =	wrdreg s4  }
0x15: {  	s15 =	sadd.s32 s0, s5;
	s5 =	sshll.u32 s16, $0xC;
	s4 =	sand.u32 $0xFFFFFE00, s17  }
0x16: {  	s12 =	sshll.u32 s8, $0xC;
	s16 =	sor.u32 s14, s1;
	s8 =	sor.u32 s20, s3  }
0x17: {  	[dreg:$0x5] =	wrdreg s15;
	s5 =	sadd.s32 s0, s5;
	s4 =	sshra.s32 s4, $0x2  }
0x18: {  	s15 =	sand.u32 $0xFFFFFE00, s13;
	s17 =	sshll.u32 s16, $0xC;
	[smem:$0x7D0] =	sst s4  }
0x19: {  	s16 =	sor.u32 s26, s3;
	[dreg:$0x6] =	wrdreg s5;
	s4 =	sadd.s32 s0, s18  }
0x1a: {  	s5 =	sshll.u32 s25, $0xC;
	s18 =	sor.u32 s14, s3;
	s25 =	sadd.s32 $0x19F00, s7  }
0x1b: {  	s14 =	sor.u32 s26, s1;
	[dreg:$0x7] =	wrdreg s4;
	s4 =	sadd.s32 s0, s24  }
0x1c: {  	s5 =	sadd.s32 s0, s5;
	s24 =	sshll.u32 s8, $0xC;
	[dreg:$0x8] =	wrdreg s4  }
0x1d: {  	s13 =	sand.u32 $0xFFFFFE00, s25;
	[dreg:$0x9] =	wrdreg s5;
	s5 =	sshll.u32 s10, $0xC  }
0x1e: {  	s4 =	sand.u32 $0xFFFFFE00, s11;
	s11 =	sshra.s32 s15, $0x2;
	s5 =	sadd.s32 s0, s5  }
0x1f: {  	s10 =	sshra.s32 s4, $0x2;
	s4 =	sadd.s32 s0, s12;
	[dreg:$0xa] =	wrdreg s5  }
0x20: {  	s13 =	sshra.s32 s13, $0x2;
	s15 =	sshll.u32 s14, $0xC;
	[dreg:$0xb] =	wrdreg s4  }
0x21: {  	s4 =	sadd.s32 s0, s17;
	s5 =	sshll.u32 s18, $0xC;
	s17 =	sxor.u32 $0x7F, s19  }
0x22: {  	[dreg:$0xc] =	wrdreg s4;
	s21 =	sadd.s32 s0, s5;
	s5 =	sshll.u32 s22, $0xC  }
0x23: {  	s4 =	sand.u32 $0xFFFFFE00, s23;
	s20 =	sor.u32 s17, s1;
	s8 =	sor.u32 s17, s3  }
0x24: {  	s23 =	sadd.s32 $0x17F00, s7;
	s17 =	sxor.u32 $0x9F, s19;
	[dreg:$0xd] =	wrdreg s21  }
0x25: {  	s5 =	sadd.s32 s0, s5;
	s12 =	sshra.s32 s4, $0x2;
	s4 =	sadd.s32 s0, s24  }
0x26: {  	s21 =	sadd.s32 $0x18F00, s7;
	s22 =	sshll.u32 s8, $0xC;
	s24 =	sxor.u32 $0x8F, s19  }
0x27: {  	s25 =	sand.u32 $0xFFFFFE00, s23;
	s8 =	sor.u32 s17, s3;
	[dreg:$0xe] =	wrdreg s5  }
0x28: {  	s23 =	sadd.s32 $0x15F00, s7;
	[dreg:$0xf] =	wrdreg s4;
	s4 =	sadd.s32 s0, s15  }
0x29: {  	s5 =	sshll.u32 s16, $0xC;
	s26 =	sor.u32 s24, s1;
	s16 =	sshra.s32 s25, $0x2  }
0x2a: {  	s15 =	sor.u32 s24, s3;
	s24 =	sxor.u32 $0xAF, s19;
	s25 =	sand.u32 $0xFFFFFE00, s23  }
0x2b: {  	s23 =	sadd.s32 $0x14F00, s7;
	[dreg:$0x10] =	wrdreg s4;
	s18 =	sadd.s32 s0, s5  }
0x2c: {  	s5 =	sshll.u32 s20, $0xC;
	s4 =	sand.u32 $0xFFFFFE00, s21;
	s20 =	sor.u32 s17, s1  }
0x2d: {  	s21 =	sadd.s32 $0x16F00, s7;
	s17 =	sshra.s32 s25, $0x2;
	s25 =	sadd.s32 $0x13F00, s7  }
0x2e: {  	[dreg:$0x11] =	wrdreg s18;
	s5 =	sadd.s32 s0, s5;
	s14 =	sshra.s32 s4, $0x2  }
0x2f: {  	s4 =	sadd.s32 s0, s22;
	s22 =	sshll.u32 s8, $0xC;
	[dreg:$0x12] =	wrdreg s5  }
0x30: {  	[dreg:$0x13] =	wrdreg s4;
	s5 =	sshll.u32 s26, $0xC;
	s26 =	sor.u32 s24, s1  }
0x31: {  	s4 =	sadd.s32 s0, s5;
	s5 =	sshll.u32 s15, $0xC;
	s15 =	sor.u32 s24, s3  }
0x32: {  	[dreg:$0x14] =	wrdreg s4;
	s18 =	sadd.s32 s0, s5;
	s5 =	sshll.u32 s20, $0xC  }
0x33: {  	s4 =	sand.u32 $0xFFFFFE00, s21;
	s20 =	sxor.u32 $0xBF, s19;
	[dreg:$0x15] =	wrdreg s18  }
0x34: {  	s5 =	sadd.s32 s0, s5;
	s18 =	sshra.s32 s4, $0x2;
	s4 =	sadd.s32 s0, s22  }
0x35: {  	s22 =	sor.u32 s20, s1;
	s8 =	sor.u32 s20, s3;
	[dreg:$0x16] =	wrdreg s5  }
0x36: {  	[dreg:$0x17] =	wrdreg s4;
	s5 =	sshll.u32 s26, $0xC;
	s24 =	sshll.u32 s8, $0xC  }
0x37: {  	s26 =	sxor.u32 $0xCF, s19;
	s4 =	sadd.s32 s0, s5;
	s5 =	sshll.u32 s15, $0xC  }
0x38: {  	s15 =	sand.u32 $0xFFFFFE00, s25;
	[dreg:$0x18] =	wrdreg s4;
	s21 =	sadd.s32 s0, s5  }
0x39: {  	s5 =	sshll.u32 s22, $0xC;
	s4 =	sand.u32 $0xFFFFFE00, s23;
	s23 =	sor.u32 s26, s3  }
0x3a: {  	[dreg:$0x19] =	wrdreg s21;
	s5 =	sadd.s32 s0, s5;
	s20 =	sshra.s32 s4, $0x2  }
0x3b: {  	s4 =	sadd.s32 s0, s24;
	s21 =	sor.u32 s26, s1;
	[dreg:$0x1a] =	wrdreg s5  }
0x3c: {  	s24 =	sxor.u32 $0xDF, s19;
	[dreg:$0x1b] =	wrdreg s4;
	s4 =	sshra.s32 s15, $0x2  }
0x3d: {  	s22 =	sshll.u32 s21, $0xC;
	s5 =	sshll.u32 s23, $0xC;
	s26 =	sor.u32 s24, s1  }
0x3e: {  	s15 =	sadd.s32 $0x12F00, s7;
	s8 =	sor.u32 s24, s3;
	s23 =	sadd.s32 $0x11F00, s7  }
0x3f: {  	s24 =	sxor.u32 $0xEF, s19;
	[smem:$0x7D1] =	sst s4;
	s4 =	sadd.s32 s0, s22  }
0x40: {  	s25 =	sadd.s32 s0, s5;
	s5 =	sshll.u32 s26, $0xC;
	[dreg:$0x1c] =	wrdreg s4  }
0x41: {  	s21 =	sshll.u32 s8, $0xC;
	s26 =	sor.u32 s24, s1;
	[dreg:$0x1d] =	wrdreg s25  }
0x42: {  	s4 =	sand.u32 $0xFFFFFE00, s15;
	s5 =	sadd.s32 s0, s5;
	s25 =	sand.u32 $0xFFFFFE00, s23  }
0x43: {  	s15 =	sshll.u32 s26, $0xC;
	s23 =	sor.u32 s24, s3;
	s24 =	sxor.u32 $0xFF, s19  }
0x44: {  	s22 =	sshra.s32 s4, $0x2;
	[dreg:$0x1e] =	wrdreg s5;
	s4 =	sadd.s32 s0, s21  }
0x45: {  	s21 =	sshra.s32 s25, $0x2;
	s5 =	sshll.u32 s23, $0xC;
	s26 =	sor.u32 s24, s1  }
0x46: {  	s23 =	sor.u32 s24, s3;
	s24 =	sxor.u32 $0x10F, s19;
	[dreg:$0x1f] =	wrdreg s4  }
0x47: {  	s4 =	sadd.s32 s0, s15;
	s25 =	sadd.s32 s0, s5;
	s15 =	sshll.u32 s26, $0xC  }
0x48: {  	s5 =	sshll.u32 s23, $0xC;
	s26 =	sor.u32 s24, s1;
	[smem:$0x7D2] =	sst s4  }
0x49: {  	s23 =	sor.u32 s24, s3;
	s24 =	sxor.u32 $0x11F, s19;
	[smem:$0x7D3] =	sst s25  }
0x4a: {  	s4 =	sadd.s32 s0, s15;
	s25 =	sadd.s32 s0, s5;
	s15 =	sshll.u32 s26, $0xC  }
0x4b: {  	s5 =	sshll.u32 s23, $0xC;
	s26 =	sor.u32 s24, s1;
	[smem:$0x7D4] =	sst s4  }
0x4c: {  	s23 =	sor.u32 s24, s3;
	s24 =	sxor.u32 $0x12F, s19;
	[smem:$0x7D5] =	sst s25  }
0x4d: {  	s4 =	sadd.s32 s0, s15;
	s25 =	sadd.s32 s0, s5;
	s15 =	sshll.u32 s26, $0xC  }
0x4e: {  	s5 =	sshll.u32 s23, $0xC;
	s26 =	sor.u32 s24, s1;
	[smem:$0x7D6] =	sst s4  }
0x4f: {  	s23 =	sor.u32 s24, s3;
	s24 =	sxor.u32 $0x13F, s19;
	[smem:$0x7D7] =	sst s25  }
0x50: {  	s4 =	sadd.s32 s0, s15;
	s25 =	sadd.s32 s0, s5;
	s15 =	sshll.u32 s26, $0xC  }
0x51: {  	s5 =	sshll.u32 s23, $0xC;
	s26 =	sor.u32 s24, s1;
	[smem:$0x7D8] =	sst s4  }
0x52: {  	s23 =	sor.u32 s24, s3;
	s24 =	sxor.u32 $0x14F, s19;
	[smem:$0x7D9] =	sst s25  }
0x53: {  	s4 =	sadd.s32 s0, s15;
	s25 =	sadd.s32 s0, s5;
	s15 =	sshll.u32 s26, $0xC  }
0x54: {  	s5 =	sshll.u32 s23, $0xC;
	s26 =	sor.u32 s24, s1;
	[smem:$0x7DA] =	sst s4  }
0x55: {  	s23 =	sor.u32 s24, s3;
	s24 =	sxor.u32 $0x15F, s19;
	[smem:$0x7DB] =	sst s25  }
0x56: {  	s4 =	sadd.s32 s0, s15;
	s25 =	sadd.s32 s0, s5;
	s15 =	sshll.u32 s26, $0xC  }
0x57: {  	s5 =	sshll.u32 s23, $0xC;
	s26 =	sor.u32 s24, s1;
	[smem:$0x7DC] =	sst s4  }
0x58: {  	s23 =	sor.u32 s24, s3;
	s24 =	sxor.u32 $0x16F, s19;
	[smem:$0x7DD] =	sst s25  }
0x59: {  	s4 =	sadd.s32 s0, s15;
	s25 =	sadd.s32 s0, s5;
	s15 =	sshll.u32 s26, $0xC  }
0x5a: {  	s5 =	sshll.u32 s23, $0xC;
	s26 =	sor.u32 s24, s1;
	[smem:$0x7DE] =	sst s4  }
0x5b: {  	s23 =	sor.u32 s24, s3;
	s24 =	sxor.u32 $0x17F, s19;
	[smem:$0x7DF] =	sst s25  }
0x5c: {  	s4 =	sadd.s32 s0, s15;
	s25 =	sadd.s32 s0, s5;
	s15 =	sshll.u32 s26, $0xC  }
0x5d: {  	s5 =	sshll.u32 s23, $0xC;
	s26 =	sor.u32 s24, s1;
	[smem:$0x7E0] =	sst s4  }
0x5e: {  	s23 =	sor.u32 s24, s3;
	s24 =	sxor.u32 $0x18F, s19;
	[smem:$0x7E1] =	sst s25  }
0x5f: {  	s4 =	sadd.s32 s0, s15;
	s25 =	sadd.s32 s0, s5;
	s15 =	sshll.u32 s26, $0xC  }
0x60: {  	s5 =	sshll.u32 s23, $0xC;
	s26 =	sor.u32 s24, s1;
	[smem:$0x7E2] =	sst s4  }
0x61: {  	s23 =	sor.u32 s24, s3;
	s24 =	sxor.u32 $0x19F, s19;
	[smem:$0x7E3] =	sst s25  }
0x62: {  	s4 =	sadd.s32 s0, s15;
	s25 =	sadd.s32 s0, s5;
	s15 =	sshll.u32 s26, $0xC  }
0x63: {  	s5 =	sshll.u32 s23, $0xC;
	s26 =	sor.u32 s24, s1;
	[smem:$0x7E4] =	sst s4  }
0x64: {  	s23 =	sor.u32 s24, s3;
	s24 =	sxor.u32 $0x1AF, s19;
	[smem:$0x7E5] =	sst s25  }
0x65: {  	s4 =	sadd.s32 s0, s15;
	s25 =	sadd.s32 s0, s5;
	s15 =	sshll.u32 s26, $0xC  }
0x66: {  	s5 =	sshll.u32 s23, $0xC;
	s26 =	sor.u32 s24, s1;
	[smem:$0x7E6] =	sst s4  }
0x67: {  	s23 =	sor.u32 s24, s3;
	s24 =	sxor.u32 $0x1BF, s19;
	[smem:$0x7E7] =	sst s25  }
0x68: {  	s4 =	sadd.s32 s0, s15;
	s25 =	sadd.s32 s0, s5;
	s15 =	sshll.u32 s26, $0xC  }
0x69: {  	s5 =	sshll.u32 s23, $0xC;
	s26 =	sor.u32 s24, s1;
	[smem:$0x7E8] =	sst s4  }
0x6a: {  	s23 =	sor.u32 s24, s3;
	s24 =	sxor.u32 $0x1CF, s19;
	[smem:$0x7E9] =	sst s25  }
0x6b: {  	s4 =	sadd.s32 s0, s15;
	s25 =	sadd.s32 s0, s5;
	s15 =	sshll.u32 s26, $0xC  }
0x6c: {  	s5 =	sshll.u32 s23, $0xC;
	s26 =	sor.u32 s24, s1;
	[smem:$0x7EA] =	sst s4  }
0x6d: {  	s23 =	sor.u32 s24, s3;
	s24 =	sxor.u32 $0x1DF, s19;
	[smem:$0x7EB] =	sst s25  }
0x6e: {  	s4 =	sadd.s32 s0, s15;
	s25 =	sadd.s32 s0, s5;
	s15 =	sshll.u32 s26, $0xC  }
0x6f: {  	s5 =	sshll.u32 s23, $0xC;
	s26 =	sor.u32 s24, s1;
	[smem:$0x7EC] =	sst s4  }
0x70: {  	s23 =	sor.u32 s24, s3;
	s24 =	sxor.u32 $0x1EF, s19;
	[smem:$0x7ED] =	sst s25  }
0x71: {  	s4 =	sadd.s32 s0, s15;
	s25 =	sadd.s32 s0, s5;
	s15 =	sshll.u32 s26, $0xC  }
0x72: {  	s5 =	sshll.u32 s23, $0xC;
	s26 =	sor.u32 s24, s1;
	[smem:$0x7EE] =	sst s4  }
0x73: {  	s23 =	sor.u32 s24, s3;
	s24 =	sadd.s32 $0x10F00, s7;
	[smem:$0x7EF] =	sst s25  }
0x74: {  	s4 =	sadd.s32 s0, s15;
	s25 =	sadd.s32 s0, s5;
	s15 =	sshll.u32 s26, $0xC  }
0x75: {  	s5 =	sshll.u32 s23, $0xC;
	s8 =	sand.u32 $0xFFFFFE00, s24;
	[smem:$0x7F0] =	sst s4  }
0x76: {  	s26 =	sxor.u32 $0x1FF, s19;
	s24 =	sadd.s32 $0xEF00, s7;
	[smem:$0x7F1] =	sst s25  }
0x77: {  	s4 =	sadd.s32 s0, s15;
	s25 =	sadd.s32 s0, s5;
	s15 =	sadd.s32 $0xFF00, s7  }
0x78: {  	s19 =	sshra.s32 s8, $0x2;
	s1 =	sor.u32 s26, s1;
	[smem:$0x7F2] =	sst s4  }
0x79: {  	s3 =	sor.u32 s26, s3;
	s26 =	sand.u32 $0xFFFFFE00, s24;
	[smem:$0x7F3] =	sst s25  }
0x7a: {  	s24 =	sadd.s32 $0xBF00, s7;
	[smem:$0x7F4] =	sst s19;
	s23 =	sand.u32 $0xFFFFFE00, s15  }
0x7b: {  	s1 =	sshll.u32 s1, $0xC;
	s4 =	sadd.s32 $0xDF00, s7;
	s3 =	sshll.u32 s3, $0xC  }
0x7c: {  	s19 =	sadd.s32 $0xCF00, s7;
	s8 =	sand.u32 $0xFFFFFE00, s24;
	s24 =	sadd.s32 $0x6F00, s7  }
0x7d: {  	s15 =	simm.s32 $0x1;
	s25 =	sshra.s32 s23, $0x2;
	s1 =	sadd.s32 s0, s1  }
0x7e: {  	s5 =	sadd.s32 s0, s3;
	s23 =	sshra.s32 s26, $0x2;
	[smem:$0x7F5] =	sst s25  }
0x7f: {  	s0 =	sand.u32 $0xFFFFFE00, s19;
	s26 =	sadd.s32 $0x9F00, s7;
	[smem:$0x7F6] =	sst s1  }
0x80: {  	s19 =	sadd.s32 $0x8F00, s7;
	s1 =	sand.u32 $0xFFFFFE00, s4;
	[smem:$0x7F7] =	sst s23  }
0x81: {  	[smem:$0x7F9] =	sst s5;
	s25 =	sadd.s32 $0xAF00, s7;
	s5 =	sshra.s32 s8, $0x2  }
0x82: {  	s3 =	sand.u32 $0xFFFFFE00, s26;
	s8 =	sand.u32 $0xFFFFFE00, s19;
	s23 =	sadd.s32 $0x7F00, s7  }
0x83: {  	s26 =	sand.u32 $0xFFFFFE00, s24;
	s19 =	sadd.s32 $0x5F00, s7;
	s24 =	sadd.s32 $0x3F00, s7  }
0x84: {  	s1 =	sshra.s32 s1, $0x2;
	s3 =	sshra.s32 s3, $0x2;
	[smem:$0x7FC] =	sst s5  }
0x85: {  	s30 =	sshra.s32 s26, $0x2;
	s26 =	sand.u32 $0xFFFFFE00, s24;
	[smem:$0x7F8] =	sst s1  }
0x86: {  	s1 =	sshra.s32 s0, $0x2;
	s0 =	sand.u32 $0xFFFFFE00, s25;
	s25 =	sand.u32 $0xFFFFFE00, s23  }
0x87: {  	s23 =	sadd.s32 $0x4F00, s7;
	s26 =	sshra.s32 s26, $0x2;
	[smem:$0x7FA] =	sst s3  }
0x88: {  	s4 =	sshra.s32 s0, $0x2;
	s0 =	sshra.s32 s8, $0x2;
	s31 =	sshra.s32 s25, $0x2  }
0x89: {  	s8 =	sand.u32 $0xFFFFFE00, s19;
	s25 =	sand.u32 $0xFFFFFE00, s23;
	s19 =	sadd.s32 $0x2F00, s7  }
.Ltmp0:
0x8a: {  	s23 =	sadd.s32 $0x1F00, s7;
	s7 =	sadd.s32 $0xF00, s7;
	(pc) =	sbr.rel @!p1 .LBB2_1-.Ltmp0, $4  }
0x8b: {  	[smem:$0x7FD] =	sst s1;
	s29 =	sshra.s32 s8, $0x2;
	s28 =	sshra.s32 s25, $0x2  }
0x8c: {  	s8 =	sand.u32 $0xFFFFFE00, s19;
	s24 =	sand.u32 $0xFFFFFE00, s23;
	s7 =	sand.u32 $0xFFFFFE00, s7  }
0x8d: {  	[smem:$0x7FB] =	sst s4;
	s25 =	sshra.s32 s8, $0x2;
	s24 =	sshra.s32 s24, $0x2  }
0x8e: {  	s23 =	sshra.s32 s7, $0x2;
	s7 =	simm.s32 $0x2;
	s8 =	rddreg [dreg:$0x3]  }
0x8f: {  	[tilespmem:s2], [sflag:$0x2] =	stream.linear.gather [hbm4b:s8+s2], $0x10400, $0x38;
	[tilespmem:$0x10400] =	vst v63  }
0x90: {  	_ =	swait.ge [sflag:s7], $0x10400  }
0x91: {  	[smem:$0x7CE] =	sst s6  }
0x92: {  	s6 =	sld [smem:$0x7CF]  }
0x93: {  	[sflag:s7] =	ssyncset.done $0x0  }
0x94: {  	s19 =	rddreg [dreg:$0x4];
	[sflag:s7] =	ssyncadd.s32 $0xFFFEFC00  }
0x95: {  	[hbm4b:s19+s2] =	stream.linear.scatter [tilespmem:s6], [sflag:$0x1], $0x8000, $0x38;
	[tilespmem:$0x10400] =	vst v63  }
0x96: {  	s7 =	rddreg [dreg:$0x5]  }
0x97: {  	[hbm4b:s7+s2] =	stream.linear.scatter [tilespmem:s6], [sflag:$0x1], $0x8000, $0x38;
	[tilespmem:$0x10400] =	vst v63  }
0x98: {  	s6 =	sld [smem:$0x7D0];
	_ =	sdelay $0x1  }
0x99: {  	s19 =	rddreg [dreg:$0x6]  }
0x9a: {  	[hbm4b:s19+s2] =	stream.linear.scatter [tilespmem:s6], [sflag:$0x1], $0x8000, $0x38;
	[tilespmem:$0x10400] =	vst v63  }
0x9b: {  	s7 =	rddreg [dreg:$0x7]  }
0x9c: {  	[hbm4b:s7+s2] =	stream.linear.scatter [tilespmem:s6], [sflag:$0x1], $0x8000, $0x38;
	[tilespmem:$0x10400] =	vst v63  }
0x9d: {  	s19 =	rddreg [dreg:$0x8]  }
0x9e: {  	[hbm4b:s19+s2] =	stream.linear.scatter [tilespmem:s9], [sflag:$0x1], $0x8000, $0x38;
	[tilespmem:$0x10400] =	vst v63  }
0x9f: {  	s6 =	rddreg [dreg:$0x9]  }
0xa0: {  	[hbm4b:s6+s2] =	stream.linear.scatter [tilespmem:s9], [sflag:$0x1], $0x8000, $0x38;
	[tilespmem:$0x10400] =	vst v63  }
0xa1: {  	s19 =	rddreg [dreg:$0xa]  }
0xa2: {  	[hbm4b:s19+s2] =	stream.linear.scatter [tilespmem:s10], [sflag:$0x1], $0x8000, $0x38;
	[tilespmem:$0x10400] =	vst v63  }
0xa3: {  	s6 =	rddreg [dreg:$0xb]  }
0xa4: {  	[hbm4b:s6+s2] =	stream.linear.scatter [tilespmem:s10], [sflag:$0x1], $0x8000, $0x38;
	[tilespmem:$0x10400] =	vst v63  }
0xa5: {  	s19 =	rddreg [dreg:$0xc]  }
0xa6: {  	[hbm4b:s19+s2] =	stream.linear.scatter [tilespmem:s11], [sflag:$0x1], $0x8000, $0x38;
	[tilespmem:$0x10400] =	vst v63  }
0xa7: {  	s6 =	rddreg [dreg:$0xd]  }
0xa8: {  	[hbm4b:s6+s2] =	stream.linear.scatter [tilespmem:s11], [sflag:$0x1], $0x8000, $0x38;
	[tilespmem:$0x10400] =	vst v63  }
0xa9: {  	s19 =	rddreg [dreg:$0xe]  }
0xaa: {  	[hbm4b:s19+s2] =	stream.linear.scatter [tilespmem:s12], [sflag:$0x1], $0x8000, $0x38;
	[tilespmem:$0x10400] =	vst v63  }
0xab: {  	s6 =	rddreg [dreg:$0xf]  }
0xac: {  	[hbm4b:s6+s2] =	stream.linear.scatter [tilespmem:s12], [sflag:$0x1], $0x8000, $0x38;
	[tilespmem:$0x10400] =	vst v63  }
0xad: {  	s19 =	rddreg [dreg:$0x10]  }
0xae: {  	[hbm4b:s19+s2] =	stream.linear.scatter [tilespmem:s13], [sflag:$0x1], $0x8000, $0x38;
	[tilespmem:$0x10400] =	vst v63  }
0xaf: {  	s6 =	rddreg [dreg:$0x11]  }
0xb0: {  	[hbm4b:s6+s2] =	stream.linear.scatter [tilespmem:s13], [sflag:$0x1], $0x8000, $0x38;
	[tilespmem:$0x10400] =	vst v63  }
0xb1: {  	s19 =	rddreg [dreg:$0x12]  }
0xb2: {  	[hbm4b:s19+s2] =	stream.linear.scatter [tilespmem:s14], [sflag:$0x1], $0x8000, $0x38;
	[tilespmem:$0x10400] =	vst v63  }
0xb3: {  	s6 =	rddreg [dreg:$0x13]  }
0xb4: {  	[hbm4b:s6+s2] =	stream.linear.scatter [tilespmem:s14], [sflag:$0x1], $0x8000, $0x38;
	[tilespmem:$0x10400] =	vst v63  }
0xb5: {  	s19 =	rddreg [dreg:$0x14]  }
0xb6: {  	[hbm4b:s19+s2] =	stream.linear.scatter [tilespmem:s16], [sflag:$0x1], $0x8000, $0x38;
	[tilespmem:$0x10400] =	vst v63  }
0xb7: {  	_ =	swait.ge [sflag:s15], $0x8000  }
0xb8: {  	[sflag:s15] =	ssyncset.done $0x0  }
0xb9: {  	s6 =	rddreg [dreg:$0x15];
	[sflag:s15] =	ssyncadd.s32 $0xFFFF8000  }
0xba: {  	[hbm4b:s6+s2] =	stream.linear.scatter [tilespmem:s16], [sflag:$0x1], $0x8000, $0x38;
	[tilespmem:$0x10400] =	vst v63  }
0xbb: {  	_ =	swait.ge [sflag:s15], $0x8000  }
0xbc: {  	[sflag:s15] =	ssyncset.done $0x0  }
0xbd: {  	s8 =	rddreg [dreg:$0x16];
	[sflag:s15] =	ssyncadd.s32 $0xFFFF8000  }
0xbe: {  	[hbm4b:s8+s2] =	stream.linear.scatter [tilespmem:s18], [sflag:$0x1], $0x8000, $0x38;
	[tilespmem:$0x10400] =	vst v63  }
0xbf: {  	_ =	swait.ge [sflag:s15], $0x8000  }
0xc0: {  	[sflag:s15] =	ssyncset.done $0x0  }
0xc1: {  	s19 =	rddreg [dreg:$0x17];
	[sflag:s15] =	ssyncadd.s32 $0xFFFF8000  }
0xc2: {  	[hbm4b:s19+s2] =	stream.linear.scatter [tilespmem:s18], [sflag:$0x1], $0x8000, $0x38;
	[tilespmem:$0x10400] =	vst v63  }
0xc3: {  	_ =	swait.ge [sflag:s15], $0x8000  }
0xc4: {  	[sflag:s15] =	ssyncset.done $0x0  }
0xc5: {  	s6 =	rddreg [dreg:$0x18];
	[sflag:s15] =	ssyncadd.s32 $0xFFFF8000  }
0xc6: {  	[hbm4b:s6+s2] =	stream.linear.scatter [tilespmem:s17], [sflag:$0x1], $0x8000, $0x38;
	[tilespmem:$0x10400] =	vst v63  }
0xc7: {  	_ =	swait.ge [sflag:s15], $0x8000  }
0xc8: {  	[sflag:s15] =	ssyncset.done $0x0  }
0xc9: {  	s8 =	rddreg [dreg:$0x19];
	[sflag:s15] =	ssyncadd.s32 $0xFFFF8000  }
0xca: {  	[hbm4b:s8+s2] =	stream.linear.scatter [tilespmem:s17], [sflag:$0x1], $0x8000, $0x38;
	[tilespmem:$0x10400] =	vst v63  }
0xcb: {  	_ =	swait.ge [sflag:s15], $0x8000  }
0xcc: {  	[sflag:s15] =	ssyncset.done $0x0  }
0xcd: {  	s19 =	rddreg [dreg:$0x1a];
	[sflag:s15] =	ssyncadd.s32 $0xFFFF8000  }
0xce: {  	[hbm4b:s19+s2] =	stream.linear.scatter [tilespmem:s20], [sflag:$0x1], $0x8000, $0x38;
	[tilespmem:$0x10400] =	vst v63  }
0xcf: {  	_ =	swait.ge [sflag:s15], $0x8000  }
0xd0: {  	[sflag:s15] =	ssyncset.done $0x0  }
0xd1: {  	s6 =	rddreg [dreg:$0x1b];
	[sflag:s15] =	ssyncadd.s32 $0xFFFF8000  }
0xd2: {  	[hbm4b:s6+s2] =	stream.linear.scatter [tilespmem:s20], [sflag:$0x1], $0x8000, $0x38;
	[tilespmem:$0x10400] =	vst v63  }
0xd3: {  	_ =	swait.ge [sflag:s15], $0x8000  }
0xd4: {  	s19 =	sld [smem:$0x7D1]  }
0xd5: {  	[sflag:s15] =	ssyncset.done $0x0  }
0xd6: {  	s8 =	rddreg [dreg:$0x1c];
	[sflag:s15] =	ssyncadd.s32 $0xFFFF8000  }
0xd7: {  	[hbm4b:s8+s2] =	stream.linear.scatter [tilespmem:s19], [sflag:$0x1], $0x8000, $0x38;
	[tilespmem:$0x10400] =	vst v63  }
0xd8: {  	_ =	swait.ge [sflag:s15], $0x8000  }
0xd9: {  	[sflag:s15] =	ssyncset.done $0x0  }
0xda: {  	s6 =	rddreg [dreg:$0x1d];
	[sflag:s15] =	ssyncadd.s32 $0xFFFF8000  }
0xdb: {  	[hbm4b:s6+s2] =	stream.linear.scatter [tilespmem:s19], [sflag:$0x1], $0x8000, $0x38;
	[tilespmem:$0x10400] =	vst v63  }
0xdc: {  	_ =	swait.ge [sflag:s15], $0x8000  }
0xdd: {  	[sflag:s15] =	ssyncset.done $0x0  }
0xde: {  	s8 =	rddreg [dreg:$0x1e];
	[sflag:s15] =	ssyncadd.s32 $0xFFFF8000  }
0xdf: {  	[hbm4b:s8+s2] =	stream.linear.scatter [tilespmem:s22], [sflag:$0x1], $0x8000, $0x38;
	[tilespmem:$0x10400] =	vst v63  }
0xe0: {  	_ =	swait.ge [sflag:s15], $0x8000  }
0xe1: {  	[sflag:s15] =	ssyncset.done $0x0  }
0xe2: {  	s6 =	rddreg [dreg:$0x1f];
	[sflag:s15] =	ssyncadd.s32 $0xFFFF8000  }
0xe3: {  	[hbm4b:s6+s2] =	stream.linear.scatter [tilespmem:s22], [sflag:$0x1], $0x8000, $0x38;
	[tilespmem:$0x10400] =	vst v63  }
0xe4: {  	_ =	swait.ge [sflag:s15], $0x8000  }
0xe5: {  	s8 =	sld [smem:$0x7D2]  }
0xe6: {  	[sflag:s15] =	ssyncset.done $0x0  }
0xe7: {  	[sflag:s15] =	ssyncadd.s32 $0xFFFF8000  }
0xe8: {  	[hbm4b:s8+s2] =	stream.linear.scatter [tilespmem:s21], [sflag:$0x1], $0x8000, $0x38;
	[tilespmem:$0x10400] =	vst v63  }
0xe9: {  	_ =	swait.ge [sflag:s15], $0x8000  }
0xea: {  	s6 =	sld [smem:$0x7D3]  }
0xeb: {  	[sflag:s15] =	ssyncset.done $0x0  }
0xec: {  	[sflag:s15] =	ssyncadd.s32 $0xFFFF8000  }
0xed: {  	[hbm4b:s6+s2] =	stream.linear.scatter [tilespmem:s21], [sflag:$0x1], $0x8000, $0x38;
	[tilespmem:$0x10400] =	vst v63  }
0xee: {  	_ =	swait.ge [sflag:s15], $0x8000  }
0xef: {  	s8 =	sld [smem:$0x7D4]  }
0xf0: {  	s6 =	sld [smem:$0x7F4]  }
0xf1: {  	[sflag:s15] =	ssyncset.done $0x0  }
0xf2: {  	[sflag:s15] =	ssyncadd.s32 $0xFFFF8000  }
0xf3: {  	[hbm4b:s8+s2] =	stream.linear.scatter [tilespmem:s6], [sflag:$0x1], $0x8000, $0x38;
	[tilespmem:$0x10400] =	vst v63  }
0xf4: {  	_ =	swait.ge [sflag:s15], $0x8000  }
0xf5: {  	s8 =	sld [smem:$0x7D5]  }
0xf6: {  	[sflag:s15] =	ssyncset.done $0x0  }
0xf7: {  	[sflag:s15] =	ssyncadd.s32 $0xFFFF8000  }
0xf8: {  	[hbm4b:s8+s2] =	stream.linear.scatter [tilespmem:s6], [sflag:$0x1], $0x8000, $0x38;
	[tilespmem:$0x10400] =	vst v63  }
0xf9: {  	_ =	swait.ge [sflag:s15], $0x8000  }
0xfa: {  	s8 =	sld [smem:$0x7D6]  }
0xfb: {  	s6 =	sld [smem:$0x7F5]  }
0xfc: {  	[sflag:s15] =	ssyncset.done $0x0  }
0xfd: {  	[sflag:s15] =	ssyncadd.s32 $0xFFFF8000  }
0xfe: {  	[hbm4b:s8+s2] =	stream.linear.scatter [tilespmem:s6], [sflag:$0x1], $0x8000, $0x38;
	[tilespmem:$0x10400] =	vst v63  }
0xff: {  	_ =	swait.ge [sflag:s15], $0x8000  }
0x100: {  	s8 =	sld [smem:$0x7D7]  }
0x101: {  	[sflag:s15] =	ssyncset.done $0x0  }
0x102: {  	[sflag:s15] =	ssyncadd.s32 $0xFFFF8000  }
0x103: {  	[hbm4b:s8+s2] =	stream.linear.scatter [tilespmem:s6], [sflag:$0x1], $0x8000, $0x38;
	[tilespmem:$0x10400] =	vst v63  }
0x104: {  	_ =	swait.ge [sflag:s15], $0x8000  }
0x105: {  	s8 =	sld [smem:$0x7D8]  }
0x106: {  	s6 =	sld [smem:$0x7F7]  }
0x107: {  	[sflag:s15] =	ssyncset.done $0x0  }
0x108: {  	[sflag:s15] =	ssyncadd.s32 $0xFFFF8000  }
0x109: {  	[hbm4b:s8+s2] =	stream.linear.scatter [tilespmem:s6], [sflag:$0x1], $0x8000, $0x38;
	[tilespmem:$0x10400] =	vst v63  }
0x10a: {  	_ =	swait.ge [sflag:s15], $0x8000  }
0x10b: {  	s8 =	sld [smem:$0x7D9]  }
0x10c: {  	[sflag:s15] =	ssyncset.done $0x0  }
0x10d: {  	[sflag:s15] =	ssyncadd.s32 $0xFFFF8000  }
0x10e: {  	[hbm4b:s8+s2] =	stream.linear.scatter [tilespmem:s6], [sflag:$0x1], $0x8000, $0x38;
	[tilespmem:$0x10400] =	vst v63  }
0x10f: {  	_ =	swait.ge [sflag:s15], $0x8000  }
0x110: {  	s8 =	sld [smem:$0x7DA]  }
0x111: {  	s6 =	sld [smem:$0x7F8]  }
0x112: {  	[sflag:s15] =	ssyncset.done $0x0  }
0x113: {  	[sflag:s15] =	ssyncadd.s32 $0xFFFF8000  }
0x114: {  	[hbm4b:s8+s2] =	stream.linear.scatter [tilespmem:s6], [sflag:$0x1], $0x8000, $0x38;
	[tilespmem:$0x10400] =	vst v63  }
0x115: {  	_ =	swait.ge [sflag:s15], $0x8000  }
0x116: {  	s8 =	sld [smem:$0x7DB]  }
0x117: {  	[sflag:s15] =	ssyncset.done $0x0  }
0x118: {  	[sflag:s15] =	ssyncadd.s32 $0xFFFF8000  }
0x119: {  	[hbm4b:s8+s2] =	stream.linear.scatter [tilespmem:s6], [sflag:$0x1], $0x8000, $0x38;
	[tilespmem:$0x10400] =	vst v63  }
0x11a: {  	_ =	swait.ge [sflag:s15], $0x8000  }
0x11b: {  	s8 =	sld [smem:$0x7DC]  }
0x11c: {  	[sflag:s15] =	ssyncset.done $0x0  }
0x11d: {  	[sflag:s15] =	ssyncadd.s32 $0xFFFF8000  }
0x11e: {  	[hbm4b:s8+s2] =	stream.linear.scatter [tilespmem:s1], [sflag:$0x1], $0x8000, $0x38;
	[tilespmem:$0x10400] =	vst v63  }
0x11f: {  	_ =	swait.ge [sflag:s15], $0x8000  }
0x120: {  	s6 =	sld [smem:$0x7DD]  }
0x121: {  	[sflag:s15] =	ssyncset.done $0x0  }
0x122: {  	[sflag:s15] =	ssyncadd.s32 $0xFFFF8000  }
0x123: {  	[hbm4b:s6+s2] =	stream.linear.scatter [tilespmem:s1], [sflag:$0x1], $0x8000, $0x38;
	[tilespmem:$0x10400] =	vst v63  }
0x124: {  	_ =	swait.ge [sflag:s15], $0x8000  }
0x125: {  	s8 =	sld [smem:$0x7DE]  }
0x126: {  	[sflag:s15] =	ssyncset.done $0x0  }
0x127: {  	[sflag:s15] =	ssyncadd.s32 $0xFFFF8000  }
0x128: {  	[hbm4b:s8+s2] =	stream.linear.scatter [tilespmem:s5], [sflag:$0x1], $0x8000, $0x38;
	[tilespmem:$0x10400] =	vst v63  }
0x129: {  	_ =	swait.ge [sflag:s15], $0x8000  }
0x12a: {  	s6 =	sld [smem:$0x7DF]  }
0x12b: {  	[sflag:s15] =	ssyncset.done $0x0  }
0x12c: {  	[sflag:s15] =	ssyncadd.s32 $0xFFFF8000  }
0x12d: {  	[hbm4b:s6+s2] =	stream.linear.scatter [tilespmem:s5], [sflag:$0x1], $0x8000, $0x38;
	[tilespmem:$0x10400] =	vst v63  }
0x12e: {  	_ =	swait.ge [sflag:s15], $0x8000  }
0x12f: {  	s8 =	sld [smem:$0x7E0]  }
0x130: {  	[sflag:s15] =	ssyncset.done $0x0  }
0x131: {  	[sflag:s15] =	ssyncadd.s32 $0xFFFF8000  }
0x132: {  	[hbm4b:s8+s2] =	stream.linear.scatter [tilespmem:s4], [sflag:$0x1], $0x8000, $0x38;
	[tilespmem:$0x10400] =	vst v63  }
0x133: {  	_ =	swait.ge [sflag:s15], $0x8000  }
0x134: {  	s6 =	sld [smem:$0x7E1]  }
0x135: {  	[sflag:s15] =	ssyncset.done $0x0  }
0x136: {  	[sflag:s15] =	ssyncadd.s32 $0xFFFF8000  }
0x137: {  	[hbm4b:s6+s2] =	stream.linear.scatter [tilespmem:s4], [sflag:$0x1], $0x8000, $0x38;
	[tilespmem:$0x10400] =	vst v63  }
0x138: {  	_ =	swait.ge [sflag:s15], $0x8000  }
0x139: {  	s8 =	sld [smem:$0x7E2]  }
0x13a: {  	[sflag:s15] =	ssyncset.done $0x0  }
0x13b: {  	[sflag:s15] =	ssyncadd.s32 $0xFFFF8000  }
0x13c: {  	[hbm4b:s8+s2] =	stream.linear.scatter [tilespmem:s3], [sflag:$0x1], $0x8000, $0x38;
	[tilespmem:$0x10400] =	vst v63  }
0x13d: {  	_ =	swait.ge [sflag:s15], $0x8000  }
0x13e: {  	s6 =	sld [smem:$0x7E3]  }
0x13f: {  	[sflag:s15] =	ssyncset.done $0x0  }
0x140: {  	[sflag:s15] =	ssyncadd.s32 $0xFFFF8000  }
0x141: {  	[hbm4b:s6+s2] =	stream.linear.scatter [tilespmem:s3], [sflag:$0x1], $0x8000, $0x38;
	[tilespmem:$0x10400] =	vst v63  }
0x142: {  	_ =	swait.ge [sflag:s15], $0x8000  }
0x143: {  	s8 =	sld [smem:$0x7E4]  }
0x144: {  	[sflag:s15] =	ssyncset.done $0x0  }
0x145: {  	[sflag:s15] =	ssyncadd.s32 $0xFFFF8000  }
0x146: {  	[hbm4b:s8+s2] =	stream.linear.scatter [tilespmem:s0], [sflag:$0x1], $0x8000, $0x38;
	[tilespmem:$0x10400] =	vst v63  }
0x147: {  	_ =	swait.ge [sflag:s15], $0x8000  }
0x148: {  	s3 =	sld [smem:$0x7E5]  }
0x149: {  	[sflag:s15] =	ssyncset.done $0x0  }
0x14a: {  	[sflag:s15] =	ssyncadd.s32 $0xFFFF8000  }
0x14b: {  	[hbm4b:s3+s2] =	stream.linear.scatter [tilespmem:s0], [sflag:$0x1], $0x8000, $0x38;
	[tilespmem:$0x10400] =	vst v63  }
0x14c: {  	_ =	swait.ge [sflag:s15], $0x8000  }
0x14d: {  	s6 =	sld [smem:$0x7E6]  }
0x14e: {  	[sflag:s15] =	ssyncset.done $0x0  }
0x14f: {  	[sflag:s15] =	ssyncadd.s32 $0xFFFF8000  }
0x150: {  	[hbm4b:s6+s2] =	stream.linear.scatter [tilespmem:s31], [sflag:$0x1], $0x8000, $0x38;
	[tilespmem:$0x10400] =	vst v63  }
0x151: {  	_ =	swait.ge [sflag:s15], $0x8000  }
0x152: {  	s8 =	sld [smem:$0x7E7]  }
0x153: {  	[sflag:s15] =	ssyncset.done $0x0  }
0x154: {  	[sflag:s15] =	ssyncadd.s32 $0xFFFF8000  }
0x155: {  	[hbm4b:s8+s2] =	stream.linear.scatter [tilespmem:s31], [sflag:$0x1], $0x8000, $0x38;
	[tilespmem:$0x10400] =	vst v63  }
0x156: {  	_ =	swait.ge [sflag:s15], $0x8000  }
0x157: {  	s3 =	sld [smem:$0x7E8]  }
0x158: {  	[sflag:s15] =	ssyncset.done $0x0  }
0x159: {  	[sflag:s15] =	ssyncadd.s32 $0xFFFF8000  }
0x15a: {  	[hbm4b:s3+s2] =	stream.linear.scatter [tilespmem:s30], [sflag:$0x1], $0x8000, $0x38;
	[tilespmem:$0x10400] =	vst v63  }
0x15b: {  	_ =	swait.ge [sflag:s15], $0x8000  }
0x15c: {  	s6 =	sld [smem:$0x7E9]  }
0x15d: {  	[sflag:s15] =	ssyncset.done $0x0  }
0x15e: {  	[sflag:s15] =	ssyncadd.s32 $0xFFFF8000  }
0x15f: {  	[hbm4b:s6+s2] =	stream.linear.scatter [tilespmem:s30], [sflag:$0x1], $0x8000, $0x38;
	[tilespmem:$0x10400] =	vst v63  }
0x160: {  	_ =	swait.ge [sflag:s15], $0x8000  }
0x161: {  	s8 =	sld [smem:$0x7EA]  }
0x162: {  	[sflag:s15] =	ssyncset.done $0x0  }
0x163: {  	[sflag:s15] =	ssyncadd.s32 $0xFFFF8000  }
0x164: {  	[hbm4b:s8+s2] =	stream.linear.scatter [tilespmem:s29], [sflag:$0x1], $0x8000, $0x38;
	[tilespmem:$0x10400] =	vst v63  }
0x165: {  	_ =	swait.ge [sflag:s15], $0x8000  }
0x166: {  	s3 =	sld [smem:$0x7EB]  }
0x167: {  	[sflag:s15] =	ssyncset.done $0x0  }
0x168: {  	[sflag:s15] =	ssyncadd.s32 $0xFFFF8000  }
0x169: {  	[hbm4b:s3+s2] =	stream.linear.scatter [tilespmem:s29], [sflag:$0x1], $0x8000, $0x38;
	[tilespmem:$0x10400] =	vst v63  }
0x16a: {  	_ =	swait.ge [sflag:s15], $0x8000  }
0x16b: {  	s6 =	sld [smem:$0x7EC]  }
0x16c: {  	[sflag:s15] =	ssyncset.done $0x0  }
0x16d: {  	[sflag:s15] =	ssyncadd.s32 $0xFFFF8000  }
0x16e: {  	[hbm4b:s6+s2] =	stream.linear.scatter [tilespmem:s28], [sflag:$0x1], $0x8000, $0x38;
	[tilespmem:$0x10400] =	vst v63  }
0x16f: {  	_ =	swait.ge [sflag:s15], $0x8000  }
0x170: {  	s8 =	sld [smem:$0x7ED]  }
0x171: {  	[sflag:s15] =	ssyncset.done $0x0  }
0x172: {  	[sflag:s15] =	ssyncadd.s32 $0xFFFF8000  }
0x173: {  	[hbm4b:s8+s2] =	stream.linear.scatter [tilespmem:s28], [sflag:$0x1], $0x8000, $0x38;
	[tilespmem:$0x10400] =	vst v63  }
0x174: {  	_ =	swait.ge [sflag:s15], $0x8000  }
0x175: {  	s3 =	sld [smem:$0x7EE]  }
0x176: {  	[sflag:s15] =	ssyncset.done $0x0  }
0x177: {  	[sflag:s15] =	ssyncadd.s32 $0xFFFF8000  }
0x178: {  	[hbm4b:s3+s2] =	stream.linear.scatter [tilespmem:s26], [sflag:$0x1], $0x8000, $0x38;
	[tilespmem:$0x10400] =	vst v63  }
0x179: {  	_ =	swait.ge [sflag:s15], $0x8000  }
0x17a: {  	s6 =	sld [smem:$0x7EF]  }
0x17b: {  	[sflag:s15] =	ssyncset.done $0x0  }
0x17c: {  	[sflag:s15] =	ssyncadd.s32 $0xFFFF8000  }
0x17d: {  	[hbm4b:s6+s2] =	stream.linear.scatter [tilespmem:s26], [sflag:$0x1], $0x8000, $0x38;
	[tilespmem:$0x10400] =	vst v63  }
0x17e: {  	_ =	swait.ge [sflag:s15], $0x8000  }
0x17f: {  	s8 =	sld [smem:$0x7F0]  }
0x180: {  	[sflag:s15] =	ssyncset.done $0x0  }
0x181: {  	[sflag:s15] =	ssyncadd.s32 $0xFFFF8000  }
0x182: {  	[hbm4b:s8+s2] =	stream.linear.scatter [tilespmem:s25], [sflag:$0x1], $0x8000, $0x38;
	[tilespmem:$0x10400] =	vst v63  }
0x183: {  	_ =	swait.ge [sflag:s15], $0x8000  }
0x184: {  	s3 =	sld [smem:$0x7F1]  }
0x185: {  	[sflag:s15] =	ssyncset.done $0x0  }
0x186: {  	[sflag:s15] =	ssyncadd.s32 $0xFFFF8000  }
0x187: {  	[hbm4b:s3+s2] =	stream.linear.scatter [tilespmem:s25], [sflag:$0x1], $0x8000, $0x38;
	[tilespmem:$0x10400] =	vst v63  }
0x188: {  	_ =	swait.ge [sflag:s15], $0x8000  }
0x189: {  	s6 =	sld [smem:$0x7F2]  }
0x18a: {  	[sflag:s15] =	ssyncset.done $0x0  }
0x18b: {  	[sflag:s15] =	ssyncadd.s32 $0xFFFF8000  }
0x18c: {  	[hbm4b:s6+s2] =	stream.linear.scatter [tilespmem:s24], [sflag:$0x1], $0x8000, $0x38;
	[tilespmem:$0x10400] =	vst v63  }
0x18d: {  	_ =	swait.ge [sflag:s15], $0x8000  }
0x18e: {  	s8 =	sld [smem:$0x7F3]  }
0x18f: {  	[sflag:s15] =	ssyncset.done $0x0  }
0x190: {  	[sflag:s15] =	ssyncadd.s32 $0xFFFF8000  }
0x191: {  	[hbm4b:s8+s2] =	stream.linear.scatter [tilespmem:s24], [sflag:$0x1], $0x8000, $0x38;
	[tilespmem:$0x10400] =	vst v63  }
0x192: {  	_ =	swait.ge [sflag:s15], $0x8000  }
0x193: {  	s3 =	sld [smem:$0x7F6]  }
0x194: {  	[sflag:s15] =	ssyncset.done $0x0  }
0x195: {  	[sflag:s15] =	ssyncadd.s32 $0xFFFF8000  }
0x196: {  	[hbm4b:s3+s2] =	stream.linear.scatter [tilespmem:s23], [sflag:$0x1], $0x8000, $0x38;
	[tilespmem:$0x10400] =	vst v63  }
0x197: {  	_ =	swait.ge [sflag:s15], $0x8000  }
0x198: {  	s6 =	sld [smem:$0x7F9]  }
0x199: {  	[sflag:s15] =	ssyncset.done $0x0  }
0x19a: {  	[sflag:s15] =	ssyncadd.s32 $0xFFFF8000  }
0x19b: {  	[hbm4b:s6+s2] =	stream.linear.scatter [tilespmem:s23], [sflag:$0x1], $0x8000, $0x38;
	[tilespmem:$0x10400] =	vst v63  }
0x19c: {  	_ =	swait.ge [sflag:s15], $0x8000  }
0x19d: {  	[sflag:s15] =	ssyncset.done $0x0  }
0x19e: {  	[sflag:s15] =	ssyncadd.s32 $0xFFFF8000  }
0x19f: {  	_ =	swait.ge [sflag:s15], $0x8000  }
0x1a0: {  	[sflag:s15] =	ssyncset.done $0x0  }
0x1a1: {  	[sflag:s15] =	ssyncadd.s32 $0xFFFF8000  }
0x1a2: {  	_ =	swait.ge [sflag:s15], $0x8000  }
0x1a3: {  	[sflag:s15] =	ssyncset.done $0x0  }
0x1a4: {  	[sflag:s15] =	ssyncadd.s32 $0xFFFF8000  }
0x1a5: {  	_ =	swait.ge [sflag:s15], $0x8000  }
0x1a6: {  	[sflag:s15] =	ssyncset.done $0x0  }
0x1a7: {  	[sflag:s15] =	ssyncadd.s32 $0xFFFF8000  }
0x1a8: {  	_ =	swait.ge [sflag:s15], $0x8000  }
0x1a9: {  	[sflag:s15] =	ssyncset.done $0x0  }
0x1aa: {  	[sflag:s15] =	ssyncadd.s32 $0xFFFF8000  }
0x1ab: {  	_ =	swait.ge [sflag:s15], $0x8000  }
0x1ac: {  	[sflag:s15] =	ssyncset.done $0x0  }
0x1ad: {  	[sflag:s15] =	ssyncadd.s32 $0xFFFF8000  }
0x1ae: {  	_ =	swait.ge [sflag:s15], $0x8000  }
0x1af: {  	[sflag:s15] =	ssyncset.done $0x0  }
0x1b0: {  	[sflag:s15] =	ssyncadd.s32 $0xFFFF8000  }
0x1b1: {  	_ =	swait.ge [sflag:s15], $0x8000  }
0x1b2: {  	[sflag:s15] =	ssyncset.done $0x0  }
0x1b3: {  	[sflag:s15] =	ssyncadd.s32 $0xFFFF8000  }
0x1b4: {  	_ =	swait.ge [sflag:s15], $0x8000  }
0x1b5: {  	[sflag:s15] =	ssyncset.done $0x0  }
0x1b6: {  	[sflag:s15] =	ssyncadd.s32 $0xFFFF8000  }
0x1b7: {  	_ =	swait.ge [sflag:s15], $0x8000  }
0x1b8: {  	[sflag:s15] =	ssyncset.done $0x0  }
0x1b9: {  	[sflag:s15] =	ssyncadd.s32 $0xFFFF8000  }
0x1ba: {  	_ =	swait.ge [sflag:s15], $0x8000  }
0x1bb: {  	[sflag:s15] =	ssyncset.done $0x0  }
0x1bc: {  	[sflag:s15] =	ssyncadd.s32 $0xFFFF8000  }
0x1bd: {  	_ =	swait.ge [sflag:s15], $0x8000  }
0x1be: {  	[sflag:s15] =	ssyncset.done $0x0  }
0x1bf: {  	[sflag:s15] =	ssyncadd.s32 $0xFFFF8000  }
0x1c0: {  	_ =	swait.ge [sflag:s15], $0x8000  }
0x1c1: {  	[sflag:s15] =	ssyncset.done $0x0  }
0x1c2: {  	[sflag:s15] =	ssyncadd.s32 $0xFFFF8000  }
0x1c3: {  	_ =	swait.ge [sflag:s15], $0x8000  }
0x1c4: {  	[sflag:s15] =	ssyncset.done $0x0  }
0x1c5: {  	[sflag:s15] =	ssyncadd.s32 $0xFFFF8000  }
0x1c6: {  	_ =	swait.ge [sflag:s15], $0x8000  }
0x1c7: {  	[sflag:s15] =	ssyncset.done $0x0  }
0x1c8: {  	[sflag:s15] =	ssyncadd.s32 $0xFFFF8000  }
0x1c9: {  	_ =	swait.ge [sflag:s15], $0x8000  }
0x1ca: {  	s8 =	sld [smem:$0x7CE];
	_ =	sdelay $0x2  }
0x1cb: {  	p1 =	sne.s32 s8, $0x1  }
.Ltmp1:
0x1cc: {  	_ = 	snop;
	(pc) =	sbr.rel @!p1 .LBB2_7-.Ltmp1, $4  }
0x1cd: {  	[sflag:s15] =	ssyncset.done $0x0  }
0x1ce: {  	[sflag:s15] =	ssyncadd.s32 $0xFFFF8000  }
0x1cf: {  	p0 =	por $0x1, $0x1;
	_ =	swait.ge [sflag:s15], $0x8000  }
0x1d0: {  	s7 =	sadd.s32 $0xFFFFFFFF, s8;
	s8 =	rddreg [dreg:$0x3];
	[sflag:s15] =	ssyncset.done $0x0  }
0x1d1: {  	s3 =	smov.u32 s1  }
.LBB2_4:
0x1d2: {  	[sflag:s15] =	ssyncadd.s32 $0xFFFF8000;
	s1 =	simm.s32 $0x2  }
0x1d3: {  	[tilespmem:s2], [sflag:$0x2] =	stream.linear.gather [hbm4b:s8+s2], $0x10400, $0x38;
	[tilespmem:$0x10400] =	vst v63  }
0x1d4: {  	_ =	swait.ge [sflag:s1], $0x10400  }
0x1d5: {  	[sflag:s1] =	ssyncset.done $0x0  }
0x1d6: {  	[sflag:s1] =	ssyncadd.s32 $0xFFFEFC00;
	s1 =	smov.u32 s0;
	s0 =	smov.u32 s31  }
0x1d7: {  	s31 =	smov.u32 s30;
	s30 =	smov.u32 s29;
	s29 =	smov.u32 s28  }
0x1d8: {  	s28 =	smov.u32 s26;
	s26 =	smov.u32 s25;
	s25 =	smov.u32 s24  }
0x1d9: {  	s24 =	smov.u32 s23;
	s23 =	smov.u32 s22;
	s22 =	smov.u32 s21  }
0x1da: {  	s21 =	smov.u32 s20;
	s20 =	smov.u32 s19;
	s19 =	smov.u32 s18  }
0x1db: {  	s18 =	smov.u32 s17;
	s17 =	smov.u32 s16;
	s16 =	smov.u32 s14  }
0x1dc: {  	s14 =	smov.u32 s13;
	s13 =	smov.u32 s12;
	s12 =	smov.u32 s11  }
0x1dd: {  	s11 =	smov.u32 s10;
	s10 =	smov.u32 s9;
	s9 =	sld [smem:$0x7CF]  }
0x1de: {  	_ = 	snop  }
0x1df: {  	s8 =	rddreg [dreg:$0x4]  }
0x1e0: {  	[hbm4b:s8+s2] =	stream.linear.scatter [tilespmem:s9], [sflag:$0x1], $0x8000, $0x38;
	[tilespmem:$0x10400] =	vst v63  }
0x1e1: {  	s6 =	rddreg [dreg:$0x5]  }
0x1e2: {  	[hbm4b:s6+s2] =	stream.linear.scatter [tilespmem:s9], [sflag:$0x1], $0x8000, $0x38;
	[tilespmem:$0x10400] =	vst v63  }
0x1e3: {  	s9 =	smov.u32 s10;
	s10 =	smov.u32 s11;
	s11 =	sld [smem:$0x7D0]  }
0x1e4: {  	_ = 	snop  }
0x1e5: {  	s8 =	rddreg [dreg:$0x6]  }
0x1e6: {  	[hbm4b:s8+s2] =	stream.linear.scatter [tilespmem:s11], [sflag:$0x1], $0x8000, $0x38;
	[tilespmem:$0x10400] =	vst v63  }
0x1e7: {  	s6 =	rddreg [dreg:$0x7]  }
0x1e8: {  	[hbm4b:s6+s2] =	stream.linear.scatter [tilespmem:s11], [sflag:$0x1], $0x8000, $0x38;
	[tilespmem:$0x10400] =	vst v63  }
0x1e9: {  	s8 =	rddreg [dreg:$0x8]  }
0x1ea: {  	[hbm4b:s8+s2] =	stream.linear.scatter [tilespmem:s9], [sflag:$0x1], $0x8000, $0x38;
	[tilespmem:$0x10400] =	vst v63  }
0x1eb: {  	s6 =	rddreg [dreg:$0x9]  }
0x1ec: {  	[hbm4b:s6+s2] =	stream.linear.scatter [tilespmem:s9], [sflag:$0x1], $0x8000, $0x38;
	[tilespmem:$0x10400] =	vst v63  }
0x1ed: {  	s8 =	rddreg [dreg:$0xa]  }
0x1ee: {  	[hbm4b:s8+s2] =	stream.linear.scatter [tilespmem:s10], [sflag:$0x1], $0x8000, $0x38;
	[tilespmem:$0x10400] =	vst v63  }
0x1ef: {  	s6 =	rddreg [dreg:$0xb]  }
0x1f0: {  	[hbm4b:s6+s2] =	stream.linear.scatter [tilespmem:s10], [sflag:$0x1], $0x8000, $0x38;
	[tilespmem:$0x10400] =	vst v63  }
0x1f1: {  	s11 =	smov.u32 s12;
	s8 =	rddreg [dreg:$0xc]  }
0x1f2: {  	[hbm4b:s8+s2] =	stream.linear.scatter [tilespmem:s11], [sflag:$0x1], $0x8000, $0x38;
	[tilespmem:$0x10400] =	vst v63  }
0x1f3: {  	s6 =	rddreg [dreg:$0xd]  }
0x1f4: {  	[hbm4b:s6+s2] =	stream.linear.scatter [tilespmem:s11], [sflag:$0x1], $0x8000, $0x38;
	[tilespmem:$0x10400] =	vst v63  }
0x1f5: {  	s12 =	smov.u32 s13;
	s8 =	rddreg [dreg:$0xe]  }
0x1f6: {  	[hbm4b:s8+s2] =	stream.linear.scatter [tilespmem:s12], [sflag:$0x1], $0x8000, $0x38;
	[tilespmem:$0x10400] =	vst v63  }
0x1f7: {  	s6 =	rddreg [dreg:$0xf]  }
0x1f8: {  	[hbm4b:s6+s2] =	stream.linear.scatter [tilespmem:s12], [sflag:$0x1], $0x8000, $0x38;
	[tilespmem:$0x10400] =	vst v63  }
0x1f9: {  	s13 =	smov.u32 s14;
	s8 =	rddreg [dreg:$0x10]  }
0x1fa: {  	[hbm4b:s8+s2] =	stream.linear.scatter [tilespmem:s13], [sflag:$0x1], $0x8000, $0x38;
	[tilespmem:$0x10400] =	vst v63  }
0x1fb: {  	s6 =	rddreg [dreg:$0x11]  }
0x1fc: {  	[hbm4b:s6+s2] =	stream.linear.scatter [tilespmem:s13], [sflag:$0x1], $0x8000, $0x38;
	[tilespmem:$0x10400] =	vst v63  }
0x1fd: {  	s14 =	smov.u32 s16;
	s8 =	rddreg [dreg:$0x12]  }
0x1fe: {  	[hbm4b:s8+s2] =	stream.linear.scatter [tilespmem:s14], [sflag:$0x1], $0x8000, $0x38;
	[tilespmem:$0x10400] =	vst v63  }
0x1ff: {  	s6 =	rddreg [dreg:$0x13]  }
0x200: {  	[hbm4b:s6+s2] =	stream.linear.scatter [tilespmem:s14], [sflag:$0x1], $0x8000, $0x38;
	[tilespmem:$0x10400] =	vst v63  }
0x201: {  	s16 =	smov.u32 s17;
	s8 =	rddreg [dreg:$0x14]  }
0x202: {  	[hbm4b:s8+s2] =	stream.linear.scatter [tilespmem:s16], [sflag:$0x1], $0x8000, $0x38;
	[tilespmem:$0x10400] =	vst v63  }
0x203: {  	_ =	swait.ge [sflag:s15], $0x8000  }
0x204: {  	[sflag:s15] =	ssyncset.done $0x0  }
0x205: {  	s8 =	rddreg [dreg:$0x15];
	[sflag:s15] =	ssyncadd.s32 $0xFFFF8000  }
0x206: {  	[hbm4b:s8+s2] =	stream.linear.scatter [tilespmem:s16], [sflag:$0x1], $0x8000, $0x38;
	[tilespmem:$0x10400] =	vst v63  }
0x207: {  	_ =	swait.ge [sflag:s15], $0x8000  }
0x208: {  	s17 =	smov.u32 s18;
	[sflag:s15] =	ssyncset.done $0x0  }
0x209: {  	s18 =	smov.u32 s19;
	s8 =	rddreg [dreg:$0x16];
	[sflag:s15] =	ssyncadd.s32 $0xFFFF8000  }
0x20a: {  	[hbm4b:s8+s2] =	stream.linear.scatter [tilespmem:s18], [sflag:$0x1], $0x8000, $0x38;
	[tilespmem:$0x10400] =	vst v63  }
0x20b: {  	_ =	swait.ge [sflag:s15], $0x8000  }
0x20c: {  	[sflag:s15] =	ssyncset.done $0x0  }
0x20d: {  	s8 =	rddreg [dreg:$0x17];
	[sflag:s15] =	ssyncadd.s32 $0xFFFF8000  }
0x20e: {  	[hbm4b:s8+s2] =	stream.linear.scatter [tilespmem:s18], [sflag:$0x1], $0x8000, $0x38;
	[tilespmem:$0x10400] =	vst v63  }
0x20f: {  	_ =	swait.ge [sflag:s15], $0x8000  }
0x210: {  	[sflag:s15] =	ssyncset.done $0x0  }
0x211: {  	s8 =	rddreg [dreg:$0x18];
	[sflag:s15] =	ssyncadd.s32 $0xFFFF8000  }
0x212: {  	[hbm4b:s8+s2] =	stream.linear.scatter [tilespmem:s17], [sflag:$0x1], $0x8000, $0x38;
	[tilespmem:$0x10400] =	vst v63  }
0x213: {  	_ =	swait.ge [sflag:s15], $0x8000  }
0x214: {  	[sflag:s15] =	ssyncset.done $0x0  }
0x215: {  	s8 =	rddreg [dreg:$0x19];
	[sflag:s15] =	ssyncadd.s32 $0xFFFF8000  }
0x216: {  	[hbm4b:s8+s2] =	stream.linear.scatter [tilespmem:s17], [sflag:$0x1], $0x8000, $0x38;
	[tilespmem:$0x10400] =	vst v63  }
0x217: {  	_ =	swait.ge [sflag:s15], $0x8000  }
0x218: {  	s19 =	smov.u32 s20;
	[sflag:s15] =	ssyncset.done $0x0  }
0x219: {  	s20 =	smov.u32 s21;
	s8 =	rddreg [dreg:$0x1a];
	[sflag:s15] =	ssyncadd.s32 $0xFFFF8000  }
0x21a: {  	[hbm4b:s8+s2] =	stream.linear.scatter [tilespmem:s20], [sflag:$0x1], $0x8000, $0x38;
	[tilespmem:$0x10400] =	vst v63  }
0x21b: {  	_ =	swait.ge [sflag:s15], $0x8000  }
0x21c: {  	[sflag:s15] =	ssyncset.done $0x0  }
0x21d: {  	s8 =	rddreg [dreg:$0x1b];
	[sflag:s15] =	ssyncadd.s32 $0xFFFF8000  }
0x21e: {  	[hbm4b:s8+s2] =	stream.linear.scatter [tilespmem:s20], [sflag:$0x1], $0x8000, $0x38;
	[tilespmem:$0x10400] =	vst v63  }
0x21f: {  	_ =	swait.ge [sflag:s15], $0x8000  }
0x220: {  	[sflag:s15] =	ssyncset.done $0x0  }
0x221: {  	s8 =	rddreg [dreg:$0x1c];
	[sflag:s15] =	ssyncadd.s32 $0xFFFF8000  }
0x222: {  	[hbm4b:s8+s2] =	stream.linear.scatter [tilespmem:s19], [sflag:$0x1], $0x8000, $0x38;
	[tilespmem:$0x10400] =	vst v63  }
0x223: {  	_ =	swait.ge [sflag:s15], $0x8000  }
0x224: {  	[sflag:s15] =	ssyncset.done $0x0  }
0x225: {  	s8 =	rddreg [dreg:$0x1d];
	[sflag:s15] =	ssyncadd.s32 $0xFFFF8000  }
0x226: {  	[hbm4b:s8+s2] =	stream.linear.scatter [tilespmem:s19], [sflag:$0x1], $0x8000, $0x38;
	[tilespmem:$0x10400] =	vst v63  }
0x227: {  	_ =	swait.ge [sflag:s15], $0x8000  }
0x228: {  	s21 =	smov.u32 s22;
	[sflag:s15] =	ssyncset.done $0x0  }
0x229: {  	s22 =	smov.u32 s23;
	s8 =	rddreg [dreg:$0x1e];
	[sflag:s15] =	ssyncadd.s32 $0xFFFF8000  }
0x22a: {  	[hbm4b:s8+s2] =	stream.linear.scatter [tilespmem:s22], [sflag:$0x1], $0x8000, $0x38;
	[tilespmem:$0x10400] =	vst v63  }
0x22b: {  	_ =	swait.ge [sflag:s15], $0x8000  }
0x22c: {  	[sflag:s15] =	ssyncset.done $0x0  }
0x22d: {  	s8 =	rddreg [dreg:$0x1f];
	[sflag:s15] =	ssyncadd.s32 $0xFFFF8000  }
0x22e: {  	[hbm4b:s8+s2] =	stream.linear.scatter [tilespmem:s22], [sflag:$0x1], $0x8000, $0x38;
	[tilespmem:$0x10400] =	vst v63  }
0x22f: {  	_ =	swait.ge [sflag:s15], $0x8000  }
0x230: {  	s8 =	sld [smem:$0x7D2]  }
0x231: {  	[sflag:s15] =	ssyncset.done $0x0  }
0x232: {  	[sflag:s15] =	ssyncadd.s32 $0xFFFF8000  }
0x233: {  	[hbm4b:s8+s2] =	stream.linear.scatter [tilespmem:s21], [sflag:$0x1], $0x8000, $0x38;
	[tilespmem:$0x10400] =	vst v63  }
0x234: {  	_ =	swait.ge [sflag:s15], $0x8000  }
0x235: {  	s8 =	sld [smem:$0x7D3]  }
0x236: {  	[sflag:s15] =	ssyncset.done $0x0  }
0x237: {  	[sflag:s15] =	ssyncadd.s32 $0xFFFF8000  }
0x238: {  	[hbm4b:s8+s2] =	stream.linear.scatter [tilespmem:s21], [sflag:$0x1], $0x8000, $0x38;
	[tilespmem:$0x10400] =	vst v63  }
0x239: {  	_ =	swait.ge [sflag:s15], $0x8000  }
0x23a: {  	s6 =	sld [smem:$0x7D4]  }
0x23b: {  	s8 =	sld [smem:$0x7F4]  }
0x23c: {  	[sflag:s15] =	ssyncset.done $0x0  }
0x23d: {  	[sflag:s15] =	ssyncadd.s32 $0xFFFF8000  }
0x23e: {  	[hbm4b:s6+s2] =	stream.linear.scatter [tilespmem:s8], [sflag:$0x1], $0x8000, $0x38;
	[tilespmem:$0x10400] =	vst v63  }
0x23f: {  	_ =	swait.ge [sflag:s15], $0x8000  }
0x240: {  	s6 =	sld [smem:$0x7D5]  }
0x241: {  	[sflag:s15] =	ssyncset.done $0x0  }
0x242: {  	[sflag:s15] =	ssyncadd.s32 $0xFFFF8000  }
0x243: {  	[hbm4b:s6+s2] =	stream.linear.scatter [tilespmem:s8], [sflag:$0x1], $0x8000, $0x38;
	[tilespmem:$0x10400] =	vst v63  }
0x244: {  	_ =	swait.ge [sflag:s15], $0x8000  }
0x245: {  	s6 =	sld [smem:$0x7D6]  }
0x246: {  	s8 =	sld [smem:$0x7F5]  }
0x247: {  	[sflag:s15] =	ssyncset.done $0x0  }
0x248: {  	[sflag:s15] =	ssyncadd.s32 $0xFFFF8000  }
0x249: {  	[hbm4b:s6+s2] =	stream.linear.scatter [tilespmem:s8], [sflag:$0x1], $0x8000, $0x38;
	[tilespmem:$0x10400] =	vst v63  }
0x24a: {  	_ =	swait.ge [sflag:s15], $0x8000  }
0x24b: {  	s6 =	sld [smem:$0x7D7]  }
0x24c: {  	[sflag:s15] =	ssyncset.done $0x0  }
0x24d: {  	[sflag:s15] =	ssyncadd.s32 $0xFFFF8000  }
0x24e: {  	[hbm4b:s6+s2] =	stream.linear.scatter [tilespmem:s8], [sflag:$0x1], $0x8000, $0x38;
	[tilespmem:$0x10400] =	vst v63  }
0x24f: {  	_ =	swait.ge [sflag:s15], $0x8000  }
0x250: {  	s6 =	sld [smem:$0x7D8]  }
0x251: {  	s8 =	sld [smem:$0x7F7]  }
0x252: {  	[sflag:s15] =	ssyncset.done $0x0  }
0x253: {  	[sflag:s15] =	ssyncadd.s32 $0xFFFF8000  }
0x254: {  	[hbm4b:s6+s2] =	stream.linear.scatter [tilespmem:s8], [sflag:$0x1], $0x8000, $0x38;
	[tilespmem:$0x10400] =	vst v63  }
0x255: {  	_ =	swait.ge [sflag:s15], $0x8000  }
0x256: {  	s6 =	sld [smem:$0x7D9]  }
0x257: {  	[sflag:s15] =	ssyncset.done $0x0  }
0x258: {  	[sflag:s15] =	ssyncadd.s32 $0xFFFF8000  }
0x259: {  	[hbm4b:s6+s2] =	stream.linear.scatter [tilespmem:s8], [sflag:$0x1], $0x8000, $0x38;
	[tilespmem:$0x10400] =	vst v63  }
0x25a: {  	_ =	swait.ge [sflag:s15], $0x8000  }
0x25b: {  	s6 =	sld [smem:$0x7DA]  }
0x25c: {  	s8 =	sld [smem:$0x7F8]  }
0x25d: {  	[sflag:s15] =	ssyncset.done $0x0  }
0x25e: {  	[sflag:s15] =	ssyncadd.s32 $0xFFFF8000  }
0x25f: {  	[hbm4b:s6+s2] =	stream.linear.scatter [tilespmem:s8], [sflag:$0x1], $0x8000, $0x38;
	[tilespmem:$0x10400] =	vst v63  }
0x260: {  	_ =	swait.ge [sflag:s15], $0x8000  }
0x261: {  	s6 =	sld [smem:$0x7DB]  }
0x262: {  	[sflag:s15] =	ssyncset.done $0x0  }
0x263: {  	[sflag:s15] =	ssyncadd.s32 $0xFFFF8000  }
0x264: {  	[hbm4b:s6+s2] =	stream.linear.scatter [tilespmem:s8], [sflag:$0x1], $0x8000, $0x38;
	[tilespmem:$0x10400] =	vst v63  }
0x265: {  	_ =	swait.ge [sflag:s15], $0x8000  }
0x266: {  	s8 =	sld [smem:$0x7DC]  }
0x267: {  	[sflag:s15] =	ssyncset.done $0x0  }
0x268: {  	[sflag:s15] =	ssyncadd.s32 $0xFFFF8000  }
0x269: {  	[hbm4b:s8+s2] =	stream.linear.scatter [tilespmem:s3], [sflag:$0x1], $0x8000, $0x38;
	[tilespmem:$0x10400] =	vst v63  }
0x26a: {  	_ =	swait.ge [sflag:s15], $0x8000  }
0x26b: {  	s8 =	sld [smem:$0x7DD]  }
0x26c: {  	[sflag:s15] =	ssyncset.done $0x0  }
0x26d: {  	[sflag:s15] =	ssyncadd.s32 $0xFFFF8000  }
0x26e: {  	[hbm4b:s8+s2] =	stream.linear.scatter [tilespmem:s3], [sflag:$0x1], $0x8000, $0x38;
	[tilespmem:$0x10400] =	vst v63  }
0x26f: {  	_ =	swait.ge [sflag:s15], $0x8000  }
0x270: {  	s8 =	sld [smem:$0x7DE]  }
0x271: {  	[sflag:s15] =	ssyncset.done $0x0  }
0x272: {  	[sflag:s15] =	ssyncadd.s32 $0xFFFF8000  }
0x273: {  	[hbm4b:s8+s2] =	stream.linear.scatter [tilespmem:s5], [sflag:$0x1], $0x8000, $0x38;
	[tilespmem:$0x10400] =	vst v63  }
0x274: {  	_ =	swait.ge [sflag:s15], $0x8000  }
0x275: {  	s8 =	sld [smem:$0x7DF]  }
0x276: {  	[sflag:s15] =	ssyncset.done $0x0  }
0x277: {  	[sflag:s15] =	ssyncadd.s32 $0xFFFF8000  }
0x278: {  	[hbm4b:s8+s2] =	stream.linear.scatter [tilespmem:s5], [sflag:$0x1], $0x8000, $0x38;
	[tilespmem:$0x10400] =	vst v63  }
0x279: {  	_ =	swait.ge [sflag:s15], $0x8000  }
0x27a: {  	s8 =	sld [smem:$0x7E0]  }
0x27b: {  	[sflag:s15] =	ssyncset.done $0x0  }
0x27c: {  	[sflag:s15] =	ssyncadd.s32 $0xFFFF8000  }
0x27d: {  	[hbm4b:s8+s2] =	stream.linear.scatter [tilespmem:s4], [sflag:$0x1], $0x8000, $0x38;
	[tilespmem:$0x10400] =	vst v63  }
0x27e: {  	_ =	swait.ge [sflag:s15], $0x8000  }
0x27f: {  	s8 =	sld [smem:$0x7E1]  }
0x280: {  	[sflag:s15] =	ssyncset.done $0x0  }
0x281: {  	[sflag:s15] =	ssyncadd.s32 $0xFFFF8000  }
0x282: {  	[hbm4b:s8+s2] =	stream.linear.scatter [tilespmem:s4], [sflag:$0x1], $0x8000, $0x38;
	[tilespmem:$0x10400] =	vst v63  }
0x283: {  	_ =	swait.ge [sflag:s15], $0x8000  }
0x284: {  	s6 =	sld [smem:$0x7E2]  }
0x285: {  	s8 =	sld [smem:$0x7FA]  }
0x286: {  	[sflag:s15] =	ssyncset.done $0x0  }
0x287: {  	[sflag:s15] =	ssyncadd.s32 $0xFFFF8000  }
0x288: {  	[hbm4b:s6+s2] =	stream.linear.scatter [tilespmem:s8], [sflag:$0x1], $0x8000, $0x38;
	[tilespmem:$0x10400] =	vst v63  }
0x289: {  	_ =	swait.ge [sflag:s15], $0x8000  }
0x28a: {  	s6 =	sld [smem:$0x7E3]  }
0x28b: {  	[sflag:s15] =	ssyncset.done $0x0  }
0x28c: {  	[sflag:s15] =	ssyncadd.s32 $0xFFFF8000  }
0x28d: {  	[hbm4b:s6+s2] =	stream.linear.scatter [tilespmem:s8], [sflag:$0x1], $0x8000, $0x38;
	[tilespmem:$0x10400] =	vst v63  }
0x28e: {  	_ =	swait.ge [sflag:s15], $0x8000  }
0x28f: {  	s8 =	sld [smem:$0x7E4]  }
0x290: {  	[sflag:s15] =	ssyncset.done $0x0  }
0x291: {  	[sflag:s15] =	ssyncadd.s32 $0xFFFF8000  }
0x292: {  	[hbm4b:s8+s2] =	stream.linear.scatter [tilespmem:s1], [sflag:$0x1], $0x8000, $0x38;
	[tilespmem:$0x10400] =	vst v63  }
0x293: {  	_ =	swait.ge [sflag:s15], $0x8000  }
0x294: {  	s8 =	sld [smem:$0x7E5]  }
0x295: {  	[sflag:s15] =	ssyncset.done $0x0  }
0x296: {  	[sflag:s15] =	ssyncadd.s32 $0xFFFF8000  }
0x297: {  	[hbm4b:s8+s2] =	stream.linear.scatter [tilespmem:s1], [sflag:$0x1], $0x8000, $0x38;
	[tilespmem:$0x10400] =	vst v63  }
0x298: {  	s23 =	smov.u32 s24;
	s24 =	smov.u32 s25;
	_ =	swait.ge [sflag:s15], $0x8000  }
0x299: {  	s25 =	smov.u32 s26;
	s26 =	smov.u32 s28;
	s8 =	sld [smem:$0x7E6]  }
0x29a: {  	s28 =	smov.u32 s29;
	s29 =	smov.u32 s30;
	[sflag:s15] =	ssyncset.done $0x0  }
0x29b: {  	s30 =	smov.u32 s31;
	s31 =	smov.u32 s0;
	[sflag:s15] =	ssyncadd.s32 $0xFFFF8000  }
0x29c: {  	[hbm4b:s8+s2] =	stream.linear.scatter [tilespmem:s31], [sflag:$0x1], $0x8000, $0x38;
	[tilespmem:$0x10400] =	vst v63  }
0x29d: {  	_ =	swait.ge [sflag:s15], $0x8000  }
0x29e: {  	s8 =	sld [smem:$0x7E7]  }
0x29f: {  	[sflag:s15] =	ssyncset.done $0x0  }
0x2a0: {  	[sflag:s15] =	ssyncadd.s32 $0xFFFF8000  }
0x2a1: {  	[hbm4b:s8+s2] =	stream.linear.scatter [tilespmem:s31], [sflag:$0x1], $0x8000, $0x38;
	[tilespmem:$0x10400] =	vst v63  }
0x2a2: {  	_ =	swait.ge [sflag:s15], $0x8000  }
0x2a3: {  	s8 =	sld [smem:$0x7E8]  }
0x2a4: {  	[sflag:s15] =	ssyncset.done $0x0  }
0x2a5: {  	[sflag:s15] =	ssyncadd.s32 $0xFFFF8000  }
0x2a6: {  	[hbm4b:s8+s2] =	stream.linear.scatter [tilespmem:s30], [sflag:$0x1], $0x8000, $0x38;
	[tilespmem:$0x10400] =	vst v63  }
0x2a7: {  	_ =	swait.ge [sflag:s15], $0x8000  }
0x2a8: {  	s8 =	sld [smem:$0x7E9]  }
0x2a9: {  	[sflag:s15] =	ssyncset.done $0x0  }
0x2aa: {  	[sflag:s15] =	ssyncadd.s32 $0xFFFF8000  }
0x2ab: {  	[hbm4b:s8+s2] =	stream.linear.scatter [tilespmem:s30], [sflag:$0x1], $0x8000, $0x38;
	[tilespmem:$0x10400] =	vst v63  }
0x2ac: {  	_ =	swait.ge [sflag:s15], $0x8000  }
0x2ad: {  	s8 =	sld [smem:$0x7EA]  }
0x2ae: {  	[sflag:s15] =	ssyncset.done $0x0  }
0x2af: {  	[sflag:s15] =	ssyncadd.s32 $0xFFFF8000  }
0x2b0: {  	[hbm4b:s8+s2] =	stream.linear.scatter [tilespmem:s29], [sflag:$0x1], $0x8000, $0x38;
	[tilespmem:$0x10400] =	vst v63  }
0x2b1: {  	_ =	swait.ge [sflag:s15], $0x8000  }
0x2b2: {  	s8 =	sld [smem:$0x7EB]  }
0x2b3: {  	[sflag:s15] =	ssyncset.done $0x0  }
0x2b4: {  	[sflag:s15] =	ssyncadd.s32 $0xFFFF8000  }
0x2b5: {  	[hbm4b:s8+s2] =	stream.linear.scatter [tilespmem:s29], [sflag:$0x1], $0x8000, $0x38;
	[tilespmem:$0x10400] =	vst v63  }
0x2b6: {  	_ =	swait.ge [sflag:s15], $0x8000  }
0x2b7: {  	s8 =	sld [smem:$0x7EC]  }
0x2b8: {  	[sflag:s15] =	ssyncset.done $0x0  }
0x2b9: {  	[sflag:s15] =	ssyncadd.s32 $0xFFFF8000  }
0x2ba: {  	[hbm4b:s8+s2] =	stream.linear.scatter [tilespmem:s28], [sflag:$0x1], $0x8000, $0x38;
	[tilespmem:$0x10400] =	vst v63  }
0x2bb: {  	_ =	swait.ge [sflag:s15], $0x8000  }
0x2bc: {  	s8 =	sld [smem:$0x7ED]  }
0x2bd: {  	[sflag:s15] =	ssyncset.done $0x0  }
0x2be: {  	[sflag:s15] =	ssyncadd.s32 $0xFFFF8000  }
0x2bf: {  	[hbm4b:s8+s2] =	stream.linear.scatter [tilespmem:s28], [sflag:$0x1], $0x8000, $0x38;
	[tilespmem:$0x10400] =	vst v63  }
0x2c0: {  	_ =	swait.ge [sflag:s15], $0x8000  }
0x2c1: {  	s8 =	sld [smem:$0x7EE]  }
0x2c2: {  	[sflag:s15] =	ssyncset.done $0x0  }
0x2c3: {  	[sflag:s15] =	ssyncadd.s32 $0xFFFF8000  }
0x2c4: {  	[hbm4b:s8+s2] =	stream.linear.scatter [tilespmem:s26], [sflag:$0x1], $0x8000, $0x38;
	[tilespmem:$0x10400] =	vst v63  }
0x2c5: {  	_ =	swait.ge [sflag:s15], $0x8000  }
0x2c6: {  	s8 =	sld [smem:$0x7EF]  }
0x2c7: {  	[sflag:s15] =	ssyncset.done $0x0  }
0x2c8: {  	[sflag:s15] =	ssyncadd.s32 $0xFFFF8000  }
0x2c9: {  	[hbm4b:s8+s2] =	stream.linear.scatter [tilespmem:s26], [sflag:$0x1], $0x8000, $0x38;
	[tilespmem:$0x10400] =	vst v63  }
0x2ca: {  	_ =	swait.ge [sflag:s15], $0x8000  }
0x2cb: {  	s8 =	sld [smem:$0x7F0]  }
0x2cc: {  	[sflag:s15] =	ssyncset.done $0x0  }
0x2cd: {  	[sflag:s15] =	ssyncadd.s32 $0xFFFF8000  }
0x2ce: {  	[hbm4b:s8+s2] =	stream.linear.scatter [tilespmem:s25], [sflag:$0x1], $0x8000, $0x38;
	[tilespmem:$0x10400] =	vst v63  }
0x2cf: {  	_ =	swait.ge [sflag:s15], $0x8000  }
0x2d0: {  	s8 =	sld [smem:$0x7F1]  }
0x2d1: {  	[sflag:s15] =	ssyncset.done $0x0  }
0x2d2: {  	[sflag:s15] =	ssyncadd.s32 $0xFFFF8000  }
0x2d3: {  	[hbm4b:s8+s2] =	stream.linear.scatter [tilespmem:s25], [sflag:$0x1], $0x8000, $0x38;
	[tilespmem:$0x10400] =	vst v63  }
0x2d4: {  	_ =	swait.ge [sflag:s15], $0x8000  }
0x2d5: {  	s8 =	sld [smem:$0x7F2]  }
0x2d6: {  	[sflag:s15] =	ssyncset.done $0x0  }
0x2d7: {  	[sflag:s15] =	ssyncadd.s32 $0xFFFF8000  }
0x2d8: {  	[hbm4b:s8+s2] =	stream.linear.scatter [tilespmem:s24], [sflag:$0x1], $0x8000, $0x38;
	[tilespmem:$0x10400] =	vst v63  }
0x2d9: {  	_ =	swait.ge [sflag:s15], $0x8000  }
0x2da: {  	s8 =	sld [smem:$0x7F3]  }
0x2db: {  	[sflag:s15] =	ssyncset.done $0x0  }
0x2dc: {  	[sflag:s15] =	ssyncadd.s32 $0xFFFF8000  }
0x2dd: {  	[hbm4b:s8+s2] =	stream.linear.scatter [tilespmem:s24], [sflag:$0x1], $0x8000, $0x38;
	[tilespmem:$0x10400] =	vst v63  }
0x2de: {  	_ =	swait.ge [sflag:s15], $0x8000  }
0x2df: {  	s8 =	sld [smem:$0x7F6]  }
0x2e0: {  	[sflag:s15] =	ssyncset.done $0x0  }
0x2e1: {  	[sflag:s15] =	ssyncadd.s32 $0xFFFF8000  }
0x2e2: {  	[hbm4b:s8+s2] =	stream.linear.scatter [tilespmem:s23], [sflag:$0x1], $0x8000, $0x38;
	[tilespmem:$0x10400] =	vst v63  }
0x2e3: {  	_ =	swait.ge [sflag:s15], $0x8000  }
0x2e4: {  	s8 =	sld [smem:$0x7F9]  }
0x2e5: {  	[sflag:s15] =	ssyncset.done $0x0  }
0x2e6: {  	[sflag:s15] =	ssyncadd.s32 $0xFFFF8000  }
0x2e7: {  	[hbm4b:s8+s2] =	stream.linear.scatter [tilespmem:s23], [sflag:$0x1], $0x8000, $0x38;
	[tilespmem:$0x10400] =	vst v63  }
0x2e8: {  	_ =	swait.ge [sflag:s15], $0x8000  }
0x2e9: {  	[sflag:s15] =	ssyncset.done $0x0  }
0x2ea: {  	[sflag:s15] =	ssyncadd.s32 $0xFFFF8000  }
0x2eb: {  	_ =	swait.ge [sflag:s15], $0x8000  }
0x2ec: {  	[sflag:s15] =	ssyncset.done $0x0  }
0x2ed: {  	[sflag:s15] =	ssyncadd.s32 $0xFFFF8000  }
0x2ee: {  	_ =	swait.ge [sflag:s15], $0x8000  }
0x2ef: {  	[sflag:s15] =	ssyncset.done $0x0  }
0x2f0: {  	[sflag:s15] =	ssyncadd.s32 $0xFFFF8000  }
0x2f1: {  	_ =	swait.ge [sflag:s15], $0x8000  }
0x2f2: {  	[sflag:s15] =	ssyncset.done $0x0  }
0x2f3: {  	[sflag:s15] =	ssyncadd.s32 $0xFFFF8000  }
0x2f4: {  	_ =	swait.ge [sflag:s15], $0x8000  }
0x2f5: {  	[sflag:s15] =	ssyncset.done $0x0  }
0x2f6: {  	[sflag:s15] =	ssyncadd.s32 $0xFFFF8000  }
0x2f7: {  	_ =	swait.ge [sflag:s15], $0x8000  }
0x2f8: {  	[sflag:s15] =	ssyncset.done $0x0  }
0x2f9: {  	[sflag:s15] =	ssyncadd.s32 $0xFFFF8000  }
0x2fa: {  	_ =	swait.ge [sflag:s15], $0x8000  }
0x2fb: {  	[sflag:s15] =	ssyncset.done $0x0  }
0x2fc: {  	[sflag:s15] =	ssyncadd.s32 $0xFFFF8000  }
0x2fd: {  	_ =	swait.ge [sflag:s15], $0x8000  }
0x2fe: {  	[sflag:s15] =	ssyncset.done $0x0  }
0x2ff: {  	[sflag:s15] =	ssyncadd.s32 $0xFFFF8000  }
0x300: {  	_ =	swait.ge [sflag:s15], $0x8000  }
0x301: {  	[sflag:s15] =	ssyncset.done $0x0  }
0x302: {  	[sflag:s15] =	ssyncadd.s32 $0xFFFF8000  }
0x303: {  	_ =	swait.ge [sflag:s15], $0x8000  }
0x304: {  	[sflag:s15] =	ssyncset.done $0x0  }
0x305: {  	[sflag:s15] =	ssyncadd.s32 $0xFFFF8000  }
0x306: {  	_ =	swait.ge [sflag:s15], $0x8000  }
0x307: {  	[sflag:s15] =	ssyncset.done $0x0  }
0x308: {  	[sflag:s15] =	ssyncadd.s32 $0xFFFF8000  }
0x309: {  	_ =	swait.ge [sflag:s15], $0x8000  }
0x30a: {  	[sflag:s15] =	ssyncset.done $0x0  }
0x30b: {  	[sflag:s15] =	ssyncadd.s32 $0xFFFF8000  }
0x30c: {  	_ =	swait.ge [sflag:s15], $0x8000  }
0x30d: {  	[sflag:s15] =	ssyncset.done $0x0  }
0x30e: {  	[sflag:s15] =	ssyncadd.s32 $0xFFFF8000  }
0x30f: {  	_ =	swait.ge [sflag:s15], $0x8000  }
0x310: {  	[sflag:s15] =	ssyncset.done $0x0  }
0x311: {  	[sflag:s15] =	ssyncadd.s32 $0xFFFF8000  }
0x312: {  	_ =	swait.ge [sflag:s15], $0x8000  }
0x313: {  	[sflag:s15] =	ssyncset.done $0x0  }
0x314: {  	p1 =	sne.s32 s7, $0x1;
	[sflag:s15] =	ssyncadd.s32 $0xFFFF8000  }
.Ltmp2:
0x315: {  	_ =	swait.ge [sflag:s15], $0x8000;
	(pc) =	sbr.rel @p1 .LBB2_4-.Ltmp2, $4  }
0x316: {  	[sflag:s15] =	ssyncset.done $0x0  }
0x317: {  	[sflag:s15] =	ssyncadd.s32 $0xFFFF8000  }
0x318: {  	s7 =	sadd.s32 $0xFFFFFFFF, s7;
	_ =	swait.ge [sflag:s15], $0x8000  }
0x319: {  	s0 =	smov.u32 s1;
	s8 =	rddreg [dreg:$0x3];
	[sflag:s15] =	ssyncset.done $0x0  }
0x31a: {  	s7 =	simm.s32 $0x2  }
.LBB2_6:
0x31b: {  	[sflag:s15] =	ssyncadd.s32 @p0 $0xFFFF8000  }
0x31c: {  	[tilespmem:s2], [sflag:$0x2] =	stream.linear.gather [hbm4b:s8+s2], $0x10400, $0x38;
	[tilespmem:$0x10400] =	vst v63  }
0x31d: {  	_ =	swait.ge [sflag:s7], $0x10400  }
0x31e: {  	s0 =	sld [smem:$0x7CF]  }
0x31f: {  	s6 =	rddreg [dreg:$0x4];
	[sflag:s7] =	ssyncset.done $0x0  }
0x320: {  	s8 =	rddreg [dreg:$0x5];
	[sflag:s7] =	ssyncadd.s32 $0xFFFEFC00  }
0x321: {  	[hbm4b:s6+s2] =	stream.linear.scatter [tilespmem:s0], [sflag:$0x1], $0x8000, $0x38;
	[tilespmem:$0x10400] =	vst v63  }
0x322: {  	s5 =	sld [smem:$0x7D0]  }
0x323: {  	[hbm4b:s8+s2] =	stream.linear.scatter [tilespmem:s0], [sflag:$0x1], $0x8000, $0x38;
	[tilespmem:$0x10400] =	vst v63  }
0x324: {  	s3 =	rddreg [dreg:$0x6]  }
0x325: {  	[hbm4b:s3+s2] =	stream.linear.scatter [tilespmem:s5], [sflag:$0x1], $0x8000, $0x38;
	[tilespmem:$0x10400] =	vst v63  }
0x326: {  	s4 =	rddreg [dreg:$0x7]  }
0x327: {  	[hbm4b:s4+s2] =	stream.linear.scatter [tilespmem:s5], [sflag:$0x1], $0x8000, $0x38;
	[tilespmem:$0x10400] =	vst v63  }
0x328: {  	s0 =	rddreg [dreg:$0x8]  }
0x329: {  	[hbm4b:s0+s2] =	stream.linear.scatter [tilespmem:s9], [sflag:$0x1], $0x8000, $0x38;
	[tilespmem:$0x10400] =	vst v63  }
0x32a: {  	s3 =	rddreg [dreg:$0x9]  }
0x32b: {  	[hbm4b:s3+s2] =	stream.linear.scatter [tilespmem:s9], [sflag:$0x1], $0x8000, $0x38;
	[tilespmem:$0x10400] =	vst v63  }
0x32c: {  	s4 =	rddreg [dreg:$0xa]  }
0x32d: {  	[hbm4b:s4+s2] =	stream.linear.scatter [tilespmem:s10], [sflag:$0x1], $0x8000, $0x38;
	[tilespmem:$0x10400] =	vst v63  }
0x32e: {  	s5 =	rddreg [dreg:$0xb]  }
0x32f: {  	[hbm4b:s5+s2] =	stream.linear.scatter [tilespmem:s10], [sflag:$0x1], $0x8000, $0x38;
	[tilespmem:$0x10400] =	vst v63  }
0x330: {  	s8 =	rddreg [dreg:$0xc]  }
0x331: {  	[hbm4b:s8+s2] =	stream.linear.scatter [tilespmem:s11], [sflag:$0x1], $0x8000, $0x38;
	[tilespmem:$0x10400] =	vst v63  }
0x332: {  	s9 =	rddreg [dreg:$0xd]  }
0x333: {  	[hbm4b:s9+s2] =	stream.linear.scatter [tilespmem:s11], [sflag:$0x1], $0x8000, $0x38;
	[tilespmem:$0x10400] =	vst v63  }
0x334: {  	s10 =	rddreg [dreg:$0xe]  }
0x335: {  	[hbm4b:s10+s2] =	stream.linear.scatter [tilespmem:s12], [sflag:$0x1], $0x8000, $0x38;
	[tilespmem:$0x10400] =	vst v63  }
0x336: {  	s11 =	rddreg [dreg:$0xf]  }
0x337: {  	[hbm4b:s11+s2] =	stream.linear.scatter [tilespmem:s12], [sflag:$0x1], $0x8000, $0x38;
	[tilespmem:$0x10400] =	vst v63  }
0x338: {  	s0 =	rddreg [dreg:$0x10]  }
0x339: {  	[hbm4b:s0+s2] =	stream.linear.scatter [tilespmem:s13], [sflag:$0x1], $0x8000, $0x38;
	[tilespmem:$0x10400] =	vst v63  }
0x33a: {  	s3 =	rddreg [dreg:$0x11]  }
0x33b: {  	[hbm4b:s3+s2] =	stream.linear.scatter [tilespmem:s13], [sflag:$0x1], $0x8000, $0x38;
	[tilespmem:$0x10400] =	vst v63  }
0x33c: {  	s4 =	rddreg [dreg:$0x12]  }
0x33d: {  	[hbm4b:s4+s2] =	stream.linear.scatter [tilespmem:s14], [sflag:$0x1], $0x8000, $0x38;
	[tilespmem:$0x10400] =	vst v63  }
0x33e: {  	s5 =	rddreg [dreg:$0x13]  }
0x33f: {  	[hbm4b:s5+s2] =	stream.linear.scatter [tilespmem:s14], [sflag:$0x1], $0x8000, $0x38;
	[tilespmem:$0x10400] =	vst v63  }
0x340: {  	s8 =	rddreg [dreg:$0x14]  }
0x341: {  	[hbm4b:s8+s2] =	stream.linear.scatter [tilespmem:s16], [sflag:$0x1], $0x8000, $0x38;
	[tilespmem:$0x10400] =	vst v63  }
0x342: {  	_ =	swait.ge [sflag:s15], $0x8000  }
0x343: {  	[sflag:s15] =	ssyncset.done $0x0  }
0x344: {  	s9 =	rddreg [dreg:$0x15];
	[sflag:s15] =	ssyncadd.s32 $0xFFFF8000  }
0x345: {  	[hbm4b:s9+s2] =	stream.linear.scatter [tilespmem:s16], [sflag:$0x1], $0x8000, $0x38;
	[tilespmem:$0x10400] =	vst v63  }
0x346: {  	_ =	swait.ge [sflag:s15], $0x8000  }
0x347: {  	[sflag:s15] =	ssyncset.done $0x0  }
0x348: {  	s10 =	rddreg [dreg:$0x16];
	[sflag:s15] =	ssyncadd.s32 $0xFFFF8000  }
0x349: {  	[hbm4b:s10+s2] =	stream.linear.scatter [tilespmem:s18], [sflag:$0x1], $0x8000, $0x38;
	[tilespmem:$0x10400] =	vst v63  }
0x34a: {  	_ =	swait.ge [sflag:s15], $0x8000  }
0x34b: {  	[sflag:s15] =	ssyncset.done $0x0  }
0x34c: {  	s11 =	rddreg [dreg:$0x17];
	[sflag:s15] =	ssyncadd.s32 $0xFFFF8000  }
0x34d: {  	[hbm4b:s11+s2] =	stream.linear.scatter [tilespmem:s18], [sflag:$0x1], $0x8000, $0x38;
	[tilespmem:$0x10400] =	vst v63  }
0x34e: {  	_ =	swait.ge [sflag:s15], $0x8000  }
0x34f: {  	[sflag:s15] =	ssyncset.done $0x0  }
0x350: {  	s12 =	rddreg [dreg:$0x18];
	[sflag:s15] =	ssyncadd.s32 $0xFFFF8000  }
0x351: {  	[hbm4b:s12+s2] =	stream.linear.scatter [tilespmem:s17], [sflag:$0x1], $0x8000, $0x38;
	[tilespmem:$0x10400] =	vst v63  }
0x352: {  	_ =	swait.ge [sflag:s15], $0x8000  }
0x353: {  	[sflag:s15] =	ssyncset.done $0x0  }
0x354: {  	s13 =	rddreg [dreg:$0x19];
	[sflag:s15] =	ssyncadd.s32 $0xFFFF8000  }
0x355: {  	[hbm4b:s13+s2] =	stream.linear.scatter [tilespmem:s17], [sflag:$0x1], $0x8000, $0x38;
	[tilespmem:$0x10400] =	vst v63  }
0x356: {  	_ =	swait.ge [sflag:s15], $0x8000  }
0x357: {  	[sflag:s15] =	ssyncset.done $0x0  }
0x358: {  	s14 =	rddreg [dreg:$0x1a];
	[sflag:s15] =	ssyncadd.s32 $0xFFFF8000  }
0x359: {  	[hbm4b:s14+s2] =	stream.linear.scatter [tilespmem:s20], [sflag:$0x1], $0x8000, $0x38;
	[tilespmem:$0x10400] =	vst v63  }
0x35a: {  	_ =	swait.ge [sflag:s15], $0x8000  }
0x35b: {  	[sflag:s15] =	ssyncset.done $0x0  }
0x35c: {  	s16 =	rddreg [dreg:$0x1b];
	[sflag:s15] =	ssyncadd.s32 $0xFFFF8000  }
0x35d: {  	[hbm4b:s16+s2] =	stream.linear.scatter [tilespmem:s20], [sflag:$0x1], $0x8000, $0x38;
	[tilespmem:$0x10400] =	vst v63  }
0x35e: {  	_ =	swait.ge [sflag:s15], $0x8000  }
0x35f: {  	[sflag:s15] =	ssyncset.done $0x0  }
0x360: {  	s17 =	rddreg [dreg:$0x1c];
	[sflag:s15] =	ssyncadd.s32 $0xFFFF8000  }
0x361: {  	[hbm4b:s17+s2] =	stream.linear.scatter [tilespmem:s19], [sflag:$0x1], $0x8000, $0x38;
	[tilespmem:$0x10400] =	vst v63  }
0x362: {  	_ =	swait.ge [sflag:s15], $0x8000  }
0x363: {  	[sflag:s15] =	ssyncset.done $0x0  }
0x364: {  	s18 =	rddreg [dreg:$0x1d];
	[sflag:s15] =	ssyncadd.s32 $0xFFFF8000  }
0x365: {  	[hbm4b:s18+s2] =	stream.linear.scatter [tilespmem:s19], [sflag:$0x1], $0x8000, $0x38;
	[tilespmem:$0x10400] =	vst v63  }
0x366: {  	_ =	swait.ge [sflag:s15], $0x8000  }
0x367: {  	[sflag:s15] =	ssyncset.done $0x0  }
0x368: {  	s20 =	rddreg [dreg:$0x1e];
	[sflag:s15] =	ssyncadd.s32 $0xFFFF8000  }
0x369: {  	[hbm4b:s20+s2] =	stream.linear.scatter [tilespmem:s22], [sflag:$0x1], $0x8000, $0x38;
	[tilespmem:$0x10400] =	vst v63  }
0x36a: {  	_ =	swait.ge [sflag:s15], $0x8000  }
0x36b: {  	[sflag:s15] =	ssyncset.done $0x0  }
0x36c: {  	s0 =	rddreg [dreg:$0x1f];
	[sflag:s15] =	ssyncadd.s32 $0xFFFF8000  }
0x36d: {  	[hbm4b:s0+s2] =	stream.linear.scatter [tilespmem:s22], [sflag:$0x1], $0x8000, $0x38;
	[tilespmem:$0x10400] =	vst v63  }
0x36e: {  	_ =	swait.ge [sflag:s15], $0x8000  }
0x36f: {  	s3 =	sld [smem:$0x7D2]  }
0x370: {  	[sflag:s15] =	ssyncset.done $0x0  }
0x371: {  	[sflag:s15] =	ssyncadd.s32 $0xFFFF8000  }
0x372: {  	[hbm4b:s3+s2] =	stream.linear.scatter [tilespmem:s21], [sflag:$0x1], $0x8000, $0x38;
	[tilespmem:$0x10400] =	vst v63  }
0x373: {  	_ =	swait.ge [sflag:s15], $0x8000  }
0x374: {  	s4 =	sld [smem:$0x7D3]  }
0x375: {  	[sflag:s15] =	ssyncset.done $0x0  }
0x376: {  	[sflag:s15] =	ssyncadd.s32 $0xFFFF8000  }
0x377: {  	[hbm4b:s4+s2] =	stream.linear.scatter [tilespmem:s21], [sflag:$0x1], $0x8000, $0x38;
	[tilespmem:$0x10400] =	vst v63  }
0x378: {  	_ =	swait.ge [sflag:s15], $0x8000  }
0x379: {  	s5 =	sld [smem:$0x7D4]  }
0x37a: {  	s0 =	sld [smem:$0x7F4]  }
0x37b: {  	[sflag:s15] =	ssyncset.done $0x0  }
0x37c: {  	[sflag:s15] =	ssyncadd.s32 $0xFFFF8000  }
0x37d: {  	[hbm4b:s5+s2] =	stream.linear.scatter [tilespmem:s0], [sflag:$0x1], $0x8000, $0x38;
	[tilespmem:$0x10400] =	vst v63  }
0x37e: {  	_ =	swait.ge [sflag:s15], $0x8000  }
0x37f: {  	s7 =	sld [smem:$0x7D5]  }
0x380: {  	[sflag:s15] =	ssyncset.done $0x0  }
0x381: {  	[sflag:s15] =	ssyncadd.s32 $0xFFFF8000  }
0x382: {  	[hbm4b:s7+s2] =	stream.linear.scatter [tilespmem:s0], [sflag:$0x1], $0x8000, $0x38;
	[tilespmem:$0x10400] =	vst v63  }
0x383: {  	_ =	swait.ge [sflag:s15], $0x8000  }
0x384: {  	s5 =	sld [smem:$0x7D6]  }
0x385: {  	s8 =	sld [smem:$0x7F5]  }
0x386: {  	[sflag:s15] =	ssyncset.done $0x0  }
0x387: {  	[sflag:s15] =	ssyncadd.s32 $0xFFFF8000  }
0x388: {  	[hbm4b:s5+s2] =	stream.linear.scatter [tilespmem:s8], [sflag:$0x1], $0x8000, $0x38;
	[tilespmem:$0x10400] =	vst v63  }
0x389: {  	_ =	swait.ge [sflag:s15], $0x8000  }
0x38a: {  	s9 =	sld [smem:$0x7D7]  }
0x38b: {  	[sflag:s15] =	ssyncset.done $0x0  }
0x38c: {  	[sflag:s15] =	ssyncadd.s32 $0xFFFF8000  }
0x38d: {  	[hbm4b:s9+s2] =	stream.linear.scatter [tilespmem:s8], [sflag:$0x1], $0x8000, $0x38;
	[tilespmem:$0x10400] =	vst v63  }
0x38e: {  	_ =	swait.ge [sflag:s15], $0x8000  }
0x38f: {  	s4 =	sld [smem:$0x7D8]  }
0x390: {  	s10 =	sld [smem:$0x7F7]  }
0x391: {  	[sflag:s15] =	ssyncset.done $0x0  }
0x392: {  	[sflag:s15] =	ssyncadd.s32 $0xFFFF8000  }
0x393: {  	[hbm4b:s4+s2] =	stream.linear.scatter [tilespmem:s10], [sflag:$0x1], $0x8000, $0x38;
	[tilespmem:$0x10400] =	vst v63  }
0x394: {  	_ =	swait.ge [sflag:s15], $0x8000  }
0x395: {  	s11 =	sld [smem:$0x7D9]  }
0x396: {  	[sflag:s15] =	ssyncset.done $0x0  }
0x397: {  	[sflag:s15] =	ssyncadd.s32 $0xFFFF8000  }
0x398: {  	[hbm4b:s11+s2] =	stream.linear.scatter [tilespmem:s10], [sflag:$0x1], $0x8000, $0x38;
	[tilespmem:$0x10400] =	vst v63  }
0x399: {  	_ =	swait.ge [sflag:s15], $0x8000  }
0x39a: {  	s3 =	sld [smem:$0x7DA]  }
0x39b: {  	s12 =	sld [smem:$0x7F8]  }
0x39c: {  	[sflag:s15] =	ssyncset.done $0x0  }
0x39d: {  	[sflag:s15] =	ssyncadd.s32 $0xFFFF8000  }
0x39e: {  	[hbm4b:s3+s2] =	stream.linear.scatter [tilespmem:s12], [sflag:$0x1], $0x8000, $0x38;
	[tilespmem:$0x10400] =	vst v63  }
0x39f: {  	_ =	swait.ge [sflag:s15], $0x8000  }
0x3a0: {  	s13 =	sld [smem:$0x7DB]  }
0x3a1: {  	[sflag:s15] =	ssyncset.done $0x0  }
0x3a2: {  	[sflag:s15] =	ssyncadd.s32 $0xFFFF8000  }
0x3a3: {  	[hbm4b:s13+s2] =	stream.linear.scatter [tilespmem:s12], [sflag:$0x1], $0x8000, $0x38;
	[tilespmem:$0x10400] =	vst v63  }
0x3a4: {  	_ =	swait.ge [sflag:s15], $0x8000  }
0x3a5: {  	s14 =	sld [smem:$0x7DC]  }
0x3a6: {  	s16 =	sld [smem:$0x7FD]  }
0x3a7: {  	[sflag:s15] =	ssyncset.done $0x0  }
0x3a8: {  	[sflag:s15] =	ssyncadd.s32 $0xFFFF8000  }
0x3a9: {  	[hbm4b:s14+s2] =	stream.linear.scatter [tilespmem:s16], [sflag:$0x1], $0x8000, $0x38;
	[tilespmem:$0x10400] =	vst v63  }
0x3aa: {  	_ =	swait.ge [sflag:s15], $0x8000  }
0x3ab: {  	s17 =	sld [smem:$0x7DD]  }
0x3ac: {  	[sflag:s15] =	ssyncset.done $0x0  }
0x3ad: {  	[sflag:s15] =	ssyncadd.s32 $0xFFFF8000  }
0x3ae: {  	[hbm4b:s17+s2] =	stream.linear.scatter [tilespmem:s16], [sflag:$0x1], $0x8000, $0x38;
	[tilespmem:$0x10400] =	vst v63  }
0x3af: {  	_ =	swait.ge [sflag:s15], $0x8000  }
0x3b0: {  	s18 =	sld [smem:$0x7DE]  }
0x3b1: {  	s19 =	sld [smem:$0x7FC]  }
0x3b2: {  	[sflag:s15] =	ssyncset.done $0x0  }
0x3b3: {  	[sflag:s15] =	ssyncadd.s32 $0xFFFF8000  }
0x3b4: {  	[hbm4b:s18+s2] =	stream.linear.scatter [tilespmem:s19], [sflag:$0x1], $0x8000, $0x38;
	[tilespmem:$0x10400] =	vst v63  }
0x3b5: {  	_ =	swait.ge [sflag:s15], $0x8000  }
0x3b6: {  	s20 =	sld [smem:$0x7DF]  }
0x3b7: {  	[sflag:s15] =	ssyncset.done $0x0  }
0x3b8: {  	[sflag:s15] =	ssyncadd.s32 $0xFFFF8000  }
0x3b9: {  	[hbm4b:s20+s2] =	stream.linear.scatter [tilespmem:s19], [sflag:$0x1], $0x8000, $0x38;
	[tilespmem:$0x10400] =	vst v63  }
0x3ba: {  	_ =	swait.ge [sflag:s15], $0x8000  }
0x3bb: {  	s21 =	sld [smem:$0x7E0]  }
0x3bc: {  	s22 =	sld [smem:$0x7FB]  }
0x3bd: {  	[sflag:s15] =	ssyncset.done $0x0  }
0x3be: {  	[sflag:s15] =	ssyncadd.s32 $0xFFFF8000  }
0x3bf: {  	[hbm4b:s21+s2] =	stream.linear.scatter [tilespmem:s22], [sflag:$0x1], $0x8000, $0x38;
	[tilespmem:$0x10400] =	vst v63  }
0x3c0: {  	_ =	swait.ge [sflag:s15], $0x8000  }
0x3c1: {  	s4 =	sld [smem:$0x7E1]  }
0x3c2: {  	[sflag:s15] =	ssyncset.done $0x0  }
0x3c3: {  	[sflag:s15] =	ssyncadd.s32 $0xFFFF8000  }
0x3c4: {  	[hbm4b:s4+s2] =	stream.linear.scatter [tilespmem:s22], [sflag:$0x1], $0x8000, $0x38;
	[tilespmem:$0x10400] =	vst v63  }
0x3c5: {  	_ =	swait.ge [sflag:s15], $0x8000  }
0x3c6: {  	s5 =	sld [smem:$0x7E2]  }
0x3c7: {  	s6 =	sld [smem:$0x7FA]  }
0x3c8: {  	[sflag:s15] =	ssyncset.done $0x0  }
0x3c9: {  	[sflag:s15] =	ssyncadd.s32 $0xFFFF8000  }
0x3ca: {  	[hbm4b:s5+s2] =	stream.linear.scatter [tilespmem:s6], [sflag:$0x1], $0x8000, $0x38;
	[tilespmem:$0x10400] =	vst v63  }
0x3cb: {  	_ =	swait.ge [sflag:s15], $0x8000  }
0x3cc: {  	s7 =	sld [smem:$0x7E3]  }
0x3cd: {  	[sflag:s15] =	ssyncset.done $0x0  }
0x3ce: {  	[sflag:s15] =	ssyncadd.s32 $0xFFFF8000  }
0x3cf: {  	[hbm4b:s7+s2] =	stream.linear.scatter [tilespmem:s6], [sflag:$0x1], $0x8000, $0x38;
	[tilespmem:$0x10400] =	vst v63  }
0x3d0: {  	_ =	swait.ge [sflag:s15], $0x8000  }
0x3d1: {  	s8 =	sld [smem:$0x7E4]  }
0x3d2: {  	[sflag:s15] =	ssyncset.done $0x0  }
0x3d3: {  	[sflag:s15] =	ssyncadd.s32 $0xFFFF8000  }
0x3d4: {  	[hbm4b:s8+s2] =	stream.linear.scatter [tilespmem:s1], [sflag:$0x1], $0x8000, $0x38;
	[tilespmem:$0x10400] =	vst v63  }
0x3d5: {  	_ =	swait.ge [sflag:s15], $0x8000  }
0x3d6: {  	s9 =	sld [smem:$0x7E5]  }
0x3d7: {  	[sflag:s15] =	ssyncset.done $0x0  }
0x3d8: {  	[sflag:s15] =	ssyncadd.s32 $0xFFFF8000  }
0x3d9: {  	[hbm4b:s9+s2] =	stream.linear.scatter [tilespmem:s1], [sflag:$0x1], $0x8000, $0x38;
	[tilespmem:$0x10400] =	vst v63  }
0x3da: {  	_ =	swait.ge [sflag:s15], $0x8000  }
0x3db: {  	s10 =	sld [smem:$0x7E6]  }
0x3dc: {  	[sflag:s15] =	ssyncset.done $0x0  }
0x3dd: {  	[sflag:s15] =	ssyncadd.s32 $0xFFFF8000  }
0x3de: {  	[hbm4b:s10+s2] =	stream.linear.scatter [tilespmem:s31], [sflag:$0x1], $0x8000, $0x38;
	[tilespmem:$0x10400] =	vst v63  }
0x3df: {  	_ =	swait.ge [sflag:s15], $0x8000  }
0x3e0: {  	s11 =	sld [smem:$0x7E7]  }
0x3e1: {  	[sflag:s15] =	ssyncset.done $0x0  }
0x3e2: {  	[sflag:s15] =	ssyncadd.s32 $0xFFFF8000  }
0x3e3: {  	[hbm4b:s11+s2] =	stream.linear.scatter [tilespmem:s31], [sflag:$0x1], $0x8000, $0x38;
	[tilespmem:$0x10400] =	vst v63  }
0x3e4: {  	_ =	swait.ge [sflag:s15], $0x8000  }
0x3e5: {  	s12 =	sld [smem:$0x7E8]  }
0x3e6: {  	[sflag:s15] =	ssyncset.done $0x0  }
0x3e7: {  	[sflag:s15] =	ssyncadd.s32 $0xFFFF8000  }
0x3e8: {  	[hbm4b:s12+s2] =	stream.linear.scatter [tilespmem:s30], [sflag:$0x1], $0x8000, $0x38;
	[tilespmem:$0x10400] =	vst v63  }
0x3e9: {  	_ =	swait.ge [sflag:s15], $0x8000  }
0x3ea: {  	s13 =	sld [smem:$0x7E9]  }
0x3eb: {  	[sflag:s15] =	ssyncset.done $0x0  }
0x3ec: {  	[sflag:s15] =	ssyncadd.s32 $0xFFFF8000  }
0x3ed: {  	[hbm4b:s13+s2] =	stream.linear.scatter [tilespmem:s30], [sflag:$0x1], $0x8000, $0x38;
	[tilespmem:$0x10400] =	vst v63  }
0x3ee: {  	_ =	swait.ge [sflag:s15], $0x8000  }
0x3ef: {  	s14 =	sld [smem:$0x7EA]  }
0x3f0: {  	[sflag:s15] =	ssyncset.done $0x0  }
0x3f1: {  	[sflag:s15] =	ssyncadd.s32 $0xFFFF8000  }
0x3f2: {  	[hbm4b:s14+s2] =	stream.linear.scatter [tilespmem:s29], [sflag:$0x1], $0x8000, $0x38;
	[tilespmem:$0x10400] =	vst v63  }
0x3f3: {  	_ =	swait.ge [sflag:s15], $0x8000  }
0x3f4: {  	s16 =	sld [smem:$0x7EB]  }
0x3f5: {  	[sflag:s15] =	ssyncset.done $0x0  }
0x3f6: {  	[sflag:s15] =	ssyncadd.s32 $0xFFFF8000  }
0x3f7: {  	[hbm4b:s16+s2] =	stream.linear.scatter [tilespmem:s29], [sflag:$0x1], $0x8000, $0x38;
	[tilespmem:$0x10400] =	vst v63  }
0x3f8: {  	_ =	swait.ge [sflag:s15], $0x8000  }
0x3f9: {  	s17 =	sld [smem:$0x7EC]  }
0x3fa: {  	[sflag:s15] =	ssyncset.done $0x0  }
0x3fb: {  	[sflag:s15] =	ssyncadd.s32 $0xFFFF8000  }
0x3fc: {  	[hbm4b:s17+s2] =	stream.linear.scatter [tilespmem:s28], [sflag:$0x1], $0x8000, $0x38;
	[tilespmem:$0x10400] =	vst v63  }
0x3fd: {  	_ =	swait.ge [sflag:s15], $0x8000  }
0x3fe: {  	s18 =	sld [smem:$0x7ED]  }
0x3ff: {  	[sflag:s15] =	ssyncset.done $0x0  }
0x400: {  	[sflag:s15] =	ssyncadd.s32 $0xFFFF8000  }
0x401: {  	[hbm4b:s18+s2] =	stream.linear.scatter [tilespmem:s28], [sflag:$0x1], $0x8000, $0x38;
	[tilespmem:$0x10400] =	vst v63  }
0x402: {  	_ =	swait.ge [sflag:s15], $0x8000  }
0x403: {  	s19 =	sld [smem:$0x7EE]  }
0x404: {  	[sflag:s15] =	ssyncset.done $0x0  }
0x405: {  	[sflag:s15] =	ssyncadd.s32 $0xFFFF8000  }
0x406: {  	[hbm4b:s19+s2] =	stream.linear.scatter [tilespmem:s26], [sflag:$0x1], $0x8000, $0x38;
	[tilespmem:$0x10400] =	vst v63  }
0x407: {  	_ =	swait.ge [sflag:s15], $0x8000  }
0x408: {  	s20 =	sld [smem:$0x7EF]  }
0x409: {  	[sflag:s15] =	ssyncset.done $0x0  }
0x40a: {  	[sflag:s15] =	ssyncadd.s32 $0xFFFF8000  }
0x40b: {  	[hbm4b:s20+s2] =	stream.linear.scatter [tilespmem:s26], [sflag:$0x1], $0x8000, $0x38;
	[tilespmem:$0x10400] =	vst v63  }
0x40c: {  	_ =	swait.ge [sflag:s15], $0x8000  }
0x40d: {  	s21 =	sld [smem:$0x7F0]  }
0x40e: {  	[sflag:s15] =	ssyncset.done $0x0  }
0x40f: {  	[sflag:s15] =	ssyncadd.s32 $0xFFFF8000  }
0x410: {  	[hbm4b:s21+s2] =	stream.linear.scatter [tilespmem:s25], [sflag:$0x1], $0x8000, $0x38;
	[tilespmem:$0x10400] =	vst v63  }
0x411: {  	_ =	swait.ge [sflag:s15], $0x8000  }
0x412: {  	s22 =	sld [smem:$0x7F1]  }
0x413: {  	[sflag:s15] =	ssyncset.done $0x0  }
0x414: {  	[sflag:s15] =	ssyncadd.s32 $0xFFFF8000  }
0x415: {  	[hbm4b:s22+s2] =	stream.linear.scatter [tilespmem:s25], [sflag:$0x1], $0x8000, $0x38;
	[tilespmem:$0x10400] =	vst v63  }
0x416: {  	_ =	swait.ge [sflag:s15], $0x8000  }
0x417: {  	s26 =	sld [smem:$0x7F2]  }
0x418: {  	[sflag:s15] =	ssyncset.done $0x0  }
0x419: {  	[sflag:s15] =	ssyncadd.s32 $0xFFFF8000  }
0x41a: {  	[hbm4b:s26+s2] =	stream.linear.scatter [tilespmem:s24], [sflag:$0x1], $0x8000, $0x38;
	[tilespmem:$0x10400] =	vst v63  }
0x41b: {  	_ =	swait.ge [sflag:s15], $0x8000  }
0x41c: {  	s28 =	sld [smem:$0x7F3]  }
0x41d: {  	[sflag:s15] =	ssyncset.done $0x0  }
0x41e: {  	[sflag:s15] =	ssyncadd.s32 $0xFFFF8000  }
0x41f: {  	[hbm4b:s28+s2] =	stream.linear.scatter [tilespmem:s24], [sflag:$0x1], $0x8000, $0x38;
	[tilespmem:$0x10400] =	vst v63  }
0x420: {  	_ =	swait.ge [sflag:s15], $0x8000  }
0x421: {  	s29 =	sld [smem:$0x7F6]  }
0x422: {  	[sflag:s15] =	ssyncset.done $0x0  }
0x423: {  	[sflag:s15] =	ssyncadd.s32 $0xFFFF8000  }
0x424: {  	[hbm4b:s29+s2] =	stream.linear.scatter [tilespmem:s23], [sflag:$0x1], $0x8000, $0x38;
	[tilespmem:$0x10400] =	vst v63  }
0x425: {  	_ =	swait.ge [sflag:s15], $0x8000  }
0x426: {  	s30 =	sld [smem:$0x7F9]  }
0x427: {  	[sflag:s15] =	ssyncset.done $0x0  }
0x428: {  	[sflag:s15] =	ssyncadd.s32 $0xFFFF8000  }
0x429: {  	[hbm4b:s30+s2] =	stream.linear.scatter [tilespmem:s23], [sflag:$0x1], $0x8000, $0x38;
	[tilespmem:$0x10400] =	vst v63  }
0x42a: {  	_ =	swait.ge [sflag:s15], $0x8000  }
0x42b: {  	[sflag:s15] =	ssyncset.done $0x0  }
0x42c: {  	[sflag:s15] =	ssyncadd.s32 $0xFFFF8000  }
0x42d: {  	_ =	swait.ge [sflag:s15], $0x8000  }
0x42e: {  	[sflag:s15] =	ssyncset.done $0x0  }
0x42f: {  	[sflag:s15] =	ssyncadd.s32 $0xFFFF8000  }
0x430: {  	_ =	swait.ge [sflag:s15], $0x8000  }
0x431: {  	[sflag:s15] =	ssyncset.done $0x0  }
0x432: {  	[sflag:s15] =	ssyncadd.s32 $0xFFFF8000  }
0x433: {  	_ =	swait.ge [sflag:s15], $0x8000  }
0x434: {  	[sflag:s15] =	ssyncset.done $0x0  }
0x435: {  	[sflag:s15] =	ssyncadd.s32 $0xFFFF8000  }
0x436: {  	_ =	swait.ge [sflag:s15], $0x8000  }
0x437: {  	[sflag:s15] =	ssyncset.done $0x0  }
0x438: {  	[sflag:s15] =	ssyncadd.s32 $0xFFFF8000  }
0x439: {  	_ =	swait.ge [sflag:s15], $0x8000  }
0x43a: {  	[sflag:s15] =	ssyncset.done $0x0  }
0x43b: {  	[sflag:s15] =	ssyncadd.s32 $0xFFFF8000  }
0x43c: {  	_ =	swait.ge [sflag:s15], $0x8000  }
0x43d: {  	[sflag:s15] =	ssyncset.done $0x0  }
0x43e: {  	[sflag:s15] =	ssyncadd.s32 $0xFFFF8000  }
0x43f: {  	_ =	swait.ge [sflag:s15], $0x8000  }
0x440: {  	[sflag:s15] =	ssyncset.done $0x0  }
0x441: {  	[sflag:s15] =	ssyncadd.s32 $0xFFFF8000  }
0x442: {  	_ =	swait.ge [sflag:s15], $0x8000  }
0x443: {  	[sflag:s15] =	ssyncset.done $0x0  }
0x444: {  	[sflag:s15] =	ssyncadd.s32 $0xFFFF8000  }
0x445: {  	_ =	swait.ge [sflag:s15], $0x8000  }
0x446: {  	[sflag:s15] =	ssyncset.done $0x0  }
0x447: {  	[sflag:s15] =	ssyncadd.s32 $0xFFFF8000  }
0x448: {  	_ =	swait.ge [sflag:s15], $0x8000  }
0x449: {  	[sflag:s15] =	ssyncset.done $0x0  }
0x44a: {  	[sflag:s15] =	ssyncadd.s32 $0xFFFF8000  }
0x44b: {  	_ =	swait.ge [sflag:s15], $0x8000  }
0x44c: {  	[sflag:s15] =	ssyncset.done $0x0  }
0x44d: {  	[sflag:s15] =	ssyncadd.s32 $0xFFFF8000  }
0x44e: {  	_ =	swait.ge [sflag:s15], $0x8000  }
0x44f: {  	[sflag:s15] =	ssyncset.done $0x0  }
0x450: {  	[sflag:s15] =	ssyncadd.s32 $0xFFFF8000  }
0x451: {  	_ =	swait.ge [sflag:s15], $0x8000  }
0x452: {  	[sflag:s15] =	ssyncset.done $0x0  }
0x453: {  	[sflag:s15] =	ssyncadd.s32 $0xFFFF8000  }
0x454: {  	_ =	swait.ge [sflag:s15], $0x8000  }
0x455: {  	[sflag:s15] =	ssyncset.done $0x0  }
0x456: {  	[sflag:s15] =	ssyncadd.s32 $0xFFFF8000  }
0x457: {  	_ =	swait.ge [sflag:s15], $0x8000  }
0x458: {  	[sflag:s15] =	ssyncset.done $0x0  }
0x459: {  	[sflag:s15] =	ssyncadd.s32 $0xFFFF8000  }
0x45a: {  	_ =	swait.ge [sflag:s15], $0x8000  }
0x45b: {  	[sflag:s15] =	ssyncset.done $0x0  }
0x45c: {  	[sflag:s15] =	ssyncadd.s32 $0xFFFF8000  }
0x45d: {  	_ =	sfence.sel $0x180000  }
0x45e: {  	[bflag:$0x0] =	sbarrier.arrive $0xFFFF  }
0x45f: {  	_ =	strace $0x90000047  }
0x460: {  	s31 =	stileid.u32;
	[bflag:$0x2] =	sbarrier.arrive $0xFFFF  }
0x461: {  	p0 =	sne.s32 s31, $0x0;
	s0 =	rddreg [dreg:$0x2]  }
0x462: {  	s0 =	sadd.s32 @!p0 $0x100000, s0  }
0x463: {  	[sflag:s0] =	ssyncadd.tile.s32 @!p0 $0x1;
	_ =	shalt  }
.LBB2_1:
.Ltmp3:
0x464: {  	(pc) =	sbr.rel .LBB2_6-.Ltmp3, $2  }
0x465: {  	_ =	sdelay $0x2  }
0x466: {  	s1 =	smov.u32 s0;
	s19 =	sld [smem:$0x7D1]  }
.LBB2_7:
.Ltmp4:
0x467: {  	(pc) =	sbr.rel .LBB2_6-.Ltmp4, $2  }
0x468: {  	_ =	sdelay $0x2  }
0x469: {  	s1 =	smov.u32 s0;
	s7 =	simm.s32 $0x2  }
.Lfunc_end2:
_tile_overlayer_lowered:
.L_overlay_start_2:
0x46a: {  	(tag) =	ssettag $0x2  }
0x46b: {  	s0 =	rddreg [dreg:$0x0];
	s2 =	stileid.u32  }
0x46c: {  	s1 =	rddreg [dreg:$0x1];
	p0 =	sne.s32 s2, $0x0  }
0x46d: {  	s3 =	rddreg [dreg:$0x2];
	[bflag:$0x3] =	sbarrier.arrive $0xFFFF;
	s2 =	simm.s32 @!p0 $0x1C02  }
0x46e: {  	[timem:s3], [sflag:s2] =	dma.local @!p0 [hbm:s0], s1  }
0x46f: {  	s0 =	simm.s32 @!p0 $0x2  }
0x470: {  	_ =	swait.ge @!p0 [sflag:s0], s1  }
0x471: {  	s1 =	ssub.s32 @!p0 $0x0, s1;
	[sflag:s0] =	ssyncset.done @!p0 $0x0  }
0x472: {  	[sflag:s0] =	ssyncadd.s32 @!p0 s1  }
0x473: {  	[bflag:$0x3] =	sbarrier.arrive $0xFFFF  }
0x474: {  	_ =	shalt  }

// kernel: sparse-core-data-format-call.cloned.1.call-start
scs
called_computation_lowered:
.L_overlay_start_0:
0x0: {  	s2 =	sld [smem:$0x3FD9]  }
0x1: {  	s3 =	sld [smem:$0x3FFE];
	_ =	sdelay $0x1  }
0x2: {  	s1 =	srdreg.scid  }
0x3: {  	s0 =	sand.u32 $0x1, s1  }
0x4: {  	s18 =	sshll.u32 s0, $0xA;
	s2 =	sadd.s32 s3, s2  }
0x5: {  	s2 =	sadd.s32 s2, s18  }
0x6: {  	[smem:$0x3FC7] =	sst s2  }
0x7: {  	_ = 	snop  }
0x8: {  	s2 =	sld [smem:$0x3FD0];
	(tm) =	ssettm $0x1  }
0x9: {  	s19 =	sld [smem:$0x3FFB];
	_ =	sdelay $0x3  }
0xa: {  	_ =	strace s19  }
0xb: {  	s3 =	sld [smem:$0x3FFC];
	_ =	sdelay $0x3  }
0xc: {  	_ =	strace s3  }
0xd: {  	s3 =	sld [smem:$0x3FFD];
	_ =	sdelay $0x3  }
0xe: {  	_ =	strace s3  }
0xf: {  	_ =	strace $0x8FFFFFFF  }
0x10: {  	s20 =	sld [smem:$0x3FDB];
	_ =	sdelay $0x1  }
0x11: {  	s4 =	simm.s32 $_scs_section_size  }
0x12: {  	s5 =	simm.s32 $_size__tile_overlayer_lowered;
	s6 =	simm.s32 $_tile_overlayer_lowered  }
0x13: {  	s23 =	simm.s32 $0x1BFF;
	s22 =	sshll.u32 s6, $0x1;
	s3 =	sadd.s32 s4, s20  }
0x14: {  	s7 =	simm.s32 $0x0;
	s21 =	sshll.u32 s5, $0x1;
	s5 =	sadd.s32 s22, s3  }
0x15: {  	[timem:s7], [sflag:s23] =	dma.local [hbm:s5], s21  }
0x16: {  	_ =	swait.ge [sflag:s23], s21  }
0x17: {  	s4 =	ssub.s32 $0x0, s21;
	[sflag:s23] =	ssyncset.done $0x0  }
0x18: {  	[sflag:s23] =	ssyncadd.s32 s4;
	_ =	sdelay $0x1  }
0x19: {  	s24 =	simm.s32 $0x1B8B  }
0x1a: {  	_ =	swait.ge [sflag:s24], $0x1  }
0x1b: {  	[sflag:s24] =	ssyncset.done $0x0  }
0x1c: {  	s26 =	simm.s32 $0x1B8E;
	s25 =	sld [smem:$0x3FFE];
	[sflag:s24] =	ssyncadd.s32 $0xFFFFFFFF  }
0x1d: {  	s27 =	simm.s32 $execute0_lowered;
	[smem:$0x3FD2] =	sst s26  }
0x1e: {  	s5 =	sshll.u32 s27, $0x1;
	_ =	strace $0x80000049;
	[dreg:$0x1] =	wrdreg $0xFFFFFFFF  }
0x1f: {  	s28 =	simm.s32 $_size_execute0_lowered;
	s3 =	sadd.s32 s3, s5;
	[dreg:$0x0] =	wrdreg $0x0  }
0x20: {  	s5 =	sshll.u32 s28, $0x1;
	[dreg:$0x2] =	wrdreg s3  }
0x21: {  	[dreg:$0x3] =	wrdreg s5  }
0x22: {  	[dreg:$0x4] =	wrdreg $0xC0  }
0x23: {  	_ =	task [dreg:s7], $0x5FFFF  }
0x24: {  	[dreg:$0x1] =	wrdreg $0xFFFFFFFF  }
0x25: {  	[dreg:$0x0] =	wrdreg $0x60  }
0x26: {  	[dreg:$0x2] =	wrdreg s25  }
0x27: {  	[dreg:$0x3] =	wrdreg s2  }
0x28: {  	[dreg:$0x4] =	wrdreg $0x9  }
0x29: {  	_ =	task.clear_ibuf [dreg:s7], $0x5FFFF;
	_ =	strace $0x90000049  }
0x2a: {  	s29 =	simm.s32 $0x9;
	_ =	strace $0x8000004B  }
0x2b: {  	_ =	swait.ge [sflag:s29], $0x1  }
0x2c: {  	[sflag:s29] =	ssyncadd.s32 $0xFFFFFFFF  }
0x2d: {  	_ =	strace $0x9000004B  }
0x2e: {  	_ =	sfence  }
0x2f: {  	s30 =	sld [smem:$0x0];
	_ =	sdelay $0x2  }
0x30: {  	s31 =	sshll.u32 s1, $0xD;
	s1 =	sshrl.u32 s1, $0x2  }
0x31: {  	s3 =	sand.u32 $0x4000, s31;
	s1 =	sadd.s32 s1, s30  }
0x32: {  	s0 =	sor.u32 s3, s0;
	s1 =	sshll.u32 s1, $0x11  }
0x33: {  	s0 =	sor.u32 s1, s0  }
0x34: {  	s0 =	sadd.s32 $0x8F2B, s0  }
0x35: {  	[sflag:s0] =	ssyncadd.remote.s32 $0x1  }
0x36: {  	_ =	sfence.sel $0xFFFF  }
0x37: {  	[dreg:$0x0] =	wrdreg $0xFFFFFFFF;
	(pc) =	sbr.abs _section_cstart, $3  }
0x38: {  	[dreg:$0x1] =	wrdreg $0xFFFFFFFF  }
0x39: {  	_ =	task.clear_ibuf [dreg:s7], $0x2FFFF;
	_ =	strace $0x9FFFFFFF  }
0x3a: {  	(tm) =	ssettm $0x7FFFFFFF  }
0x3b: {  	_ =	shalt  }
tec
execute0_lowered:
.L_overlay_start_1:
0x0: {  	(tag) =	ssettag $0x1  }
0x1: {  	s1 =	srdreg.scid  }
0x2: {  	s0 =	stileid.u32;
	s8 =	rddreg [dreg:$0x0]  }
0x3: {  	s2 =	rddreg [dreg:$0x1];
	s7 =	simm.s32 $0x1;
	s1 =	sshll.u32 s1, $0x4  }
0x4: {  	s9 =	simm.s32 $0x2;
	s15 =	simm.s32 $0x0;
	s1 =	sor.u32 s0, s1  }
0x5: {  	s10 =	simm.s32 $0x1000;
	s16 =	simm.s32 $0x0;
	s1 =	sshrl.u32 s1, $0x1  }
0x6: {  	s17 =	simm.s32 $0x0;
	s11 =	simm.s32 $0x0;
	s3 =	sand.u32 $0xE, s1  }
0x7: {  	s14 =	simm.s32 $0x0;
	s4 =	sadd.s32 $0xA00, s8;
	s6 =	ssub.s32 $0x200, s3  }
0x8: {  	s8 =	sadd.s32 $0x2A00, s8;
	s1 =	rddreg [dreg:$0x2];
	s5 =	sand.u32 $0xE, s6  }
.Ltmp0:
0x9: {  	_ =	strace $0x8000004A;
	p0 =	sne.s32 s5, $0x0;
	(pc) =	sbr.rel .LBB1_1-.Ltmp0, $4  }
0xa: {  	s6 =	sshrl.u32 s6, $0x4;
	s5 =	simm.s32 $0x1;
	s7 =	simm.s32 @!p0 $0x0  }
0xb: {  	s12 =	smov.u32 s3;
	[sflag:s5] =	ssyncpa.u1 $0x0;
	s7 =	sadd.s32 s7, s6  }
0xc: {  	p0 =	por $0x0, $0x0;
	s6 =	sand.u32 $0x3, s0;
	s7 =	sshll.u32 s7, $0x2  }
0xd: {  	[sflag:s9] =	ssyncpa.u1 $0x0;
	s13 =	smov.u32 s6;
	s9 =	sor.u32 $0x1, s7  }
.LBB1_7:
0xe: {  	s18 =	sadd.s32 $0x80, s11  }
0xf: {  	s15 =	sadd.s32 $0x10, s12;
	s19 =	smov.u32 s12;
	p2 =	sgt.s32 s18, $0x1FF  }
0x10: {  	s19 =	smov.u32 @p2 s15  }
0x11: {  	s21 =	smov.u32 s13;
	s15 =	sadd.s32 $0x4, s13;
	p3 =	sgt.s32 s19, $0x1FF  }
0x12: {  	s21 =	smov.u32 @p3 s15  }
0x13: {  	s18 =	simm.s32 @p2 $0x0;
	p2 =	sgt.s32 s21, $0x3  }
0x14: {  	p1 =	slt.u32 s14, $0x2;
	s21 =	smov.u32 @p2 s6;
	p2 =	sne.s32 s14, s9  }
.Ltmp1:
0x15: {  	s20 =	simm.s32 @!p1 $0x2;
	(pc) =	sbr.rel @!p2 .LBB1_8-.Ltmp1, $4  }
0x16: {  	s16 =	smov.u32 s12;
	s17 =	smov.u32 s13;
	_ =	swait.ge @!p1 [sflag:s20], $0x4000  }
0x17: {  	p0 =	por !p0, !p0;
	[sflag:s20] =	ssyncset.done @!p1 $0x0;
	s19 =	smov.u32 @p3 s3  }
0x18: {  	s15 =	smov.u32 s11;
	[sflag:s20] =	ssyncadd.s32 @!p1 $0xFFFFC000;
	s11 =	smov.u32 s18  }
0x19: {  	s12 =	smov.u32 s19;
	s14 =	sadd.s32 $0x1, s14;
	s13 =	smov.u32 s21  }
.LBB1_1:
0x1a: {  	p1 =	sge.u32 s14, s7  }
0x1b: {  	s18 =	sxor.u32 @!p1 $0xFFFFFFFF, s14;
	s19 =	sshll.u32 @!p1 s13, $0x16  }
0x1c: {  	s20 =	sshll.u32 @!p1 s12, $0xD;
	s22 =	sshll.u32 @!p1 s11, $0x4;
	s23 =	simm.s32 @!p1 $0x40  }
0x1d: {  	s24 =	simm.s32 @!p1 $0x80;
	s18 =	sshll.u32 @!p1 s18, $0xE;
	s21 =	sadd.s32 @!p1 s19, s20  }
0x1e: {  	s22 =	sand.u32 @!p1 $0x1FF0, s22;
	s19 =	sadd.s32 @!p1 s19, s8;
	s21 =	sadd.s32 @!p1 s4, s21  }
0x1f: {  	s18 =	sand.u32 @!p1 $0x4000, s18;
	s19 =	sadd.s32 @!p1 s20, s19;
	s21 =	sadd.s32 @!p1 s22, s21  }
0x20: {  	[tilespmem:s18], [sflag:$0x1] =	stream.strided.gather @!p1 [hbm4b:s21+s23], $0x2000, s24, s23, $0x38;
	[tilespmem:$0x10100] =	vst v63  }
0x21: {  	s31 =	sadd.s32 $0xFFFFFFFF, s14;
	s19 =	sadd.s32 @!p1 s22, s19;
	s18 =	sor.u32 @!p1 $0x2000, s18  }
0x22: {  	[tilespmem:s18], [sflag:$0x1] =	stream.strided.gather @!p1 [hbm4b:s19+s23], $0x2000, s24, s23, $0x38;
	[tilespmem:$0x10100] =	vst v63  }
0x23: {  	p1 =	sge.u32 s31, s7  }
.Ltmp2:
0x24: {  	_ = 	snop;
	(pc) =	sbr.rel @p1 .LBB1_7-.Ltmp2, $1  }
0x25: {  	_ =	sdelay $0x3  }
0x26: {  	s18 =	simm.s32 $0x1;
	s20 =	sand.u32 $0x1, s14  }
0x27: {  	_ =	swait.ge [sflag:s5], $0x4000;
	s18 =	simm.s32 @!p0 $0x0;
	s20 =	smul.u32 $0x10200, s20  }
0x28: {  	p2 =	por $0x1, $0x1;
	[sflag:s5] =	ssyncset.done $0x0;
	s19 =	smul.u32 $0x10200, s18  }
0x29: {  	s21 =	sshll.u32 s18, $0x10;
	[sflag:s5] =	ssyncadd.s32 $0xFFFFC000;
	s30 =	sshrl.u32 s20, $0x2  }
0x2a: {  	s31 =	sshrl.u32 s21, $0x2;
	s21 =	simm.s32 $0x0;
	s19 =	sshrl.u32 s19, $0x2  }
0x2b: {  	s18 =	sor.u32 $0x8000, s30;
	s20 =	sadd.s32 $0x20, s31;
	s19 =	sor.u32 $0x8000, s19  }
.LBB1_3:
0x2c: {  	s22 =	sshll.u32 s21, $0xD  }
0x2d: {  	s22 =	sand.u32 $0x3FFFE000, s22  }
0x2e: {  	s24 =	sadd.s32 s22, s20  }
0x2f: {  	s31 =	smul.u32 $0x8100, s21;
	v3 =	vld [tilespmem:s24+$0x10]  }
0x30: {  	v1 =	vld [tilespmem:s24+$0xFFFFFFF0]  }
0x31: {  	s21 =	sshra.s32 s31, $0x2;
	v0 =	vld [tilespmem:s24+$0x0]  }
0x32: {  	s21 =	sadd.s32 s21, s19;
	v2 =	vld [tilespmem:s24+$0xFFFFFFE0]  }
0x33: {  	s22 =	sadd.s32 $0x0, s21  }
0x34: {  	p1 =	por p2, p2;
	s23 =	simm.s32 $0x4;
	s24 =	sadd.s32 $0x40, s24;
	[tilespmem:s22+$0x1830 ss:$0x81] =	vst.msk $0xffff, v3  }
.LBB1_4:
0x35: {  	v3 =	vld [tilespmem:s24+$0x10];
	p2 =	sne.s32 s23, $0x1FC;
	[tilespmem:s22+$0x810 ss:$0x81] =	vst.msk $0xffff, v1;
	s25 =	smov.u32 s23;
	s23 =	sadd.s32 $0x4, s23  }
.Ltmp3:
0x36: {  	v1 =	vld [tilespmem:s24+$0xFFFFFFF0];
	[tilespmem:s22+$0x1020 ss:$0x81] =	vst.msk $0xffff, v0;
	(pc) =	sbr.rel @p2 .LBB1_4-.Ltmp3, $4  }
0x37: {  	v0 =	vld [tilespmem:s24+$0x0];
	[tilespmem:s22+$0x0 ss:$0x81] =	vst.msk $0xffff, v2  }
0x38: {  	s22 =	sshra.s32 s25, $0x2;
	v2 =	vld [tilespmem:s24+$0xFFFFFFE0]  }
0x39: {  	s22 =	sadd.s32 s22, s21  }
0x3a: {  	s24 =	sadd.s32 $0x40, s24;
	[tilespmem:s22+$0x1830 ss:$0x81] =	vst.msk $0xffff, v3  }
.Ltmp4:
0x3b: {  	(pc) =	sbr.rel @p1 .LBB1_3-.Ltmp4, $4  }
0x3c: {  	_ = 	snop  }
0x3d: {  	[tilespmem:s22+$0x810 ss:$0x81] =	vst.msk $0xffff, v1  }
0x3e: {  	[tilespmem:s22+$0x1020 ss:$0x81] =	vst.msk $0xffff, v0  }
0x3f: {  	s21 =	simm.s32 $0x1;
	p2 =	por $0x0, $0x0;
	[tilespmem:s22+$0x0 ss:$0x81] =	vst.msk $0xffff, v2  }
0x40: {  	s17 =	sshll.u32 s17, $0x15;
	s19 =	sand.u32 $0xF80, s15  }
.Ltmp5:
0x41: {  	s16 =	sshll.u32 s16, $0xC;
	s17 =	sadd.s32 s2, s17;
	(pc) =	sbr.rel .LBB1_7-.Ltmp5, $4  }
0x42: {  	s20 =	sshrl.u32 s15, $0x3;
	s30 =	sand.u32 $0x7, s15;
	s16 =	sadd.s32 s16, s17  }
0x43: {  	s31 =	sand.u32 $0xF, s20;
	s15 =	sshll.u32 s30, $0x12;
	s16 =	sadd.s32 s19, s16  }
0x44: {  	s15 =	sor.u32 $0x400, s15;
	s16 =	sadd.s32 s31, s16  }
0x45: {  	[hbm4b:s16+s15] =	stream.strided.scatter [tilespmem:s18], [sflag:$0x2], $0x4000, s10, s15, $0x20;
	[tilespmem:$0x10100] =	vst v63  }
.LBB1_8:
0x46: {  	_ =	sfence.sel $0x180000  }
0x47: {  	s2 =	simm.s32 $0x1;
	[bflag:$0x0] =	sbarrier.arrive $0xFFFF  }
0x48: {  	s31 =	simm.s32 $0x2;
	[sflag:s2] =	ssyncpa.u1 $0x1  }
0x49: {  	[sflag:s31] =	ssyncpa.u1 $0x1  }
0x4a: {  	p0 =	sne.s32 s0, $0x0;
	_ =	strace $0x9000004A  }
0x4b: {  	s0 =	sadd.s32 @!p0 $0x100000, s1;
	[bflag:$0x2] =	sbarrier.arrive $0xFFFF  }
0x4c: {  	[sflag:s0] =	ssyncadd.tile.s32 @!p0 $0x1;
	_ =	shalt  }
.Lfunc_end1:
_tile_overlayer_lowered:
.L_overlay_start_2:
0x4d: {  	(tag) =	ssettag $0x2  }
0x4e: {  	s0 =	rddreg [dreg:$0x0];
	s2 =	stileid.u32  }
0x4f: {  	s1 =	rddreg [dreg:$0x1];
	p0 =	sne.s32 s2, $0x0  }
0x50: {  	s3 =	rddreg [dreg:$0x2];
	[bflag:$0x3] =	sbarrier.arrive $0xFFFF;
	s2 =	simm.s32 @!p0 $0x1C01  }
0x51: {  	[timem:s3], [sflag:s2] =	dma.local @!p0 [hbm:s0], s1  }
0x52: {  	s0 =	simm.s32 @!p0 $0x1  }
0x53: {  	_ =	swait.ge @!p0 [sflag:s0], s1  }
0x54: {  	s1 =	ssub.s32 @!p0 $0x0, s1;
	[sflag:s0] =	ssyncset.done @!p0 $0x0  }
0x55: {  	[sflag:s0] =	ssyncadd.s32 @!p0 s1  }
0x56: {  	[bflag:$0x3] =	sbarrier.arrive $0xFFFF  }
0x57: {  	_ =	shalt  }

</sc_bundles>
